<compile_context>
chip_gen: v7x
topology: tpu7x:2x2x1
jax: 0.10.2.dev20260603
libtpu: 0.0.44.dev20260713+nightly
codegen_flags: <defaults>
</compile_context>

<pallas_src>
import functools

import jax
import jax.numpy as jnp
from jax import lax
from jax.experimental import pallas as pl
from jax.experimental.pallas import tpu as pltpu, tpu_sc as plsc

N = 10000
E = 320000
H = 128

NW = 32
K = 80
EPW = E // NW
NBLK = EPW // K
NPAD = 10240
RPS = NPAD // 16
BR = 1024
GRID = NPAD // BR

_mesh = plsc.VectorSubcoreMesh(core_axis_name="c", subcore_axis_name="s")


@functools.partial(
    pl.kernel,
    mesh=_mesh,
    out_type=jax.ShapeDtypeStruct((2, NPAD), jnp.float32),
    scratch_types=[
        pltpu.VMEM((NBLK, K), jnp.int32),
        pltpu.VMEM((K,), jnp.float32),
        pltpu.VMEM((RPS,), jnp.float32),
        pltpu.VMEM_SHARED((NPAD,), jnp.float32),
        pltpu.SemaphoreType.DMA((2,)),
    ],
)
def _deg_sc(dst_hbm, out_hbm, didx, ones_v, zbuf, acc, ssems):
    c = lax.axis_index("c")
    s = lax.axis_index("s")
    wid = s * 2 + c

    def zrow(i, carry):
        zbuf[pl.ds(i * 16, 16)] = jnp.zeros((16,), jnp.float32)
        return carry

    lax.fori_loop(0, RPS // 16, zrow, None)

    def orow(i, carry):
        ones_v[pl.ds(i * 16, 16)] = jnp.full((16,), 1.0, jnp.float32)
        return carry

    lax.fori_loop(0, K // 16, orow, None)

    pltpu.sync_copy(zbuf, acc.at[pl.ds(s * RPS, RPS)])
    pltpu.sync_copy(dst_hbm.at[wid], didx)
    plsc.subcore_barrier()

    def body(b, carry):
        slot = lax.rem(b, 2)

        @pl.when(b >= 2)
        def _():
            pltpu.make_async_copy(ones_v, acc.at[didx.at[b - 2]],
                                  ssems.at[slot]).wait()

        pltpu.async_copy(ones_v, acc.at[didx.at[b]], ssems.at[slot], add=True)
        return carry

    lax.fori_loop(0, NBLK, body, None)
    for t in range(2):
        pltpu.make_async_copy(ones_v, acc.at[didx.at[NBLK - 2 + t]],
                              ssems.at[(NBLK - 2 + t) % 2]).wait()
    plsc.subcore_barrier()
    pltpu.sync_copy(acc.at[pl.ds(s * RPS, RPS)], out_hbm.at[c, pl.ds(s * RPS, RPS)])


@functools.partial(
    pl.kernel,
    mesh=_mesh,
    out_type=jax.ShapeDtypeStruct((2, NPAD, H), jnp.float32),
    scratch_types=[
        pltpu.VMEM((NBLK, K), jnp.int32),
        pltpu.VMEM((2, 1, K), jnp.int32),
        pltpu.VMEM((2, K, H), jnp.float32),
        pltpu.VMEM_SHARED((NPAD, H), jnp.float32),
        pltpu.SemaphoreType.DMA((2,)),
        pltpu.SemaphoreType.DMA((2,)),
        pltpu.SemaphoreType.DMA((2,)),
    ],
)
def _hop_sc(table_hbm, src_hbm, dst_hbm, out_hbm, sidx, didxb, vals, acc,
            gsems, dsems, ssems):
    c = lax.axis_index("c")
    s = lax.axis_index("s")
    wid = s * 2 + c

    def zrow(i, carry):
        for j in range(H // 16):
            vals[0, i, pl.ds(j * 16, 16)] = jnp.zeros((16,), jnp.float32)
        return carry

    lax.fori_loop(0, K, zrow, None)
    for j in range(RPS // K):
        pltpu.sync_copy(vals.at[0], acc.at[pl.ds(s * RPS + j * K, K)])
    pltpu.sync_copy(src_hbm.at[wid], sidx)
    plsc.subcore_barrier()

    pltpu.async_copy(table_hbm.at[sidx.at[0]], vals.at[0], gsems.at[0])
    pltpu.async_copy(dst_hbm.at[wid, pl.ds(0, 1)], didxb.at[0], dsems.at[0])

    def body(b, carry):
        slot = lax.rem(b, 2)
        nslot = lax.rem(b + 1, 2)

        @pl.when(b >= 1)
        def _():
            pltpu.make_async_copy(vals.at[nslot], acc.at[didxb.at[nslot, 0]],
                                  ssems.at[nslot]).wait()

        @pl.when(b + 1 < NBLK)
        def _():
            pltpu.async_copy(table_hbm.at[sidx.at[b + 1]], vals.at[nslot],
                             gsems.at[nslot])
            pltpu.async_copy(dst_hbm.at[wid, pl.ds(b + 1, 1)], didxb.at[nslot],
                             dsems.at[nslot])

        pltpu.make_async_copy(table_hbm.at[sidx.at[b]], vals.at[slot],
                              gsems.at[slot]).wait()
        pltpu.make_async_copy(dst_hbm.at[wid, pl.ds(b, 1)], didxb.at[slot],
                              dsems.at[slot]).wait()
        pltpu.async_copy(vals.at[slot], acc.at[didxb.at[slot, 0]],
                         ssems.at[slot], add=True)
        return carry

    lax.fori_loop(0, NBLK, body, None)
    last = (NBLK - 1) % 2
    pltpu.make_async_copy(vals.at[last], acc.at[didxb.at[last, 0]],
                          ssems.at[last]).wait()
    plsc.subcore_barrier()
    pltpu.sync_copy(acc.at[pl.ds(s * RPS, RPS)], out_hbm.at[c, pl.ds(s * RPS, RPS)])


def _r_of(d_ref):
    deg = d_ref[0] + d_ref[1]
    return lax.rsqrt(jnp.maximum(deg, 1.0))


def _init_body(x_ref, w_ref, b_ref, d_ref, g_ref):
    h = jnp.dot(x_ref[...], w_ref[...], preferred_element_type=jnp.float32)
    g_ref[...] = (h + b_ref[...]) * _r_of(d_ref)


def _mid_body(p_ref, d_ref, w_ref, b_ref, out0_ref, g2_ref):
    r = _r_of(d_ref)
    cur = (p_ref[0] + p_ref[1]) * r
    out0_ref[...] = (
        jnp.dot(cur, w_ref[...], preferred_element_type=jnp.float32) + b_ref[...]
    )
    g2_ref[...] = cur * r


def _fin_body(p_ref, d_ref, w_ref, b_ref, o0_ref, lg_ref, lb_ref,
              wpt_ref, bp_ref, out_ref):
    r = _r_of(d_ref)
    cur = (p_ref[0] + p_ref[1]) * r
    o1 = jnp.dot(cur, w_ref[...], preferred_element_type=jnp.float32) + b_ref[...]
    hm = 0.5 * (o0_ref[...] + o1)
    mu = jnp.mean(hm, axis=1, keepdims=True)
    dc = hm - mu
    var = jnp.mean(dc * dc, axis=1, keepdims=True)
    hn = dc * lax.rsqrt(var + 1e-5) * lg_ref[...] + lb_ref[...]
    hn = jnp.maximum(hn, 0.0)
    logit = jnp.sum(hn * wpt_ref[...], axis=1, keepdims=True) + bp_ref[...]
    out_ref[...] = jax.nn.sigmoid(logit)


def _row_spec():
    return pl.BlockSpec((BR, H), lambda i: (i, 0))


def _full_spec(shape):
    nd = len(shape)
    return pl.BlockSpec(shape, lambda i: (0,) * nd)


def _deg_spec():
    return pl.BlockSpec((2, BR, 1), lambda i: (0, i, 0))


def _pair_spec():
    return pl.BlockSpec((2, BR, H), lambda i: (0, i, 0))


def kernel(x, edge_index, W_init, b_init, W_ord, b_ord, ln_g, ln_b, Wp, bp):
    src2d = edge_index[0].reshape(NW, NBLK, K)
    dst2d = edge_index[1].reshape(NW, NBLK, K)

    deg_p = _deg_sc(dst2d).reshape(2, NPAD, 1)

    g1 = pl.pallas_call(
        _init_body,
        grid=(GRID,),
        in_specs=[_row_spec(), _full_spec((H, H)), _full_spec((1, H)),
                  _deg_spec()],
        out_specs=_row_spec(),
        out_shape=jax.ShapeDtypeStruct((N, H), jnp.float32),
    )(x, W_init, b_init.reshape(1, H), deg_p)

    p1 = _hop_sc(g1, src2d, dst2d)

    out0, g2 = pl.pallas_call(
        _mid_body,
        grid=(GRID,),
        in_specs=[_pair_spec(), _deg_spec(),
                  _full_spec((H, H)), _full_spec((1, H))],
        out_specs=[_row_spec(), _row_spec()],
        out_shape=[jax.ShapeDtypeStruct((N, H), jnp.float32),
                   jax.ShapeDtypeStruct((N, H), jnp.float32)],
    )(p1, deg_p, W_ord[0], b_ord[0].reshape(1, H))

    p2 = _hop_sc(g2, src2d, dst2d)

    pred = pl.pallas_call(
        _fin_body,
        grid=(GRID,),
        in_specs=[_pair_spec(), _deg_spec(),
                  _full_spec((H, H)), _full_spec((1, H)), _row_spec(),
                  _full_spec((1, H)), _full_spec((1, H)),
                  _full_spec((1, H)), _full_spec((1, 1))],
        out_specs=pl.BlockSpec((BR, 1), lambda i: (i, 0)),
        out_shape=jax.ShapeDtypeStruct((N, 1), jnp.float32),
    )(p2, deg_p, W_ord[1], b_ord[1].reshape(1, H), out0,
      ln_g.reshape(1, H), ln_b.reshape(1, H), Wp.reshape(1, H),
      bp.reshape(1, 1))

    return pred.reshape(1, -1)

# --- scband reference (transcript-rebuilt; emitter-appended) ---
"""Pipeline reference for scband-multi-order-gnn-54211077210419 (READ-ONLY COPY).

The authoritative reference and input builder live on the scoring server;
editing this copy changes nothing except your own understanding.
"""

import jax, jax.numpy as jnp
import numpy as np

N = 10000
E = 320000
D_IN = 128
H = 128
ORDER = 2


def setup_inputs(seed: int = 0) -> dict:
    key = jax.random.key(seed)
    ks = jax.random.split(key, 8)
    x = jax.random.normal(ks[0], (N, D_IN), dtype=jnp.float32)
    edge_index = jax.random.randint(ks[1], (2, E), 0, N, dtype=jnp.int32)
    W_init = jax.random.normal(ks[2], (D_IN, H), dtype=jnp.float32) * 0.05
    b_init = jnp.zeros((H,), dtype=jnp.float32)
    W_ord = jax.random.normal(ks[3], (ORDER, H, H), dtype=jnp.float32) * 0.05
    b_ord = jnp.zeros((ORDER, H), dtype=jnp.float32)
    ln_g = jnp.ones((H,), dtype=jnp.float32)
    ln_b = jnp.zeros((H,), dtype=jnp.float32)
    Wp = jax.random.normal(ks[4], (H, 1), dtype=jnp.float32) * 0.05
    bp = jnp.zeros((1,), dtype=jnp.float32)
    return {"x": x, "edge_index": edge_index, "W_init": W_init, "b_init": b_init,
            "W_ord": W_ord, "b_ord": b_ord, "ln_g": ln_g, "ln_b": ln_b,
            "Wp": Wp, "bp": bp}


def reference(x, edge_index, W_init, b_init, W_ord, b_ord, ln_g, ln_b, Wp, bp):
    src = edge_index[0]
    dst = edge_index[1]
    # initial linear projection
    h = x @ W_init + b_init
    # symmetric GCN normalization from in-degree
    deg = jax.ops.segment_sum(jnp.ones((E,), dtype=h.dtype), dst, num_segments=N)
    deg = jnp.clip(deg, 1.0, None)
    norm = jax.lax.rsqrt(deg[src] * deg[dst])
    # multi-order propagation (order hops), combine_mode='mean'
    cur = h
    outs = []
    for k in range(ORDER):
        msgs = cur[src] * norm[:, None]          # gather + scale
        cur = jax.ops.segment_sum(msgs, dst, num_segments=N)  # scatter-add
        outs.append(cur @ W_ord[k] + b_ord[k])
    h = jnp.mean(jnp.stack(outs, axis=0), axis=0)
    # LayerNorm
    mu = jnp.mean(h, axis=-1, keepdims=True)
    var = jnp.var(h, axis=-1, keepdims=True)
    h = (h - mu) / jnp.sqrt(var + 1e-5) * ln_g + ln_b
    h = jax.nn.relu(h)
    # prediction head: Linear(H,1) + Sigmoid, view(batch_size=1, -1)
    pred = jax.nn.sigmoid(h @ Wp + bp)
    return pred.reshape(1, -1)

if __name__ == "__main__":
    import jax
    _d = setup_inputs()
    print(jax.jit(kernel)(*tuple(_d.values())))

</pallas_src>

<mosaic_0001>
#map = affine_map<(d0, d1) -> (0, 0)>
#map1 = affine_map<(d0, d1) -> (0, 0, 0)>
module attributes {stable_mosaic.version = 14 : i64} {
  func.func @_hop_sc(%arg0: i32, %arg1: i32, %arg2: memref<10000x128xf32, #tpu.memory_space<hbm>>, %arg3: memref<32x125x80xi32, #tpu.memory_space<hbm>>, %arg4: memref<32x125x80xi32, #tpu.memory_space<hbm>>, %arg5: memref<2x10240x128xf32, #tpu.memory_space<hbm>>, %arg6: memref<125x80xi32, #tpu.memory_space<vmem>>, %arg7: memref<2x1x80xi32, #tpu.memory_space<vmem>>, %arg8: memref<2x80x128xf32, #tpu.memory_space<vmem>>, %arg9: memref<10240x128xf32, #tpu.memory_space<vmem_shared>>, %arg10: memref<2x!tpu.dma_semaphore, #tpu.memory_space<semaphore_mem>>, %arg11: memref<2x!tpu.dma_semaphore, #tpu.memory_space<semaphore_mem>>, %arg12: memref<2x!tpu.dma_semaphore, #tpu.memory_space<semaphore_mem>>) attributes {dimension_semantics = [#tpu.dimension_semantics<core_parallel>, #tpu.dimension_semantics<subcore_parallel>], iteration_bounds = array<i64: 2, 16>, scalar_prefetch = 0 : i64, scratch_operands = 7 : i64, tpu.core_type = #tpu.core_type<sc_vector_subcore>, window_params = [{transform_indices = #map}, {transform_indices = #map1}, {transform_indices = #map1}, {transform_indices = #map1}]} {
    %mul3A = arith.constant 2 : i32
    %mul3A_0 = arith.muli %arg1, %mul3A : i32
    %add3A = arith.addi %mul3A_0, %arg0 : i32
    %scan3A = arith.constant 0 : i32
    %scan3A_1 = arith.constant 80 : i32
    %scan3A_2 = arith.addi %scan3A, %scan3A_1 : i32
    %scan3A_3 = arith.constant 1 : i32
    scf.for %scan3A_103 = %scan3A to %scan3A_2 step %scan3A_3  : i32 {
      %broadcast_in_dim3A = arith.constant 0.000000e+00 : f32
      %broadcast_in_dim3A_104 = vector.broadcast %broadcast_in_dim3A : f32 to vector<16xf32>
      %swap3A = arith.constant 0 : i32
      %swap3A_105 = arith.index_cast %swap3A : i32 to index
      %swap3A_106 = arith.index_cast %scan3A_103 : i32 to index
      %swap3A_107 = arith.constant 0 : index
      %swap3A_108 = tpu.vector_load %arg8[%swap3A_105, %swap3A_106, %swap3A_107] {strides = array<i32>} : memref<2x80x128xf32, #tpu.memory_space<vmem>>, vector<1x1x16xf32>,
      %swap3A_109 = vector.shape_cast %swap3A_108 : vector<1x1x16xf32> to vector<16xf32>
      %swap3A_110 = vector.shape_cast %broadcast_in_dim3A_104 : vector<16xf32> to vector<1x1x16xf32>
      tpu.vector_store %arg8[%swap3A_105, %swap3A_106, %swap3A_107], %swap3A_110 {strides = array<i32>} : memref<2x80x128xf32, #tpu.memory_space<vmem>>, vector<1x1x16xf32>,
      %broadcast_in_dim3A_111 = arith.constant 0.000000e+00 : f32
      %broadcast_in_dim3A_112 = vector.broadcast %broadcast_in_dim3A_111 : f32 to vector<16xf32>
      %swap3A_113 = arith.constant 0 : i32
      %swap3A_114 = arith.index_cast %swap3A_113 : i32 to index
      %swap3A_115 = arith.index_cast %scan3A_103 : i32 to index
      %swap3A_116 = arith.constant 16 : index
      %swap3A_117 = tpu.vector_load %arg8[%swap3A_114, %swap3A_115, %swap3A_116] {strides = array<i32>} : memref<2x80x128xf32, #tpu.memory_space<vmem>>, vector<1x1x16xf32>,
      %swap3A_118 = vector.shape_cast %swap3A_117 : vector<1x1x16xf32> to vector<16xf32>
      %swap3A_119 = vector.shape_cast %broadcast_in_dim3A_112 : vector<16xf32> to vector<1x1x16xf32>
      tpu.vector_store %arg8[%swap3A_114, %swap3A_115, %swap3A_116], %swap3A_119 {strides = array<i32>} : memref<2x80x128xf32, #tpu.memory_space<vmem>>, vector<1x1x16xf32>,
      %broadcast_in_dim3A_120 = arith.constant 0.000000e+00 : f32
      %broadcast_in_dim3A_121 = vector.broadcast %broadcast_in_dim3A_120 : f32 to vector<16xf32>
      %swap3A_122 = arith.constant 0 : i32
      %swap3A_123 = arith.index_cast %swap3A_122 : i32 to index
      %swap3A_124 = arith.index_cast %scan3A_103 : i32 to index
      %swap3A_125 = arith.constant 32 : index
      %swap3A_126 = tpu.vector_load %arg8[%swap3A_123, %swap3A_124, %swap3A_125] {strides = array<i32>} : memref<2x80x128xf32, #tpu.memory_space<vmem>>, vector<1x1x16xf32>,
      %swap3A_127 = vector.shape_cast %swap3A_126 : vector<1x1x16xf32> to vector<16xf32>
      %swap3A_128 = vector.shape_cast %broadcast_in_dim3A_121 : vector<16xf32> to vector<1x1x16xf32>
      tpu.vector_store %arg8[%swap3A_123, %swap3A_124, %swap3A_125], %swap3A_128 {strides = array<i32>} : memref<2x80x128xf32, #tpu.memory_space<vmem>>, vector<1x1x16xf32>,
      %broadcast_in_dim3A_129 = arith.constant 0.000000e+00 : f32
      %broadcast_in_dim3A_130 = vector.broadcast %broadcast_in_dim3A_129 : f32 to vector<16xf32>
      %swap3A_131 = arith.constant 0 : i32
      %swap3A_132 = arith.index_cast %swap3A_131 : i32 to index
      %swap3A_133 = arith.index_cast %scan3A_103 : i32 to index
      %swap3A_134 = arith.constant 48 : index
      %swap3A_135 = tpu.vector_load %arg8[%swap3A_132, %swap3A_133, %swap3A_134] {strides = array<i32>} : memref<2x80x128xf32, #tpu.memory_space<vmem>>, vector<1x1x16xf32>,
      %swap3A_136 = vector.shape_cast %swap3A_135 : vector<1x1x16xf32> to vector<16xf32>
      %swap3A_137 = vector.shape_cast %broadcast_in_dim3A_130 : vector<16xf32> to vector<1x1x16xf32>
      tpu.vector_store %arg8[%swap3A_132, %swap3A_133, %swap3A_134], %swap3A_137 {strides = array<i32>} : memref<2x80x128xf32, #tpu.memory_space<vmem>>, vector<1x1x16xf32>,
      %broadcast_in_dim3A_138 = arith.constant 0.000000e+00 : f32
      %broadcast_in_dim3A_139 = vector.broadcast %broadcast_in_dim3A_138 : f32 to vector<16xf32>
      %swap3A_140 = arith.constant 0 : i32
      %swap3A_141 = arith.index_cast %swap3A_140 : i32 to index
      %swap3A_142 = arith.index_cast %scan3A_103 : i32 to index
      %swap3A_143 = arith.constant 64 : index
      %swap3A_144 = tpu.vector_load %arg8[%swap3A_141, %swap3A_142, %swap3A_143] {strides = array<i32>} : memref<2x80x128xf32, #tpu.memory_space<vmem>>, vector<1x1x16xf32>,
      %swap3A_145 = vector.shape_cast %swap3A_144 : vector<1x1x16xf32> to vector<16xf32>
      %swap3A_146 = vector.shape_cast %broadcast_in_dim3A_139 : vector<16xf32> to vector<1x1x16xf32>
      tpu.vector_store %arg8[%swap3A_141, %swap3A_142, %swap3A_143], %swap3A_146 {strides = array<i32>} : memref<2x80x128xf32, #tpu.memory_space<vmem>>, vector<1x1x16xf32>,
      %broadcast_in_dim3A_147 = arith.constant 0.000000e+00 : f32
      %broadcast_in_dim3A_148 = vector.broadcast %broadcast_in_dim3A_147 : f32 to vector<16xf32>
      %swap3A_149 = arith.constant 0 : i32
      %swap3A_150 = arith.index_cast %swap3A_149 : i32 to index
      %swap3A_151 = arith.index_cast %scan3A_103 : i32 to index
      %swap3A_152 = arith.constant 80 : index
      %swap3A_153 = tpu.vector_load %arg8[%swap3A_150, %swap3A_151, %swap3A_152] {strides = array<i32>} : memref<2x80x128xf32, #tpu.memory_space<vmem>>, vector<1x1x16xf32>,
      %swap3A_154 = vector.shape_cast %swap3A_153 : vector<1x1x16xf32> to vector<16xf32>
      %swap3A_155 = vector.shape_cast %broadcast_in_dim3A_148 : vector<16xf32> to vector<1x1x16xf32>
      tpu.vector_store %arg8[%swap3A_150, %swap3A_151, %swap3A_152], %swap3A_155 {strides = array<i32>} : memref<2x80x128xf32, #tpu.memory_space<vmem>>, vector<1x1x16xf32>,
      %broadcast_in_dim3A_156 = arith.constant 0.000000e+00 : f32
      %broadcast_in_dim3A_157 = vector.broadcast %broadcast_in_dim3A_156 : f32 to vector<16xf32>
      %swap3A_158 = arith.constant 0 : i32
      %swap3A_159 = arith.index_cast %swap3A_158 : i32 to index
      %swap3A_160 = arith.index_cast %scan3A_103 : i32 to index
      %swap3A_161 = arith.constant 96 : index
      %swap3A_162 = tpu.vector_load %arg8[%swap3A_159, %swap3A_160, %swap3A_161] {strides = array<i32>} : memref<2x80x128xf32, #tpu.memory_space<vmem>>, vector<1x1x16xf32>,
      %swap3A_163 = vector.shape_cast %swap3A_162 : vector<1x1x16xf32> to vector<16xf32>
      %swap3A_164 = vector.shape_cast %broadcast_in_dim3A_157 : vector<16xf32> to vector<1x1x16xf32>
      tpu.vector_store %arg8[%swap3A_159, %swap3A_160, %swap3A_161], %swap3A_164 {strides = array<i32>} : memref<2x80x128xf32, #tpu.memory_space<vmem>>, vector<1x1x16xf32>,
      %broadcast_in_dim3A_165 = arith.constant 0.000000e+00 : f32
      %broadcast_in_dim3A_166 = vector.broadcast %broadcast_in_dim3A_165 : f32 to vector<16xf32>
      %swap3A_167 = arith.constant 0 : i32
      %swap3A_168 = arith.index_cast %swap3A_167 : i32 to index
      %swap3A_169 = arith.index_cast %scan3A_103 : i32 to index
      %swap3A_170 = arith.constant 112 : index
      %swap3A_171 = tpu.vector_load %arg8[%swap3A_168, %swap3A_169, %swap3A_170] {strides = array<i32>} : memref<2x80x128xf32, #tpu.memory_space<vmem>>, vector<1x1x16xf32>,
      %swap3A_172 = vector.shape_cast %swap3A_171 : vector<1x1x16xf32> to vector<16xf32>
      %swap3A_173 = vector.shape_cast %broadcast_in_dim3A_166 : vector<16xf32> to vector<1x1x16xf32>
      tpu.vector_store %arg8[%swap3A_168, %swap3A_169, %swap3A_170], %swap3A_173 {strides = array<i32>} : memref<2x80x128xf32, #tpu.memory_space<vmem>>, vector<1x1x16xf32>,
    }
    %scan3A_4 = arith.constant 80 : i32
    %mul3A_5 = arith.constant 640 : i32
    %mul3A_6 = arith.muli %arg1, %mul3A_5 : i32
    %add3A_7 = arith.constant 0 : i32
    %add3A_8 = arith.addi %mul3A_6, %add3A_7 : i32
    %run_scoped3A = arith.constant 0 : i32
    "tpu.region"() ({
      %run_scoped3A_103 = tpu.sem_alloc : memref<!tpu.dma_semaphore, #tpu.memory_space<semaphore_mem>>
      %dma_start3A_104 = arith.constant 0 : i32
      %dma_start3A_105 = arith.constant 0 : i32
      %dma_start3A_106 = tpu.memref_slice %arg8[%run_scoped3A, %dma_start3A_104, %dma_start3A_105] : memref<2x80x128xf32, #tpu.memory_space<vmem>> -> memref<1x80x128xf32, #tpu.memory_space<vmem>>
      %dma_start3A_107 = tpu.memref_squeeze %dma_start3A_106 : memref<1x80x128xf32, #tpu.memory_space<vmem>> -> memref<80x128xf32, #tpu.memory_space<vmem>>
      %dma_start3A_108 = arith.constant 0 : i32
      %dma_start3A_109 = tpu.memref_slice %arg9[%add3A_8, %dma_start3A_108] : memref<10240x128xf32, #tpu.memory_space<vmem_shared>> -> memref<80x128xf32, #tpu.memory_space<vmem_shared>>
      %dma_start3A_110 = arith.constant 0 : i32
      %dma_start3A_111 = tpu.memref_slice %arg9[%add3A_8, %dma_start3A_110] : memref<10240x128xf32, #tpu.memory_space<vmem_shared>> -> memref<80x128xf32, #tpu.memory_space<vmem_shared>>
      %dma_start3A_112 = arith.constant 0 : i32
      %dma_start3A_113 = arith.constant 0 : i32
      %dma_start3A_114 = tpu.memref_slice %arg8[%run_scoped3A, %dma_start3A_112, %dma_start3A_113] : memref<2x80x128xf32, #tpu.memory_space<vmem>> -> memref<1x80x128xf32, #tpu.memory_space<vmem>>
      %dma_start3A_115 = tpu.memref_squeeze %dma_start3A_114 : memref<1x80x128xf32, #tpu.memory_space<vmem>> -> memref<80x128xf32, #tpu.memory_space<vmem>>
      tpu.enqueue_dma source(%dma_start3A_115 : memref<80x128xf32, #tpu.memory_space<vmem>>) target(%dma_start3A_111 : memref<80x128xf32, #tpu.memory_space<vmem_shared>>) target_semaphore(%run_scoped3A_103 : memref<!tpu.dma_semaphore, #tpu.memory_space<semaphore_mem>>)
      %dma_wait3A_116 = arith.constant 0 : i32
      %dma_wait3A_117 = arith.constant 0 : i32
      %dma_wait3A_118 = tpu.memref_slice %arg8[%run_scoped3A, %dma_wait3A_116, %dma_wait3A_117] : memref<2x80x128xf32, #tpu.memory_space<vmem>> -> memref<1x80x128xf32, #tpu.memory_space<vmem>>
      %dma_wait3A_119 = tpu.memref_squeeze %dma_wait3A_118 : memref<1x80x128xf32, #tpu.memory_space<vmem>> -> memref<80x128xf32, #tpu.memory_space<vmem>>
      %dma_wait3A_120 = arith.constant 0 : i32
      %dma_wait3A_121 = tpu.memref_slice %arg9[%add3A_8, %dma_wait3A_120] : memref<10240x128xf32, #tpu.memory_space<vmem_shared>> -> memref<80x128xf32, #tpu.memory_space<vmem_shared>>
      %dma_wait3A_122 = arith.constant 0 : i32
      %dma_wait3A_123 = tpu.memref_slice %arg9[%add3A_8, %dma_wait3A_122] : memref<10240x128xf32, #tpu.memory_space<vmem_shared>> -> memref<80x128xf32, #tpu.memory_space<vmem_shared>>
      %dma_wait3A_124 = arith.constant 0 : i32
      %dma_wait3A_125 = arith.constant 0 : i32
      %dma_wait3A_126 = tpu.memref_slice %arg8[%run_scoped3A, %dma_wait3A_124, %dma_wait3A_125] : memref<2x80x128xf32, #tpu.memory_space<vmem>> -> memref<1x80x128xf32, #tpu.memory_space<vmem>>
      %dma_wait3A_127 = tpu.memref_squeeze %dma_wait3A_126 : memref<1x80x128xf32, #tpu.memory_space<vmem>> -> memref<80x128xf32, #tpu.memory_space<vmem>>
      tpu.wait_dma2 semaphore(%run_scoped3A_103 : memref<!tpu.dma_semaphore, #tpu.memory_space<semaphore_mem>>) src(%dma_wait3A_127 : memref<80x128xf32, #tpu.memory_space<vmem>>) dst(%dma_wait3A_123 : memref<80x128xf32, #tpu.memory_space<vmem_shared>>)
      tpu.yield
    }) : () -> ()
    %mul3A_9 = arith.constant 640 : i32
    %mul3A_10 = arith.muli %arg1, %mul3A_9 : i32
    %add3A_11 = arith.constant 80 : i32
    %add3A_12 = arith.addi %mul3A_10, %add3A_11 : i32
    %run_scoped3A_13 = arith.constant 0 : i32
    "tpu.region"() ({
      %run_scoped3A_103 = tpu.sem_alloc : memref<!tpu.dma_semaphore, #tpu.memory_space<semaphore_mem>>
      %dma_start3A_104 = arith.constant 0 : i32
      %dma_start3A_105 = arith.constant 0 : i32
      %dma_start3A_106 = tpu.memref_slice %arg8[%run_scoped3A_13, %dma_start3A_104, %dma_start3A_105] : memref<2x80x128xf32, #tpu.memory_space<vmem>> -> memref<1x80x128xf32, #tpu.memory_space<vmem>>
      %dma_start3A_107 = tpu.memref_squeeze %dma_start3A_106 : memref<1x80x128xf32, #tpu.memory_space<vmem>> -> memref<80x128xf32, #tpu.memory_space<vmem>>
      %dma_start3A_108 = arith.constant 0 : i32
      %dma_start3A_109 = tpu.memref_slice %arg9[%add3A_12, %dma_start3A_108] : memref<10240x128xf32, #tpu.memory_space<vmem_shared>> -> memref<80x128xf32, #tpu.memory_space<vmem_shared>>
      %dma_start3A_110 = arith.constant 0 : i32
      %dma_start3A_111 = tpu.memref_slice %arg9[%add3A_12, %dma_start3A_110] : memref<10240x128xf32, #tpu.memory_space<vmem_shared>> -> memref<80x128xf32, #tpu.memory_space<vmem_shared>>
      %dma_start3A_112 = arith.constant 0 : i32
      %dma_start3A_113 = arith.constant 0 : i32
      %dma_start3A_114 = tpu.memref_slice %arg8[%run_scoped3A_13, %dma_start3A_112, %dma_start3A_113] : memref<2x80x128xf32, #tpu.memory_space<vmem>> -> memref<1x80x128xf32, #tpu.memory_space<vmem>>
      %dma_start3A_115 = tpu.memref_squeeze %dma_start3A_114 : memref<1x80x128xf32, #tpu.memory_space<vmem>> -> memref<80x128xf32, #tpu.memory_space<vmem>>
      tpu.enqueue_dma source(%dma_start3A_115 : memref<80x128xf32, #tpu.memory_space<vmem>>) target(%dma_start3A_111 : memref<80x128xf32, #tpu.memory_space<vmem_shared>>) target_semaphore(%run_scoped3A_103 : memref<!tpu.dma_semaphore, #tpu.memory_space<semaphore_mem>>)
      %dma_wait3A_116 = arith.constant 0 : i32
      %dma_wait3A_117 = arith.constant 0 : i32
      %dma_wait3A_118 = tpu.memref_slice %arg8[%run_scoped3A_13, %dma_wait3A_116, %dma_wait3A_117] : memref<2x80x128xf32, #tpu.memory_space<vmem>> -> memref<1x80x128xf32, #tpu.memory_space<vmem>>
      %dma_wait3A_119 = tpu.memref_squeeze %dma_wait3A_118 : memref<1x80x128xf32, #tpu.memory_space<vmem>> -> memref<80x128xf32, #tpu.memory_space<vmem>>
      %dma_wait3A_120 = arith.constant 0 : i32
      %dma_wait3A_121 = tpu.memref_slice %arg9[%add3A_12, %dma_wait3A_120] : memref<10240x128xf32, #tpu.memory_space<vmem_shared>> -> memref<80x128xf32, #tpu.memory_space<vmem_shared>>
      %dma_wait3A_122 = arith.constant 0 : i32
      %dma_wait3A_123 = tpu.memref_slice %arg9[%add3A_12, %dma_wait3A_122] : memref<10240x128xf32, #tpu.memory_space<vmem_shared>> -> memref<80x128xf32, #tpu.memory_space<vmem_shared>>
      %dma_wait3A_124 = arith.constant 0 : i32
      %dma_wait3A_125 = arith.constant 0 : i32
      %dma_wait3A_126 = tpu.memref_slice %arg8[%run_scoped3A_13, %dma_wait3A_124, %dma_wait3A_125] : memref<2x80x128xf32, #tpu.memory_space<vmem>> -> memref<1x80x128xf32, #tpu.memory_space<vmem>>
      %dma_wait3A_127 = tpu.memref_squeeze %dma_wait3A_126 : memref<1x80x128xf32, #tpu.memory_space<vmem>> -> memref<80x128xf32, #tpu.memory_space<vmem>>
      tpu.wait_dma2 semaphore(%run_scoped3A_103 : memref<!tpu.dma_semaphore, #tpu.memory_space<semaphore_mem>>) src(%dma_wait3A_127 : memref<80x128xf32, #tpu.memory_space<vmem>>) dst(%dma_wait3A_123 : memref<80x128xf32, #tpu.memory_space<vmem_shared>>)
      tpu.yield
    }) : () -> ()
    %mul3A_14 = arith.constant 640 : i32
    %mul3A_15 = arith.muli %arg1, %mul3A_14 : i32
    %add3A_16 = arith.constant 160 : i32
    %add3A_17 = arith.addi %mul3A_15, %add3A_16 : i32
    %run_scoped3A_18 = arith.constant 0 : i32
    "tpu.region"() ({
      %run_scoped3A_103 = tpu.sem_alloc : memref<!tpu.dma_semaphore, #tpu.memory_space<semaphore_mem>>
      %dma_start3A_104 = arith.constant 0 : i32
      %dma_start3A_105 = arith.constant 0 : i32
      %dma_start3A_106 = tpu.memref_slice %arg8[%run_scoped3A_18, %dma_start3A_104, %dma_start3A_105] : memref<2x80x128xf32, #tpu.memory_space<vmem>> -> memref<1x80x128xf32, #tpu.memory_space<vmem>>
      %dma_start3A_107 = tpu.memref_squeeze %dma_start3A_106 : memref<1x80x128xf32, #tpu.memory_space<vmem>> -> memref<80x128xf32, #tpu.memory_space<vmem>>
      %dma_start3A_108 = arith.constant 0 : i32
      %dma_start3A_109 = tpu.memref_slice %arg9[%add3A_17, %dma_start3A_108] : memref<10240x128xf32, #tpu.memory_space<vmem_shared>> -> memref<80x128xf32, #tpu.memory_space<vmem_shared>>
      %dma_start3A_110 = arith.constant 0 : i32
      %dma_start3A_111 = tpu.memref_slice %arg9[%add3A_17, %dma_start3A_110] : memref<10240x128xf32, #tpu.memory_space<vmem_shared>> -> memref<80x128xf32, #tpu.memory_space<vmem_shared>>
      %dma_start3A_112 = arith.constant 0 : i32
      %dma_start3A_113 = arith.constant 0 : i32
      %dma_start3A_114 = tpu.memref_slice %arg8[%run_scoped3A_18, %dma_start3A_112, %dma_start3A_113] : memref<2x80x128xf32, #tpu.memory_space<vmem>> -> memref<1x80x128xf32, #tpu.memory_space<vmem>>
      %dma_start3A_115 = tpu.memref_squeeze %dma_start3A_114 : memref<1x80x128xf32, #tpu.memory_space<vmem>> -> memref<80x128xf32, #tpu.memory_space<vmem>>
      tpu.enqueue_dma source(%dma_start3A_115 : memref<80x128xf32, #tpu.memory_space<vmem>>) target(%dma_start3A_111 : memref<80x128xf32, #tpu.memory_space<vmem_shared>>) target_semaphore(%run_scoped3A_103 : memref<!tpu.dma_semaphore, #tpu.memory_space<semaphore_mem>>)
      %dma_wait3A_116 = arith.constant 0 : i32
      %dma_wait3A_117 = arith.constant 0 : i32
      %dma_wait3A_118 = tpu.memref_slice %arg8[%run_scoped3A_18, %dma_wait3A_116, %dma_wait3A_117] : memref<2x80x128xf32, #tpu.memory_space<vmem>> -> memref<1x80x128xf32, #tpu.memory_space<vmem>>
      %dma_wait3A_119 = tpu.memref_squeeze %dma_wait3A_118 : memref<1x80x128xf32, #tpu.memory_space<vmem>> -> memref<80x128xf32, #tpu.memory_space<vmem>>
      %dma_wait3A_120 = arith.constant 0 : i32
      %dma_wait3A_121 = tpu.memref_slice %arg9[%add3A_17, %dma_wait3A_120] : memref<10240x128xf32, #tpu.memory_space<vmem_shared>> -> memref<80x128xf32, #tpu.memory_space<vmem_shared>>
      %dma_wait3A_122 = arith.constant 0 : i32
      %dma_wait3A_123 = tpu.memref_slice %arg9[%add3A_17, %dma_wait3A_122] : memref<10240x128xf32, #tpu.memory_space<vmem_shared>> -> memref<80x128xf32, #tpu.memory_space<vmem_shared>>
      %dma_wait3A_124 = arith.constant 0 : i32
      %dma_wait3A_125 = arith.constant 0 : i32
      %dma_wait3A_126 = tpu.memref_slice %arg8[%run_scoped3A_18, %dma_wait3A_124, %dma_wait3A_125] : memref<2x80x128xf32, #tpu.memory_space<vmem>> -> memref<1x80x128xf32, #tpu.memory_space<vmem>>
      %dma_wait3A_127 = tpu.memref_squeeze %dma_wait3A_126 : memref<1x80x128xf32, #tpu.memory_space<vmem>> -> memref<80x128xf32, #tpu.memory_space<vmem>>
      tpu.wait_dma2 semaphore(%run_scoped3A_103 : memref<!tpu.dma_semaphore, #tpu.memory_space<semaphore_mem>>) src(%dma_wait3A_127 : memref<80x128xf32, #tpu.memory_space<vmem>>) dst(%dma_wait3A_123 : memref<80x128xf32, #tpu.memory_space<vmem_shared>>)
      tpu.yield
    }) : () -> ()
    %mul3A_19 = arith.constant 640 : i32
    %mul3A_20 = arith.muli %arg1, %mul3A_19 : i32
    %add3A_21 = arith.constant 240 : i32
    %add3A_22 = arith.addi %mul3A_20, %add3A_21 : i32
    %run_scoped3A_23 = arith.constant 0 : i32
    "tpu.region"() ({
      %run_scoped3A_103 = tpu.sem_alloc : memref<!tpu.dma_semaphore, #tpu.memory_space<semaphore_mem>>
      %dma_start3A_104 = arith.constant 0 : i32
      %dma_start3A_105 = arith.constant 0 : i32
      %dma_start3A_106 = tpu.memref_slice %arg8[%run_scoped3A_23, %dma_start3A_104, %dma_start3A_105] : memref<2x80x128xf32, #tpu.memory_space<vmem>> -> memref<1x80x128xf32, #tpu.memory_space<vmem>>
      %dma_start3A_107 = tpu.memref_squeeze %dma_start3A_106 : memref<1x80x128xf32, #tpu.memory_space<vmem>> -> memref<80x128xf32, #tpu.memory_space<vmem>>
      %dma_start3A_108 = arith.constant 0 : i32
      %dma_start3A_109 = tpu.memref_slice %arg9[%add3A_22, %dma_start3A_108] : memref<10240x128xf32, #tpu.memory_space<vmem_shared>> -> memref<80x128xf32, #tpu.memory_space<vmem_shared>>
      %dma_start3A_110 = arith.constant 0 : i32
      %dma_start3A_111 = tpu.memref_slice %arg9[%add3A_22, %dma_start3A_110] : memref<10240x128xf32, #tpu.memory_space<vmem_shared>> -> memref<80x128xf32, #tpu.memory_space<vmem_shared>>
      %dma_start3A_112 = arith.constant 0 : i32
      %dma_start3A_113 = arith.constant 0 : i32
      %dma_start3A_114 = tpu.memref_slice %arg8[%run_scoped3A_23, %dma_start3A_112, %dma_start3A_113] : memref<2x80x128xf32, #tpu.memory_space<vmem>> -> memref<1x80x128xf32, #tpu.memory_space<vmem>>
      %dma_start3A_115 = tpu.memref_squeeze %dma_start3A_114 : memref<1x80x128xf32, #tpu.memory_space<vmem>> -> memref<80x128xf32, #tpu.memory_space<vmem>>
      tpu.enqueue_dma source(%dma_start3A_115 : memref<80x128xf32, #tpu.memory_space<vmem>>) target(%dma_start3A_111 : memref<80x128xf32, #tpu.memory_space<vmem_shared>>) target_semaphore(%run_scoped3A_103 : memref<!tpu.dma_semaphore, #tpu.memory_space<semaphore_mem>>)
      %dma_wait3A_116 = arith.constant 0 : i32
      %dma_wait3A_117 = arith.constant 0 : i32
      %dma_wait3A_118 = tpu.memref_slice %arg8[%run_scoped3A_23, %dma_wait3A_116, %dma_wait3A_117] : memref<2x80x128xf32, #tpu.memory_space<vmem>> -> memref<1x80x128xf32, #tpu.memory_space<vmem>>
      %dma_wait3A_119 = tpu.memref_squeeze %dma_wait3A_118 : memref<1x80x128xf32, #tpu.memory_space<vmem>> -> memref<80x128xf32, #tpu.memory_space<vmem>>
      %dma_wait3A_120 = arith.constant 0 : i32
      %dma_wait3A_121 = tpu.memref_slice %arg9[%add3A_22, %dma_wait3A_120] : memref<10240x128xf32, #tpu.memory_space<vmem_shared>> -> memref<80x128xf32, #tpu.memory_space<vmem_shared>>
      %dma_wait3A_122 = arith.constant 0 : i32
      %dma_wait3A_123 = tpu.memref_slice %arg9[%add3A_22, %dma_wait3A_122] : memref<10240x128xf32, #tpu.memory_space<vmem_shared>> -> memref<80x128xf32, #tpu.memory_space<vmem_shared>>
      %dma_wait3A_124 = arith.constant 0 : i32
      %dma_wait3A_125 = arith.constant 0 : i32
      %dma_wait3A_126 = tpu.memref_slice %arg8[%run_scoped3A_23, %dma_wait3A_124, %dma_wait3A_125] : memref<2x80x128xf32, #tpu.memory_space<vmem>> -> memref<1x80x128xf32, #tpu.memory_space<vmem>>
      %dma_wait3A_127 = tpu.memref_squeeze %dma_wait3A_126 : memref<1x80x128xf32, #tpu.memory_space<vmem>> -> memref<80x128xf32, #tpu.memory_space<vmem>>
      tpu.wait_dma2 semaphore(%run_scoped3A_103 : memref<!tpu.dma_semaphore, #tpu.memory_space<semaphore_mem>>) src(%dma_wait3A_127 : memref<80x128xf32, #tpu.memory_space<vmem>>) dst(%dma_wait3A_123 : memref<80x128xf32, #tpu.memory_space<vmem_shared>>)
      tpu.yield
    }) : () -> ()
    %mul3A_24 = arith.constant 640 : i32
    %mul3A_25 = arith.muli %arg1, %mul3A_24 : i32
    %add3A_26 = arith.constant 320 : i32
    %add3A_27 = arith.addi %mul3A_25, %add3A_26 : i32
    %run_scoped3A_28 = arith.constant 0 : i32
    "tpu.region"() ({
      %run_scoped3A_103 = tpu.sem_alloc : memref<!tpu.dma_semaphore, #tpu.memory_space<semaphore_mem>>
      %dma_start3A_104 = arith.constant 0 : i32
      %dma_start3A_105 = arith.constant 0 : i32
      %dma_start3A_106 = tpu.memref_slice %arg8[%run_scoped3A_28, %dma_start3A_104, %dma_start3A_105] : memref<2x80x128xf32, #tpu.memory_space<vmem>> -> memref<1x80x128xf32, #tpu.memory_space<vmem>>
      %dma_start3A_107 = tpu.memref_squeeze %dma_start3A_106 : memref<1x80x128xf32, #tpu.memory_space<vmem>> -> memref<80x128xf32, #tpu.memory_space<vmem>>
      %dma_start3A_108 = arith.constant 0 : i32
      %dma_start3A_109 = tpu.memref_slice %arg9[%add3A_27, %dma_start3A_108] : memref<10240x128xf32, #tpu.memory_space<vmem_shared>> -> memref<80x128xf32, #tpu.memory_space<vmem_shared>>
      %dma_start3A_110 = arith.constant 0 : i32
      %dma_start3A_111 = tpu.memref_slice %arg9[%add3A_27, %dma_start3A_110] : memref<10240x128xf32, #tpu.memory_space<vmem_shared>> -> memref<80x128xf32, #tpu.memory_space<vmem_shared>>
      %dma_start3A_112 = arith.constant 0 : i32
      %dma_start3A_113 = arith.constant 0 : i32
      %dma_start3A_114 = tpu.memref_slice %arg8[%run_scoped3A_28, %dma_start3A_112, %dma_start3A_113] : memref<2x80x128xf32, #tpu.memory_space<vmem>> -> memref<1x80x128xf32, #tpu.memory_space<vmem>>
      %dma_start3A_115 = tpu.memref_squeeze %dma_start3A_114 : memref<1x80x128xf32, #tpu.memory_space<vmem>> -> memref<80x128xf32, #tpu.memory_space<vmem>>
      tpu.enqueue_dma source(%dma_start3A_115 : memref<80x128xf32, #tpu.memory_space<vmem>>) target(%dma_start3A_111 : memref<80x128xf32, #tpu.memory_space<vmem_shared>>) target_semaphore(%run_scoped3A_103 : memref<!tpu.dma_semaphore, #tpu.memory_space<semaphore_mem>>)
      %dma_wait3A_116 = arith.constant 0 : i32
      %dma_wait3A_117 = arith.constant 0 : i32
      %dma_wait3A_118 = tpu.memref_slice %arg8[%run_scoped3A_28, %dma_wait3A_116, %dma_wait3A_117] : memref<2x80x128xf32, #tpu.memory_space<vmem>> -> memref<1x80x128xf32, #tpu.memory_space<vmem>>
      %dma_wait3A_119 = tpu.memref_squeeze %dma_wait3A_118 : memref<1x80x128xf32, #tpu.memory_space<vmem>> -> memref<80x128xf32, #tpu.memory_space<vmem>>
      %dma_wait3A_120 = arith.constant 0 : i32
      %dma_wait3A_121 = tpu.memref_slice %arg9[%add3A_27, %dma_wait3A_120] : memref<10240x128xf32, #tpu.memory_space<vmem_shared>> -> memref<80x128xf32, #tpu.memory_space<vmem_shared>>
      %dma_wait3A_122 = arith.constant 0 : i32
      %dma_wait3A_123 = tpu.memref_slice %arg9[%add3A_27, %dma_wait3A_122] : memref<10240x128xf32, #tpu.memory_space<vmem_shared>> -> memref<80x128xf32, #tpu.memory_space<vmem_shared>>
      %dma_wait3A_124 = arith.constant 0 : i32
      %dma_wait3A_125 = arith.constant 0 : i32
      %dma_wait3A_126 = tpu.memref_slice %arg8[%run_scoped3A_28, %dma_wait3A_124, %dma_wait3A_125] : memref<2x80x128xf32, #tpu.memory_space<vmem>> -> memref<1x80x128xf32, #tpu.memory_space<vmem>>
      %dma_wait3A_127 = tpu.memref_squeeze %dma_wait3A_126 : memref<1x80x128xf32, #tpu.memory_space<vmem>> -> memref<80x128xf32, #tpu.memory_space<vmem>>
      tpu.wait_dma2 semaphore(%run_scoped3A_103 : memref<!tpu.dma_semaphore, #tpu.memory_space<semaphore_mem>>) src(%dma_wait3A_127 : memref<80x128xf32, #tpu.memory_space<vmem>>) dst(%dma_wait3A_123 : memref<80x128xf32, #tpu.memory_space<vmem_shared>>)
      tpu.yield
    }) : () -> ()
    %mul3A_29 = arith.constant 640 : i32
    %mul3A_30 = arith.muli %arg1, %mul3A_29 : i32
    %add3A_31 = arith.constant 400 : i32
    %add3A_32 = arith.addi %mul3A_30, %add3A_31 : i32
    %run_scoped3A_33 = arith.constant 0 : i32
    "tpu.region"() ({
      %run_scoped3A_103 = tpu.sem_alloc : memref<!tpu.dma_semaphore, #tpu.memory_space<semaphore_mem>>
      %dma_start3A_104 = arith.constant 0 : i32
      %dma_start3A_105 = arith.constant 0 : i32
      %dma_start3A_106 = tpu.memref_slice %arg8[%run_scoped3A_33, %dma_start3A_104, %dma_start3A_105] : memref<2x80x128xf32, #tpu.memory_space<vmem>> -> memref<1x80x128xf32, #tpu.memory_space<vmem>>
      %dma_start3A_107 = tpu.memref_squeeze %dma_start3A_106 : memref<1x80x128xf32, #tpu.memory_space<vmem>> -> memref<80x128xf32, #tpu.memory_space<vmem>>
      %dma_start3A_108 = arith.constant 0 : i32
      %dma_start3A_109 = tpu.memref_slice %arg9[%add3A_32, %dma_start3A_108] : memref<10240x128xf32, #tpu.memory_space<vmem_shared>> -> memref<80x128xf32, #tpu.memory_space<vmem_shared>>
      %dma_start3A_110 = arith.constant 0 : i32
      %dma_start3A_111 = tpu.memref_slice %arg9[%add3A_32, %dma_start3A_110] : memref<10240x128xf32, #tpu.memory_space<vmem_shared>> -> memref<80x128xf32, #tpu.memory_space<vmem_shared>>
      %dma_start3A_112 = arith.constant 0 : i32
      %dma_start3A_113 = arith.constant 0 : i32
      %dma_start3A_114 = tpu.memref_slice %arg8[%run_scoped3A_33, %dma_start3A_112, %dma_start3A_113] : memref<2x80x128xf32, #tpu.memory_space<vmem>> -> memref<1x80x128xf32, #tpu.memory_space<vmem>>
      %dma_start3A_115 = tpu.memref_squeeze %dma_start3A_114 : memref<1x80x128xf32, #tpu.memory_space<vmem>> -> memref<80x128xf32, #tpu.memory_space<vmem>>
      tpu.enqueue_dma source(%dma_start3A_115 : memref<80x128xf32, #tpu.memory_space<vmem>>) target(%dma_start3A_111 : memref<80x128xf32, #tpu.memory_space<vmem_shared>>) target_semaphore(%run_scoped3A_103 : memref<!tpu.dma_semaphore, #tpu.memory_space<semaphore_mem>>)
      %dma_wait3A_116 = arith.constant 0 : i32
      %dma_wait3A_117 = arith.constant 0 : i32
      %dma_wait3A_118 = tpu.memref_slice %arg8[%run_scoped3A_33, %dma_wait3A_116, %dma_wait3A_117] : memref<2x80x128xf32, #tpu.memory_space<vmem>> -> memref<1x80x128xf32, #tpu.memory_space<vmem>>
      %dma_wait3A_119 = tpu.memref_squeeze %dma_wait3A_118 : memref<1x80x128xf32, #tpu.memory_space<vmem>> -> memref<80x128xf32, #tpu.memory_space<vmem>>
      %dma_wait3A_120 = arith.constant 0 : i32
      %dma_wait3A_121 = tpu.memref_slice %arg9[%add3A_32, %dma_wait3A_120] : memref<10240x128xf32, #tpu.memory_space<vmem_shared>> -> memref<80x128xf32, #tpu.memory_space<vmem_shared>>
      %dma_wait3A_122 = arith.constant 0 : i32
      %dma_wait3A_123 = tpu.memref_slice %arg9[%add3A_32, %dma_wait3A_122] : memref<10240x128xf32, #tpu.memory_space<vmem_shared>> -> memref<80x128xf32, #tpu.memory_space<vmem_shared>>
      %dma_wait3A_124 = arith.constant 0 : i32
      %dma_wait3A_125 = arith.constant 0 : i32
      %dma_wait3A_126 = tpu.memref_slice %arg8[%run_scoped3A_33, %dma_wait3A_124, %dma_wait3A_125] : memref<2x80x128xf32, #tpu.memory_space<vmem>> -> memref<1x80x128xf32, #tpu.memory_space<vmem>>
      %dma_wait3A_127 = tpu.memref_squeeze %dma_wait3A_126 : memref<1x80x128xf32, #tpu.memory_space<vmem>> -> memref<80x128xf32, #tpu.memory_space<vmem>>
      tpu.wait_dma2 semaphore(%run_scoped3A_103 : memref<!tpu.dma_semaphore, #tpu.memory_space<semaphore_mem>>) src(%dma_wait3A_127 : memref<80x128xf32, #tpu.memory_space<vmem>>) dst(%dma_wait3A_123 : memref<80x128xf32, #tpu.memory_space<vmem_shared>>)
      tpu.yield
    }) : () -> ()
    %mul3A_34 = arith.constant 640 : i32
    %mul3A_35 = arith.muli %arg1, %mul3A_34 : i32
    %add3A_36 = arith.constant 480 : i32
    %add3A_37 = arith.addi %mul3A_35, %add3A_36 : i32
    %run_scoped3A_38 = arith.constant 0 : i32
    "tpu.region"() ({
      %run_scoped3A_103 = tpu.sem_alloc : memref<!tpu.dma_semaphore, #tpu.memory_space<semaphore_mem>>
      %dma_start3A_104 = arith.constant 0 : i32
      %dma_start3A_105 = arith.constant 0 : i32
      %dma_start3A_106 = tpu.memref_slice %arg8[%run_scoped3A_38, %dma_start3A_104, %dma_start3A_105] : memref<2x80x128xf32, #tpu.memory_space<vmem>> -> memref<1x80x128xf32, #tpu.memory_space<vmem>>
      %dma_start3A_107 = tpu.memref_squeeze %dma_start3A_106 : memref<1x80x128xf32, #tpu.memory_space<vmem>> -> memref<80x128xf32, #tpu.memory_space<vmem>>
      %dma_start3A_108 = arith.constant 0 : i32
      %dma_start3A_109 = tpu.memref_slice %arg9[%add3A_37, %dma_start3A_108] : memref<10240x128xf32, #tpu.memory_space<vmem_shared>> -> memref<80x128xf32, #tpu.memory_space<vmem_shared>>
      %dma_start3A_110 = arith.constant 0 : i32
      %dma_start3A_111 = tpu.memref_slice %arg9[%add3A_37, %dma_start3A_110] : memref<10240x128xf32, #tpu.memory_space<vmem_shared>> -> memref<80x128xf32, #tpu.memory_space<vmem_shared>>
      %dma_start3A_112 = arith.constant 0 : i32
      %dma_start3A_113 = arith.constant 0 : i32
      %dma_start3A_114 = tpu.memref_slice %arg8[%run_scoped3A_38, %dma_start3A_112, %dma_start3A_113] : memref<2x80x128xf32, #tpu.memory_space<vmem>> -> memref<1x80x128xf32, #tpu.memory_space<vmem>>
      %dma_start3A_115 = tpu.memref_squeeze %dma_start3A_114 : memref<1x80x128xf32, #tpu.memory_space<vmem>> -> memref<80x128xf32, #tpu.memory_space<vmem>>
      tpu.enqueue_dma source(%dma_start3A_115 : memref<80x128xf32, #tpu.memory_space<vmem>>) target(%dma_start3A_111 : memref<80x128xf32, #tpu.memory_space<vmem_shared>>) target_semaphore(%run_scoped3A_103 : memref<!tpu.dma_semaphore, #tpu.memory_space<semaphore_mem>>)
      %dma_wait3A_116 = arith.constant 0 : i32
      %dma_wait3A_117 = arith.constant 0 : i32
      %dma_wait3A_118 = tpu.memref_slice %arg8[%run_scoped3A_38, %dma_wait3A_116, %dma_wait3A_117] : memref<2x80x128xf32, #tpu.memory_space<vmem>> -> memref<1x80x128xf32, #tpu.memory_space<vmem>>
      %dma_wait3A_119 = tpu.memref_squeeze %dma_wait3A_118 : memref<1x80x128xf32, #tpu.memory_space<vmem>> -> memref<80x128xf32, #tpu.memory_space<vmem>>
      %dma_wait3A_120 = arith.constant 0 : i32
      %dma_wait3A_121 = tpu.memref_slice %arg9[%add3A_37, %dma_wait3A_120] : memref<10240x128xf32, #tpu.memory_space<vmem_shared>> -> memref<80x128xf32, #tpu.memory_space<vmem_shared>>
      %dma_wait3A_122 = arith.constant 0 : i32
      %dma_wait3A_123 = tpu.memref_slice %arg9[%add3A_37, %dma_wait3A_122] : memref<10240x128xf32, #tpu.memory_space<vmem_shared>> -> memref<80x128xf32, #tpu.memory_space<vmem_shared>>
      %dma_wait3A_124 = arith.constant 0 : i32
      %dma_wait3A_125 = arith.constant 0 : i32
      %dma_wait3A_126 = tpu.memref_slice %arg8[%run_scoped3A_38, %dma_wait3A_124, %dma_wait3A_125] : memref<2x80x128xf32, #tpu.memory_space<vmem>> -> memref<1x80x128xf32, #tpu.memory_space<vmem>>
      %dma_wait3A_127 = tpu.memref_squeeze %dma_wait3A_126 : memref<1x80x128xf32, #tpu.memory_space<vmem>> -> memref<80x128xf32, #tpu.memory_space<vmem>>
      tpu.wait_dma2 semaphore(%run_scoped3A_103 : memref<!tpu.dma_semaphore, #tpu.memory_space<semaphore_mem>>) src(%dma_wait3A_127 : memref<80x128xf32, #tpu.memory_space<vmem>>) dst(%dma_wait3A_123 : memref<80x128xf32, #tpu.memory_space<vmem_shared>>)
      tpu.yield
    }) : () -> ()
    %mul3A_39 = arith.constant 640 : i32
    %mul3A_40 = arith.muli %arg1, %mul3A_39 : i32
    %add3A_41 = arith.constant 560 : i32
    %add3A_42 = arith.addi %mul3A_40, %add3A_41 : i32
    %run_scoped3A_43 = arith.constant 0 : i32
    "tpu.region"() ({
      %run_scoped3A_103 = tpu.sem_alloc : memref<!tpu.dma_semaphore, #tpu.memory_space<semaphore_mem>>
      %dma_start3A_104 = arith.constant 0 : i32
      %dma_start3A_105 = arith.constant 0 : i32
      %dma_start3A_106 = tpu.memref_slice %arg8[%run_scoped3A_43, %dma_start3A_104, %dma_start3A_105] : memref<2x80x128xf32, #tpu.memory_space<vmem>> -> memref<1x80x128xf32, #tpu.memory_space<vmem>>
      %dma_start3A_107 = tpu.memref_squeeze %dma_start3A_106 : memref<1x80x128xf32, #tpu.memory_space<vmem>> -> memref<80x128xf32, #tpu.memory_space<vmem>>
      %dma_start3A_108 = arith.constant 0 : i32
      %dma_start3A_109 = tpu.memref_slice %arg9[%add3A_42, %dma_start3A_108] : memref<10240x128xf32, #tpu.memory_space<vmem_shared>> -> memref<80x128xf32, #tpu.memory_space<vmem_shared>>
      %dma_start3A_110 = arith.constant 0 : i32
      %dma_start3A_111 = tpu.memref_slice %arg9[%add3A_42, %dma_start3A_110] : memref<10240x128xf32, #tpu.memory_space<vmem_shared>> -> memref<80x128xf32, #tpu.memory_space<vmem_shared>>
      %dma_start3A_112 = arith.constant 0 : i32
      %dma_start3A_113 = arith.constant 0 : i32
      %dma_start3A_114 = tpu.memref_slice %arg8[%run_scoped3A_43, %dma_start3A_112, %dma_start3A_113] : memref<2x80x128xf32, #tpu.memory_space<vmem>> -> memref<1x80x128xf32, #tpu.memory_space<vmem>>
      %dma_start3A_115 = tpu.memref_squeeze %dma_start3A_114 : memref<1x80x128xf32, #tpu.memory_space<vmem>> -> memref<80x128xf32, #tpu.memory_space<vmem>>
      tpu.enqueue_dma source(%dma_start3A_115 : memref<80x128xf32, #tpu.memory_space<vmem>>) target(%dma_start3A_111 : memref<80x128xf32, #tpu.memory_space<vmem_shared>>) target_semaphore(%run_scoped3A_103 : memref<!tpu.dma_semaphore, #tpu.memory_space<semaphore_mem>>)
      %dma_wait3A_116 = arith.constant 0 : i32
      %dma_wait3A_117 = arith.constant 0 : i32
      %dma_wait3A_118 = tpu.memref_slice %arg8[%run_scoped3A_43, %dma_wait3A_116, %dma_wait3A_117] : memref<2x80x128xf32, #tpu.memory_space<vmem>> -> memref<1x80x128xf32, #tpu.memory_space<vmem>>
      %dma_wait3A_119 = tpu.memref_squeeze %dma_wait3A_118 : memref<1x80x128xf32, #tpu.memory_space<vmem>> -> memref<80x128xf32, #tpu.memory_space<vmem>>
      %dma_wait3A_120 = arith.constant 0 : i32
      %dma_wait3A_121 = tpu.memref_slice %arg9[%add3A_42, %dma_wait3A_120] : memref<10240x128xf32, #tpu.memory_space<vmem_shared>> -> memref<80x128xf32, #tpu.memory_space<vmem_shared>>
      %dma_wait3A_122 = arith.constant 0 : i32
      %dma_wait3A_123 = tpu.memref_slice %arg9[%add3A_42, %dma_wait3A_122] : memref<10240x128xf32, #tpu.memory_space<vmem_shared>> -> memref<80x128xf32, #tpu.memory_space<vmem_shared>>
      %dma_wait3A_124 = arith.constant 0 : i32
      %dma_wait3A_125 = arith.constant 0 : i32
      %dma_wait3A_126 = tpu.memref_slice %arg8[%run_scoped3A_43, %dma_wait3A_124, %dma_wait3A_125] : memref<2x80x128xf32, #tpu.memory_space<vmem>> -> memref<1x80x128xf32, #tpu.memory_space<vmem>>
      %dma_wait3A_127 = tpu.memref_squeeze %dma_wait3A_126 : memref<1x80x128xf32, #tpu.memory_space<vmem>> -> memref<80x128xf32, #tpu.memory_space<vmem>>
      tpu.wait_dma2 semaphore(%run_scoped3A_103 : memref<!tpu.dma_semaphore, #tpu.memory_space<semaphore_mem>>) src(%dma_wait3A_127 : memref<80x128xf32, #tpu.memory_space<vmem>>) dst(%dma_wait3A_123 : memref<80x128xf32, #tpu.memory_space<vmem_shared>>)
      tpu.yield
    }) : () -> ()
    "tpu.region"() ({
      %run_scoped3A_103 = tpu.sem_alloc : memref<!tpu.dma_semaphore, #tpu.memory_space<semaphore_mem>>
      %dma_start3A_104 = arith.constant 0 : i32
      %dma_start3A_105 = arith.constant 0 : i32
      %dma_start3A_106 = tpu.memref_slice %arg3[%add3A, %dma_start3A_104, %dma_start3A_105] : memref<32x125x80xi32, #tpu.memory_space<hbm>> -> memref<1x125x80xi32, #tpu.memory_space<hbm>>
      %dma_start3A_107 = tpu.memref_squeeze %dma_start3A_106 : memref<1x125x80xi32, #tpu.memory_space<hbm>> -> memref<125x80xi32, #tpu.memory_space<hbm>>
      %dma_start3A_108 = arith.constant 0 : i32
      %dma_start3A_109 = arith.constant 0 : i32
      %dma_start3A_110 = tpu.memref_slice %arg3[%add3A, %dma_start3A_108, %dma_start3A_109] : memref<32x125x80xi32, #tpu.memory_space<hbm>> -> memref<1x125x80xi32, #tpu.memory_space<hbm>>
      %dma_start3A_111 = tpu.memref_squeeze %dma_start3A_110 : memref<1x125x80xi32, #tpu.memory_space<hbm>> -> memref<125x80xi32, #tpu.memory_space<hbm>>
      tpu.enqueue_dma source(%dma_start3A_111 : memref<125x80xi32, #tpu.memory_space<hbm>>) target(%arg6 : memref<125x80xi32, #tpu.memory_space<vmem>>) target_semaphore(%run_scoped3A_103 : memref<!tpu.dma_semaphore, #tpu.memory_space<semaphore_mem>>)
      %dma_wait3A_112 = arith.constant 0 : i32
      %dma_wait3A_113 = arith.constant 0 : i32
      %dma_wait3A_114 = tpu.memref_slice %arg3[%add3A, %dma_wait3A_112, %dma_wait3A_113] : memref<32x125x80xi32, #tpu.memory_space<hbm>> -> memref<1x125x80xi32, #tpu.memory_space<hbm>>
      %dma_wait3A_115 = tpu.memref_squeeze %dma_wait3A_114 : memref<1x125x80xi32, #tpu.memory_space<hbm>> -> memref<125x80xi32, #tpu.memory_space<hbm>>
      %dma_wait3A_116 = arith.constant 0 : i32
      %dma_wait3A_117 = arith.constant 0 : i32
      %dma_wait3A_118 = tpu.memref_slice %arg3[%add3A, %dma_wait3A_116, %dma_wait3A_117] : memref<32x125x80xi32, #tpu.memory_space<hbm>> -> memref<1x125x80xi32, #tpu.memory_space<hbm>>
      %dma_wait3A_119 = tpu.memref_squeeze %dma_wait3A_118 : memref<1x125x80xi32, #tpu.memory_space<hbm>> -> memref<125x80xi32, #tpu.memory_space<hbm>>
      tpu.wait_dma2 semaphore(%run_scoped3A_103 : memref<!tpu.dma_semaphore, #tpu.memory_space<semaphore_mem>>) src(%dma_wait3A_119 : memref<125x80xi32, #tpu.memory_space<hbm>>) dst(%arg6 : memref<125x80xi32, #tpu.memory_space<vmem>>)
      tpu.yield
    }) : () -> ()
    %barrier3A = arith.constant 0 : index
    tpu.barrier barrier_id(%barrier3A)
    %dma_start3A = arith.constant 0 : i32
    %dma_start3A_44 = arith.constant 0 : i32
    %dma_start3A_45 = arith.constant 0 : i32
    %dma_start3A_46 = arith.constant 0 : i32
    %dma_start3A_47 = arith.constant 0 : i32
    %dma_start3A_48 = tpu.memref_slice %arg8[%dma_start3A_44, %dma_start3A_46, %dma_start3A_47] : memref<2x80x128xf32, #tpu.memory_space<vmem>> -> memref<1x80x128xf32, #tpu.memory_space<vmem>>
    %dma_start3A_49 = tpu.memref_squeeze %dma_start3A_48 : memref<1x80x128xf32, #tpu.memory_space<vmem>> -> memref<80x128xf32, #tpu.memory_space<vmem>>
    %dma_start3A_50 = arith.constant 0 : i32
    %dma_start3A_51 = tpu.memref_slice %arg6[%dma_start3A, %dma_start3A_50] : memref<125x80xi32, #tpu.memory_space<vmem>> -> memref<1x80xi32, #tpu.memory_space<vmem>>
    %dma_start3A_52 = tpu.memref_squeeze %dma_start3A_51 : memref<1x80xi32, #tpu.memory_space<vmem>> -> memref<80xi32, #tpu.memory_space<vmem>>
    %dma_start3A_53 = arith.constant 0 : i32
    %dma_start3A_54 = arith.constant 0 : i32
    %dma_start3A_55 = tpu.memref_slice %arg2[%dma_start3A_53, %dma_start3A_54] : memref<10000x128xf32, #tpu.memory_space<hbm>> -> memref<10000x128xf32, #tpu.memory_space<hbm>>
    %dma_start3A_56 = tpu.memref_slice %arg10[%dma_start3A_45] : memref<2x!tpu.dma_semaphore, #tpu.memory_space<semaphore_mem>> -> memref<1x!tpu.dma_semaphore, #tpu.memory_space<semaphore_mem>>
    %dma_start3A_57 = tpu.memref_squeeze %dma_start3A_56 : memref<1x!tpu.dma_semaphore, #tpu.memory_space<semaphore_mem>> -> memref<!tpu.dma_semaphore, #tpu.memory_space<semaphore_mem>>
    tpu.enqueue_indirect_dma source(%dma_start3A_55 : memref<10000x128xf32, #tpu.memory_space<hbm>>) target(%dma_start3A_49 : memref<80x128xf32, #tpu.memory_space<vmem>>) offsets(%dma_start3A_52 : memref<80xi32, #tpu.memory_space<vmem>>) semaphore(%dma_start3A_57 : memref<!tpu.dma_semaphore, #tpu.memory_space<semaphore_mem>>)
    %dma_start3A_58 = arith.constant 0 : i32
    %dma_start3A_59 = arith.constant 0 : i32
    %dma_start3A_60 = arith.constant 0 : i32
    %dma_start3A_61 = arith.constant 0 : i32
    %dma_start3A_62 = tpu.memref_slice %arg7[%dma_start3A_58, %dma_start3A_60, %dma_start3A_61] : memref<2x1x80xi32, #tpu.memory_space<vmem>> -> memref<1x1x80xi32, #tpu.memory_space<vmem>>
    %dma_start3A_63 = tpu.memref_squeeze %dma_start3A_62 : memref<1x1x80xi32, #tpu.memory_space<vmem>> -> memref<1x80xi32, #tpu.memory_space<vmem>>
    %dma_start3A_64 = arith.constant 0 : i32
    %dma_start3A_65 = arith.constant 0 : i32
    %dma_start3A_66 = tpu.memref_slice %arg4[%add3A, %dma_start3A_64, %dma_start3A_65] : memref<32x125x80xi32, #tpu.memory_space<hbm>> -> memref<1x1x80xi32, #tpu.memory_space<hbm>>
    %dma_start3A_67 = tpu.memref_squeeze %dma_start3A_66 : memref<1x1x80xi32, #tpu.memory_space<hbm>> -> memref<1x80xi32, #tpu.memory_space<hbm>>
    %dma_start3A_68 = tpu.memref_slice %arg11[%dma_start3A_59] : memref<2x!tpu.dma_semaphore, #tpu.memory_space<semaphore_mem>> -> memref<1x!tpu.dma_semaphore, #tpu.memory_space<semaphore_mem>>
    %dma_start3A_69 = tpu.memref_squeeze %dma_start3A_68 : memref<1x!tpu.dma_semaphore, #tpu.memory_space<semaphore_mem>> -> memref<!tpu.dma_semaphore, #tpu.memory_space<semaphore_mem>>
    %dma_start3A_70 = arith.constant 0 : i32
    %dma_start3A_71 = arith.constant 0 : i32
    %dma_start3A_72 = tpu.memref_slice %arg7[%dma_start3A_58, %dma_start3A_70, %dma_start3A_71] : memref<2x1x80xi32, #tpu.memory_space<vmem>> -> memref<1x1x80xi32, #tpu.memory_space<vmem>>
    %dma_start3A_73 = tpu.memref_squeeze %dma_start3A_72 : memref<1x1x80xi32, #tpu.memory_space<vmem>> -> memref<1x80xi32, #tpu.memory_space<vmem>>
    %dma_start3A_74 = arith.constant 0 : i32
    %dma_start3A_75 = arith.constant 0 : i32
    %dma_start3A_76 = tpu.memref_slice %arg4[%add3A, %dma_start3A_74, %dma_start3A_75] : memref<32x125x80xi32, #tpu.memory_space<hbm>> -> memref<1x1x80xi32, #tpu.memory_space<hbm>>
    %dma_start3A_77 = tpu.memref_squeeze %dma_start3A_76 : memref<1x1x80xi32, #tpu.memory_space<hbm>> -> memref<1x80xi32, #tpu.memory_space<hbm>>
    tpu.enqueue_dma source(%dma_start3A_77 : memref<1x80xi32, #tpu.memory_space<hbm>>) target(%dma_start3A_73 : memref<1x80xi32, #tpu.memory_space<vmem>>) target_semaphore(%dma_start3A_69 : memref<!tpu.dma_semaphore, #tpu.memory_space<semaphore_mem>>)
    %scan3A_78 = arith.constant 0 : i32
    %scan3A_79 = arith.constant 125 : i32
    %scan3A_80 = arith.addi %scan3A_78, %scan3A_79 : i32
    %scan3A_81 = arith.constant 1 : i32
    scf.for %scan3A_103 = %scan3A_78 to %scan3A_80 step %scan3A_81  : i32 {
      %rem3A = arith.constant 2 : i32
      %rem3A_104 = arith.remsi %scan3A_103, %rem3A : i32
      %add3A_105 = arith.constant 1 : i32
      %add3A_106 = arith.addi %scan3A_103, %add3A_105 : i32
      %rem3A_107 = arith.constant 2 : i32
      %rem3A_108 = arith.remsi %add3A_106, %rem3A_107 : i32
      %ge3A = arith.constant 1 : i32
      %ge3A_109 = arith.cmpi sge, %scan3A_103, %ge3A : i32
      %convert_element_type3A = arith.extui %ge3A_109 : i1 to i32
      %cond3A = arith.constant 0 : i32
      %cond3A_110 = arith.cmpi ne, %convert_element_type3A, %cond3A : i32
      scf.if %cond3A_110 {
        %dma_wait3A_158 = arith.constant 0 : i32
        %dma_wait3A_159 = arith.constant 0 : i32
        %dma_wait3A_160 = arith.constant 0 : i32
        %dma_wait3A_161 = tpu.memref_slice %arg8[%rem3A_108, %dma_wait3A_159, %dma_wait3A_160] : memref<2x80x128xf32, #tpu.memory_space<vmem>> -> memref<1x80x128xf32, #tpu.memory_space<vmem>>
        %dma_wait3A_162 = tpu.memref_squeeze %dma_wait3A_161 : memref<1x80x128xf32, #tpu.memory_space<vmem>> -> memref<80x128xf32, #tpu.memory_space<vmem>>
        %dma_wait3A_163 = arith.constant 0 : i32
        %dma_wait3A_164 = tpu.memref_slice %arg7[%rem3A_108, %dma_wait3A_158, %dma_wait3A_163] : memref<2x1x80xi32, #tpu.memory_space<vmem>> -> memref<1x1x80xi32, #tpu.memory_space<vmem>>
        %dma_wait3A_165 = tpu.memref_squeeze %dma_wait3A_164 : memref<1x1x80xi32, #tpu.memory_space<vmem>> -> memref<80xi32, #tpu.memory_space<vmem>>
        %dma_wait3A_166 = arith.constant 0 : i32
        %dma_wait3A_167 = arith.constant 0 : i32
        %dma_wait3A_168 = tpu.memref_slice %arg9[%dma_wait3A_166, %dma_wait3A_167] : memref<10240x128xf32, #tpu.memory_space<vmem_shared>> -> memref<10240x128xf32, #tpu.memory_space<vmem_shared>>
        %dma_wait3A_169 = tpu.memref_slice %arg12[%rem3A_108] : memref<2x!tpu.dma_semaphore, #tpu.memory_space<semaphore_mem>> -> memref<1x!tpu.dma_semaphore, #tpu.memory_space<semaphore_mem>>
        %dma_wait3A_170 = tpu.memref_squeeze %dma_wait3A_169 : memref<1x!tpu.dma_semaphore, #tpu.memory_space<semaphore_mem>> -> memref<!tpu.dma_semaphore, #tpu.memory_space<semaphore_mem>>
        tpu.wait_indirect_dma semaphore(%dma_wait3A_170 : memref<!tpu.dma_semaphore, #tpu.memory_space<semaphore_mem>>) src(%dma_wait3A_162 : memref<80x128xf32, #tpu.memory_space<vmem>>) dst(%dma_wait3A_168 : memref<10240x128xf32, #tpu.memory_space<vmem_shared>>)
      } else {
      }
      %add3A_111 = arith.constant 1 : i32
      %add3A_112 = arith.addi %scan3A_103, %add3A_111 : i32
      %lt3A = arith.constant 125 : i32
      %lt3A_113 = arith.cmpi slt, %add3A_112, %lt3A : i32
      %convert_element_type3A_114 = arith.extui %lt3A_113 : i1 to i32
      %cond3A_115 = arith.constant 0 : i32
      %cond3A_116 = arith.cmpi ne, %convert_element_type3A_114, %cond3A_115 : i32
      scf.if %cond3A_116 {
        %add3A_158 = arith.constant 1 : i32
        %add3A_159 = arith.addi %scan3A_103, %add3A_158 : i32
        %dma_start3A_160 = arith.constant 0 : i32
        %dma_start3A_161 = arith.constant 0 : i32
        %dma_start3A_162 = tpu.memref_slice %arg8[%rem3A_108, %dma_start3A_160, %dma_start3A_161] : memref<2x80x128xf32, #tpu.memory_space<vmem>> -> memref<1x80x128xf32, #tpu.memory_space<vmem>>
        %dma_start3A_163 = tpu.memref_squeeze %dma_start3A_162 : memref<1x80x128xf32, #tpu.memory_space<vmem>> -> memref<80x128xf32, #tpu.memory_space<vmem>>
        %dma_start3A_164 = arith.constant 0 : i32
        %dma_start3A_165 = tpu.memref_slice %arg6[%add3A_159, %dma_start3A_164] : memref<125x80xi32, #tpu.memory_space<vmem>> -> memref<1x80xi32, #tpu.memory_space<vmem>>
        %dma_start3A_166 = tpu.memref_squeeze %dma_start3A_165 : memref<1x80xi32, #tpu.memory_space<vmem>> -> memref<80xi32, #tpu.memory_space<vmem>>
        %dma_start3A_167 = arith.constant 0 : i32
        %dma_start3A_168 = arith.constant 0 : i32
        %dma_start3A_169 = tpu.memref_slice %arg2[%dma_start3A_167, %dma_start3A_168] : memref<10000x128xf32, #tpu.memory_space<hbm>> -> memref<10000x128xf32, #tpu.memory_space<hbm>>
        %dma_start3A_170 = tpu.memref_slice %arg10[%rem3A_108] : memref<2x!tpu.dma_semaphore, #tpu.memory_space<semaphore_mem>> -> memref<1x!tpu.dma_semaphore, #tpu.memory_space<semaphore_mem>>
        %dma_start3A_171 = tpu.memref_squeeze %dma_start3A_170 : memref<1x!tpu.dma_semaphore, #tpu.memory_space<semaphore_mem>> -> memref<!tpu.dma_semaphore, #tpu.memory_space<semaphore_mem>>
        tpu.enqueue_indirect_dma source(%dma_start3A_169 : memref<10000x128xf32, #tpu.memory_space<hbm>>) target(%dma_start3A_163 : memref<80x128xf32, #tpu.memory_space<vmem>>) offsets(%dma_start3A_166 : memref<80xi32, #tpu.memory_space<vmem>>) semaphore(%dma_start3A_171 : memref<!tpu.dma_semaphore, #tpu.memory_space<semaphore_mem>>)
        %add3A_172 = arith.constant 1 : i32
        %add3A_173 = arith.addi %scan3A_103, %add3A_172 : i32
        %dma_start3A_174 = arith.constant 0 : i32
        %dma_start3A_175 = arith.constant 0 : i32
        %dma_start3A_176 = tpu.memref_slice %arg7[%rem3A_108, %dma_start3A_174, %dma_start3A_175] : memref<2x1x80xi32, #tpu.memory_space<vmem>> -> memref<1x1x80xi32, #tpu.memory_space<vmem>>
        %dma_start3A_177 = tpu.memref_squeeze %dma_start3A_176 : memref<1x1x80xi32, #tpu.memory_space<vmem>> -> memref<1x80xi32, #tpu.memory_space<vmem>>
        %dma_start3A_178 = arith.constant 0 : i32
        %dma_start3A_179 = tpu.memref_slice %arg4[%add3A, %add3A_173, %dma_start3A_178] : memref<32x125x80xi32, #tpu.memory_space<hbm>> -> memref<1x1x80xi32, #tpu.memory_space<hbm>>
        %dma_start3A_180 = tpu.memref_squeeze %dma_start3A_179 : memref<1x1x80xi32, #tpu.memory_space<hbm>> -> memref<1x80xi32, #tpu.memory_space<hbm>>
        %dma_start3A_181 = tpu.memref_slice %arg11[%rem3A_108] : memref<2x!tpu.dma_semaphore, #tpu.memory_space<semaphore_mem>> -> memref<1x!tpu.dma_semaphore, #tpu.memory_space<semaphore_mem>>
        %dma_start3A_182 = tpu.memref_squeeze %dma_start3A_181 : memref<1x!tpu.dma_semaphore, #tpu.memory_space<semaphore_mem>> -> memref<!tpu.dma_semaphore, #tpu.memory_space<semaphore_mem>>
        %dma_start3A_183 = arith.constant 0 : i32
        %dma_start3A_184 = arith.constant 0 : i32
        %dma_start3A_185 = tpu.memref_slice %arg7[%rem3A_108, %dma_start3A_183, %dma_start3A_184] : memref<2x1x80xi32, #tpu.memory_space<vmem>> -> memref<1x1x80xi32, #tpu.memory_space<vmem>>
        %dma_start3A_186 = tpu.memref_squeeze %dma_start3A_185 : memref<1x1x80xi32, #tpu.memory_space<vmem>> -> memref<1x80xi32, #tpu.memory_space<vmem>>
        %dma_start3A_187 = arith.constant 0 : i32
        %dma_start3A_188 = tpu.memref_slice %arg4[%add3A, %add3A_173, %dma_start3A_187] : memref<32x125x80xi32, #tpu.memory_space<hbm>> -> memref<1x1x80xi32, #tpu.memory_space<hbm>>
        %dma_start3A_189 = tpu.memref_squeeze %dma_start3A_188 : memref<1x1x80xi32, #tpu.memory_space<hbm>> -> memref<1x80xi32, #tpu.memory_space<hbm>>
        tpu.enqueue_dma source(%dma_start3A_189 : memref<1x80xi32, #tpu.memory_space<hbm>>) target(%dma_start3A_186 : memref<1x80xi32, #tpu.memory_space<vmem>>) target_semaphore(%dma_start3A_182 : memref<!tpu.dma_semaphore, #tpu.memory_space<semaphore_mem>>)
      } else {
      }
      %dma_wait3A_117 = arith.constant 0 : i32
      %dma_wait3A_118 = arith.constant 0 : i32
      %dma_wait3A_119 = tpu.memref_slice %arg8[%rem3A_104, %dma_wait3A_117, %dma_wait3A_118] : memref<2x80x128xf32, #tpu.memory_space<vmem>> -> memref<1x80x128xf32, #tpu.memory_space<vmem>>
      %dma_wait3A_120 = tpu.memref_squeeze %dma_wait3A_119 : memref<1x80x128xf32, #tpu.memory_space<vmem>> -> memref<80x128xf32, #tpu.memory_space<vmem>>
      %dma_wait3A_121 = arith.constant 0 : i32
      %dma_wait3A_122 = tpu.memref_slice %arg6[%scan3A_103, %dma_wait3A_121] : memref<125x80xi32, #tpu.memory_space<vmem>> -> memref<1x80xi32, #tpu.memory_space<vmem>>
      %dma_wait3A_123 = tpu.memref_squeeze %dma_wait3A_122 : memref<1x80xi32, #tpu.memory_space<vmem>> -> memref<80xi32, #tpu.memory_space<vmem>>
      %dma_wait3A_124 = arith.constant 0 : i32
      %dma_wait3A_125 = arith.constant 0 : i32
      %dma_wait3A_126 = tpu.memref_slice %arg2[%dma_wait3A_124, %dma_wait3A_125] : memref<10000x128xf32, #tpu.memory_space<hbm>> -> memref<10000x128xf32, #tpu.memory_space<hbm>>
      %dma_wait3A_127 = tpu.memref_slice %arg10[%rem3A_104] : memref<2x!tpu.dma_semaphore, #tpu.memory_space<semaphore_mem>> -> memref<1x!tpu.dma_semaphore, #tpu.memory_space<semaphore_mem>>
      %dma_wait3A_128 = tpu.memref_squeeze %dma_wait3A_127 : memref<1x!tpu.dma_semaphore, #tpu.memory_space<semaphore_mem>> -> memref<!tpu.dma_semaphore, #tpu.memory_space<semaphore_mem>>
      tpu.wait_indirect_dma semaphore(%dma_wait3A_128 : memref<!tpu.dma_semaphore, #tpu.memory_space<semaphore_mem>>) src(%dma_wait3A_126 : memref<10000x128xf32, #tpu.memory_space<hbm>>) dst(%dma_wait3A_120 : memref<80x128xf32, #tpu.memory_space<vmem>>)
      %dma_wait3A_129 = arith.constant 0 : i32
      %dma_wait3A_130 = arith.constant 0 : i32
      %dma_wait3A_131 = tpu.memref_slice %arg7[%rem3A_104, %dma_wait3A_129, %dma_wait3A_130] : memref<2x1x80xi32, #tpu.memory_space<vmem>> -> memref<1x1x80xi32, #tpu.memory_space<vmem>>
      %dma_wait3A_132 = tpu.memref_squeeze %dma_wait3A_131 : memref<1x1x80xi32, #tpu.memory_space<vmem>> -> memref<1x80xi32, #tpu.memory_space<vmem>>
      %dma_wait3A_133 = arith.constant 0 : i32
      %dma_wait3A_134 = tpu.memref_slice %arg4[%add3A, %scan3A_103, %dma_wait3A_133] : memref<32x125x80xi32, #tpu.memory_space<hbm>> -> memref<1x1x80xi32, #tpu.memory_space<hbm>>
      %dma_wait3A_135 = tpu.memref_squeeze %dma_wait3A_134 : memref<1x1x80xi32, #tpu.memory_space<hbm>> -> memref<1x80xi32, #tpu.memory_space<hbm>>
      %dma_wait3A_136 = tpu.memref_slice %arg11[%rem3A_104] : memref<2x!tpu.dma_semaphore, #tpu.memory_space<semaphore_mem>> -> memref<1x!tpu.dma_semaphore, #tpu.memory_space<semaphore_mem>>
      %dma_wait3A_137 = tpu.memref_squeeze %dma_wait3A_136 : memref<1x!tpu.dma_semaphore, #tpu.memory_space<semaphore_mem>> -> memref<!tpu.dma_semaphore, #tpu.memory_space<semaphore_mem>>
      %dma_wait3A_138 = arith.constant 0 : i32
      %dma_wait3A_139 = arith.constant 0 : i32
      %dma_wait3A_140 = tpu.memref_slice %arg7[%rem3A_104, %dma_wait3A_138, %dma_wait3A_139] : memref<2x1x80xi32, #tpu.memory_space<vmem>> -> memref<1x1x80xi32, #tpu.memory_space<vmem>>
      %dma_wait3A_141 = tpu.memref_squeeze %dma_wait3A_140 : memref<1x1x80xi32, #tpu.memory_space<vmem>> -> memref<1x80xi32, #tpu.memory_space<vmem>>
      %dma_wait3A_142 = arith.constant 0 : i32
      %dma_wait3A_143 = tpu.memref_slice %arg4[%add3A, %scan3A_103, %dma_wait3A_142] : memref<32x125x80xi32, #tpu.memory_space<hbm>> -> memref<1x1x80xi32, #tpu.memory_space<hbm>>
      %dma_wait3A_144 = tpu.memref_squeeze %dma_wait3A_143 : memref<1x1x80xi32, #tpu.memory_space<hbm>> -> memref<1x80xi32, #tpu.memory_space<hbm>>
      tpu.wait_dma2 semaphore(%dma_wait3A_137 : memref<!tpu.dma_semaphore, #tpu.memory_space<semaphore_mem>>) src(%dma_wait3A_144 : memref<1x80xi32, #tpu.memory_space<hbm>>) dst(%dma_wait3A_141 : memref<1x80xi32, #tpu.memory_space<vmem>>)
      %dma_start3A_145 = arith.constant 0 : i32
      %dma_start3A_146 = arith.constant 0 : i32
      %dma_start3A_147 = arith.constant 0 : i32
      %dma_start3A_148 = tpu.memref_slice %arg8[%rem3A_104, %dma_start3A_146, %dma_start3A_147] : memref<2x80x128xf32, #tpu.memory_space<vmem>> -> memref<1x80x128xf32, #tpu.memory_space<vmem>>
      %dma_start3A_149 = tpu.memref_squeeze %dma_start3A_148 : memref<1x80x128xf32, #tpu.memory_space<vmem>> -> memref<80x128xf32, #tpu.memory_space<vmem>>
      %dma_start3A_150 = arith.constant 0 : i32
      %dma_start3A_151 = tpu.memref_slice %arg7[%rem3A_104, %dma_start3A_145, %dma_start3A_150] : memref<2x1x80xi32, #tpu.memory_space<vmem>> -> memref<1x1x80xi32, #tpu.memory_space<vmem>>
      %dma_start3A_152 = tpu.memref_squeeze %dma_start3A_151 : memref<1x1x80xi32, #tpu.memory_space<vmem>> -> memref<80xi32, #tpu.memory_space<vmem>>
      %dma_start3A_153 = arith.constant 0 : i32
      %dma_start3A_154 = arith.constant 0 : i32
      %dma_start3A_155 = tpu.memref_slice %arg9[%dma_start3A_153, %dma_start3A_154] : memref<10240x128xf32, #tpu.memory_space<vmem_shared>> -> memref<10240x128xf32, #tpu.memory_space<vmem_shared>>
      %dma_start3A_156 = tpu.memref_slice %arg12[%rem3A_104] : memref<2x!tpu.dma_semaphore, #tpu.memory_space<semaphore_mem>> -> memref<1x!tpu.dma_semaphore, #tpu.memory_space<semaphore_mem>>
      %dma_start3A_157 = tpu.memref_squeeze %dma_start3A_156 : memref<1x!tpu.dma_semaphore, #tpu.memory_space<semaphore_mem>> -> memref<!tpu.dma_semaphore, #tpu.memory_space<semaphore_mem>>
      tpu.enqueue_indirect_dma source(%dma_start3A_149 : memref<80x128xf32, #tpu.memory_space<vmem>>) target(%dma_start3A_155 : memref<10240x128xf32, #tpu.memory_space<vmem_shared>>) offsets(%dma_start3A_152 : memref<80xi32, #tpu.memory_space<vmem>>) semaphore(%dma_start3A_157 : memref<!tpu.dma_semaphore, #tpu.memory_space<semaphore_mem>>) {add = true}
    }
    %scan3A_82 = arith.constant 125 : i32
    %dma_wait3A = arith.constant 0 : i32
    %dma_wait3A_83 = arith.constant 0 : i32
    %dma_wait3A_84 = arith.constant 0 : i32
    %dma_wait3A_85 = arith.constant 0 : i32
    %dma_wait3A_86 = arith.constant 0 : i32
    %dma_wait3A_87 = arith.constant 0 : i32
    %dma_wait3A_88 = tpu.memref_slice %arg8[%dma_wait3A, %dma_wait3A_86, %dma_wait3A_87] : memref<2x80x128xf32, #tpu.memory_space<vmem>> -> memref<1x80x128xf32, #tpu.memory_space<vmem>>
    %dma_wait3A_89 = tpu.memref_squeeze %dma_wait3A_88 : memref<1x80x128xf32, #tpu.memory_space<vmem>> -> memref<80x128xf32, #tpu.memory_space<vmem>>
    %dma_wait3A_90 = arith.constant 0 : i32
    %dma_wait3A_91 = tpu.memref_slice %arg7[%dma_wait3A_83, %dma_wait3A_84, %dma_wait3A_90] : memref<2x1x80xi32, #tpu.memory_space<vmem>> -> memref<1x1x80xi32, #tpu.memory_space<vmem>>
    %dma_wait3A_92 = tpu.memref_squeeze %dma_wait3A_91 : memref<1x1x80xi32, #tpu.memory_space<vmem>> -> memref<80xi32, #tpu.memory_space<vmem>>
    %dma_wait3A_93 = arith.constant 0 : i32
    %dma_wait3A_94 = arith.constant 0 : i32
    %dma_wait3A_95 = tpu.memref_slice %arg9[%dma_wait3A_93, %dma_wait3A_94] : memref<10240x128xf32, #tpu.memory_space<vmem_shared>> -> memref<10240x128xf32, #tpu.memory_space<vmem_shared>>
    %dma_wait3A_96 = tpu.memref_slice %arg12[%dma_wait3A_85] : memref<2x!tpu.dma_semaphore, #tpu.memory_space<semaphore_mem>> -> memref<1x!tpu.dma_semaphore, #tpu.memory_space<semaphore_mem>>
    %dma_wait3A_97 = tpu.memref_squeeze %dma_wait3A_96 : memref<1x!tpu.dma_semaphore, #tpu.memory_space<semaphore_mem>> -> memref<!tpu.dma_semaphore, #tpu.memory_space<semaphore_mem>>
    tpu.wait_indirect_dma semaphore(%dma_wait3A_97 : memref<!tpu.dma_semaphore, #tpu.memory_space<semaphore_mem>>) src(%dma_wait3A_89 : memref<80x128xf32, #tpu.memory_space<vmem>>) dst(%dma_wait3A_95 : memref<10240x128xf32, #tpu.memory_space<vmem_shared>>)
    %barrier3A_98 = arith.constant 0 : index
    tpu.barrier barrier_id(%barrier3A_98)
    %mul3A_99 = arith.constant 640 : i32
    %mul3A_100 = arith.muli %arg1, %mul3A_99 : i32
    %mul3A_101 = arith.constant 640 : i32
    %mul3A_102 = arith.muli %arg1, %mul3A_101 : i32
    "tpu.region"() ({
      %run_scoped3A_103 = tpu.sem_alloc : memref<!tpu.dma_semaphore, #tpu.memory_space<semaphore_mem>>
      %dma_start3A_104 = arith.constant 0 : i32
      %dma_start3A_105 = tpu.memref_slice %arg5[%arg0, %mul3A_102, %dma_start3A_104] : memref<2x10240x128xf32, #tpu.memory_space<hbm>> -> memref<1x640x128xf32, #tpu.memory_space<hbm>>
      %dma_start3A_106 = tpu.memref_squeeze %dma_start3A_105 : memref<1x640x128xf32, #tpu.memory_space<hbm>> -> memref<640x128xf32, #tpu.memory_space<hbm>>
      %dma_start3A_107 = arith.constant 0 : i32
      %dma_start3A_108 = tpu.memref_slice %arg9[%mul3A_100, %dma_start3A_107] : memref<10240x128xf32, #tpu.memory_space<vmem_shared>> -> memref<640x128xf32, #tpu.memory_space<vmem_shared>>
      tpu.enqueue_dma source(%dma_start3A_108 : memref<640x128xf32, #tpu.memory_space<vmem_shared>>) target(%dma_start3A_106 : memref<640x128xf32, #tpu.memory_space<hbm>>) target_semaphore(%run_scoped3A_103 : memref<!tpu.dma_semaphore, #tpu.memory_space<semaphore_mem>>)
      %dma_wait3A_109 = arith.constant 0 : i32
      %dma_wait3A_110 = tpu.memref_slice %arg5[%arg0, %mul3A_102, %dma_wait3A_109] : memref<2x10240x128xf32, #tpu.memory_space<hbm>> -> memref<1x640x128xf32, #tpu.memory_space<hbm>>
      %dma_wait3A_111 = tpu.memref_squeeze %dma_wait3A_110 : memref<1x640x128xf32, #tpu.memory_space<hbm>> -> memref<640x128xf32, #tpu.memory_space<hbm>>
      %dma_wait3A_112 = arith.constant 0 : i32
      %dma_wait3A_113 = tpu.memref_slice %arg9[%mul3A_100, %dma_wait3A_112] : memref<10240x128xf32, #tpu.memory_space<vmem_shared>> -> memref<640x128xf32, #tpu.memory_space<vmem_shared>>
      tpu.wait_dma2 semaphore(%run_scoped3A_103 : memref<!tpu.dma_semaphore, #tpu.memory_space<semaphore_mem>>) src(%dma_wait3A_113 : memref<640x128xf32, #tpu.memory_space<vmem_shared>>) dst(%dma_wait3A_111 : memref<640x128xf32, #tpu.memory_space<hbm>>)
      tpu.yield
    }) : () -> ()
    return
  }
}

#map = affine_map<(d0, d1) -> (0, 0, 0)>
#map1 = affine_map<(d0, d1) -> (0, 0)>
module attributes {stable_mosaic.version = 14 : i64} {
  func.func @_deg_sc(%arg0: i32, %arg1: i32, %arg2: memref<32x125x80xi32, #tpu.memory_space<hbm>>, %arg3: memref<2x10240xf32, #tpu.memory_space<hbm>>, %arg4: memref<125x80xi32, #tpu.memory_space<vmem>>, %arg5: memref<80xf32, #tpu.memory_space<vmem>>, %arg6: memref<640xf32, #tpu.memory_space<vmem>>, %arg7: memref<10240xf32, #tpu.memory_space<vmem_shared>>, %arg8: memref<2x!tpu.dma_semaphore, #tpu.memory_space<semaphore_mem>>) attributes {dimension_semantics = [#tpu.dimension_semantics<core_parallel>, #tpu.dimension_semantics<subcore_parallel>], iteration_bounds = array<i64: 2, 16>, scalar_prefetch = 0 : i64, scratch_operands = 5 : i64, tpu.core_type = #tpu.core_type<sc_vector_subcore>, window_params = [{transform_indices = #map}, {transform_indices = #map1}]} {
    %mul3A = arith.constant 2 : i32
    %mul3A_0 = arith.muli %arg1, %mul3A : i32
    %add3A = arith.addi %mul3A_0, %arg0 : i32
    %scan3A = arith.constant 0 : i32
    %scan3A_1 = arith.constant 40 : i32
    %scan3A_2 = arith.addi %scan3A, %scan3A_1 : i32
    %scan3A_3 = arith.constant 1 : i32
    scf.for %scan3A_39 = %scan3A to %scan3A_2 step %scan3A_3  : i32 {
      %broadcast_in_dim3A = arith.constant 0.000000e+00 : f32
      %broadcast_in_dim3A_40 = vector.broadcast %broadcast_in_dim3A : f32 to vector<16xf32>
      %mul3A_41 = arith.constant 16 : i32
      %mul3A_42 = arith.muli %scan3A_39, %mul3A_41 : i32
      %swap3A = arith.index_cast %mul3A_42 : i32 to index
      %swap3A_43 = tpu.vector_load %arg6[%swap3A] {strides = array<i32>} : memref<640xf32, #tpu.memory_space<vmem>>, vector<16xf32>,
      %swap3A_44 = vector.shape_cast %swap3A_43 : vector<16xf32> to vector<16xf32>
      %swap3A_45 = vector.shape_cast %broadcast_in_dim3A_40 : vector<16xf32> to vector<16xf32>
      tpu.vector_store %arg6[%swap3A], %swap3A_45 {strides = array<i32>} : memref<640xf32, #tpu.memory_space<vmem>>, vector<16xf32>,
    }
    %scan3A_4 = arith.constant 40 : i32
    %scan3A_5 = arith.constant 0 : i32
    %scan3A_6 = arith.constant 5 : i32
    %scan3A_7 = arith.addi %scan3A_5, %scan3A_6 : i32
    %scan3A_8 = arith.constant 1 : i32
    scf.for %scan3A_39 = %scan3A_5 to %scan3A_7 step %scan3A_8  : i32 {
      %broadcast_in_dim3A = arith.constant 1.000000e+00 : f32
      %broadcast_in_dim3A_40 = vector.broadcast %broadcast_in_dim3A : f32 to vector<16xf32>
      %mul3A_41 = arith.constant 16 : i32
      %mul3A_42 = arith.muli %scan3A_39, %mul3A_41 : i32
      %swap3A = arith.index_cast %mul3A_42 : i32 to index
      %swap3A_43 = tpu.vector_load %arg5[%swap3A] {strides = array<i32>} : memref<80xf32, #tpu.memory_space<vmem>>, vector<16xf32>,
      %swap3A_44 = vector.shape_cast %swap3A_43 : vector<16xf32> to vector<16xf32>
      %swap3A_45 = vector.shape_cast %broadcast_in_dim3A_40 : vector<16xf32> to vector<16xf32>
      tpu.vector_store %arg5[%swap3A], %swap3A_45 {strides = array<i32>} : memref<80xf32, #tpu.memory_space<vmem>>, vector<16xf32>,
    }
    %scan3A_9 = arith.constant 5 : i32
    %mul3A_10 = arith.constant 640 : i32
    %mul3A_11 = arith.muli %arg1, %mul3A_10 : i32
    "tpu.region"() ({
      %run_scoped3A = tpu.sem_alloc : memref<!tpu.dma_semaphore, #tpu.memory_space<semaphore_mem>>
      %dma_start3A = tpu.memref_slice %arg7[%mul3A_11] : memref<10240xf32, #tpu.memory_space<vmem_shared>> -> memref<640xf32, #tpu.memory_space<vmem_shared>>
      %dma_start3A_39 = tpu.memref_slice %arg7[%mul3A_11] : memref<10240xf32, #tpu.memory_space<vmem_shared>> -> memref<640xf32, #tpu.memory_space<vmem_shared>>
      tpu.enqueue_dma source(%arg6 : memref<640xf32, #tpu.memory_space<vmem>>) target(%dma_start3A_39 : memref<640xf32, #tpu.memory_space<vmem_shared>>) target_semaphore(%run_scoped3A : memref<!tpu.dma_semaphore, #tpu.memory_space<semaphore_mem>>)
      %dma_wait3A_40 = tpu.memref_slice %arg7[%mul3A_11] : memref<10240xf32, #tpu.memory_space<vmem_shared>> -> memref<640xf32, #tpu.memory_space<vmem_shared>>
      %dma_wait3A_41 = tpu.memref_slice %arg7[%mul3A_11] : memref<10240xf32, #tpu.memory_space<vmem_shared>> -> memref<640xf32, #tpu.memory_space<vmem_shared>>
      tpu.wait_dma2 semaphore(%run_scoped3A : memref<!tpu.dma_semaphore, #tpu.memory_space<semaphore_mem>>) src(%arg6 : memref<640xf32, #tpu.memory_space<vmem>>) dst(%dma_wait3A_41 : memref<640xf32, #tpu.memory_space<vmem_shared>>)
      tpu.yield
    }) : () -> ()
    "tpu.region"() ({
      %run_scoped3A = tpu.sem_alloc : memref<!tpu.dma_semaphore, #tpu.memory_space<semaphore_mem>>
      %dma_start3A = arith.constant 0 : i32
      %dma_start3A_39 = arith.constant 0 : i32
      %dma_start3A_40 = tpu.memref_slice %arg2[%add3A, %dma_start3A, %dma_start3A_39] : memref<32x125x80xi32, #tpu.memory_space<hbm>> -> memref<1x125x80xi32, #tpu.memory_space<hbm>>
      %dma_start3A_41 = tpu.memref_squeeze %dma_start3A_40 : memref<1x125x80xi32, #tpu.memory_space<hbm>> -> memref<125x80xi32, #tpu.memory_space<hbm>>
      %dma_start3A_42 = arith.constant 0 : i32
      %dma_start3A_43 = arith.constant 0 : i32
      %dma_start3A_44 = tpu.memref_slice %arg2[%add3A, %dma_start3A_42, %dma_start3A_43] : memref<32x125x80xi32, #tpu.memory_space<hbm>> -> memref<1x125x80xi32, #tpu.memory_space<hbm>>
      %dma_start3A_45 = tpu.memref_squeeze %dma_start3A_44 : memref<1x125x80xi32, #tpu.memory_space<hbm>> -> memref<125x80xi32, #tpu.memory_space<hbm>>
      tpu.enqueue_dma source(%dma_start3A_45 : memref<125x80xi32, #tpu.memory_space<hbm>>) target(%arg4 : memref<125x80xi32, #tpu.memory_space<vmem>>) target_semaphore(%run_scoped3A : memref<!tpu.dma_semaphore, #tpu.memory_space<semaphore_mem>>)
      %dma_wait3A_46 = arith.constant 0 : i32
      %dma_wait3A_47 = arith.constant 0 : i32
      %dma_wait3A_48 = tpu.memref_slice %arg2[%add3A, %dma_wait3A_46, %dma_wait3A_47] : memref<32x125x80xi32, #tpu.memory_space<hbm>> -> memref<1x125x80xi32, #tpu.memory_space<hbm>>
      %dma_wait3A_49 = tpu.memref_squeeze %dma_wait3A_48 : memref<1x125x80xi32, #tpu.memory_space<hbm>> -> memref<125x80xi32, #tpu.memory_space<hbm>>
      %dma_wait3A_50 = arith.constant 0 : i32
      %dma_wait3A_51 = arith.constant 0 : i32
      %dma_wait3A_52 = tpu.memref_slice %arg2[%add3A, %dma_wait3A_50, %dma_wait3A_51] : memref<32x125x80xi32, #tpu.memory_space<hbm>> -> memref<1x125x80xi32, #tpu.memory_space<hbm>>
      %dma_wait3A_53 = tpu.memref_squeeze %dma_wait3A_52 : memref<1x125x80xi32, #tpu.memory_space<hbm>> -> memref<125x80xi32, #tpu.memory_space<hbm>>
      tpu.wait_dma2 semaphore(%run_scoped3A : memref<!tpu.dma_semaphore, #tpu.memory_space<semaphore_mem>>) src(%dma_wait3A_53 : memref<125x80xi32, #tpu.memory_space<hbm>>) dst(%arg4 : memref<125x80xi32, #tpu.memory_space<vmem>>)
      tpu.yield
    }) : () -> ()
    %barrier3A = arith.constant 0 : index
    tpu.barrier barrier_id(%barrier3A)
    %scan3A_12 = arith.constant 0 : i32
    %scan3A_13 = arith.constant 125 : i32
    %scan3A_14 = arith.addi %scan3A_12, %scan3A_13 : i32
    %scan3A_15 = arith.constant 1 : i32
    scf.for %scan3A_39 = %scan3A_12 to %scan3A_14 step %scan3A_15  : i32 {
      %rem3A = arith.constant 2 : i32
      %rem3A_40 = arith.remsi %scan3A_39, %rem3A : i32
      %ge3A = arith.constant 2 : i32
      %ge3A_41 = arith.cmpi sge, %scan3A_39, %ge3A : i32
      %convert_element_type3A = arith.extui %ge3A_41 : i1 to i32
      %cond3A = arith.constant 0 : i32
      %cond3A_42 = arith.cmpi ne, %convert_element_type3A, %cond3A : i32
      scf.if %cond3A_42 {
        %sub3A = arith.constant 2 : i32
        %sub3A_49 = arith.subi %scan3A_39, %sub3A : i32
        %dma_wait3A_50 = arith.constant 0 : i32
        %dma_wait3A_51 = tpu.memref_slice %arg4[%sub3A_49, %dma_wait3A_50] : memref<125x80xi32, #tpu.memory_space<vmem>> -> memref<1x80xi32, #tpu.memory_space<vmem>>
        %dma_wait3A_52 = tpu.memref_squeeze %dma_wait3A_51 : memref<1x80xi32, #tpu.memory_space<vmem>> -> memref<80xi32, #tpu.memory_space<vmem>>
        %dma_wait3A_53 = arith.constant 0 : i32
        %dma_wait3A_54 = tpu.memref_slice %arg7[%dma_wait3A_53] : memref<10240xf32, #tpu.memory_space<vmem_shared>> -> memref<10240xf32, #tpu.memory_space<vmem_shared>>
        %dma_wait3A_55 = tpu.memref_slice %arg8[%rem3A_40] : memref<2x!tpu.dma_semaphore, #tpu.memory_space<semaphore_mem>> -> memref<1x!tpu.dma_semaphore, #tpu.memory_space<semaphore_mem>>
        %dma_wait3A_56 = tpu.memref_squeeze %dma_wait3A_55 : memref<1x!tpu.dma_semaphore, #tpu.memory_space<semaphore_mem>> -> memref<!tpu.dma_semaphore, #tpu.memory_space<semaphore_mem>>
        tpu.wait_indirect_dma semaphore(%dma_wait3A_56 : memref<!tpu.dma_semaphore, #tpu.memory_space<semaphore_mem>>) src(%arg5 : memref<80xf32, #tpu.memory_space<vmem>>) dst(%dma_wait3A_54 : memref<10240xf32, #tpu.memory_space<vmem_shared>>)
      } else {
      }
      %dma_start3A = arith.constant 0 : i32
      %dma_start3A_43 = tpu.memref_slice %arg4[%scan3A_39, %dma_start3A] : memref<125x80xi32, #tpu.memory_space<vmem>> -> memref<1x80xi32, #tpu.memory_space<vmem>>
      %dma_start3A_44 = tpu.memref_squeeze %dma_start3A_43 : memref<1x80xi32, #tpu.memory_space<vmem>> -> memref<80xi32, #tpu.memory_space<vmem>>
      %dma_start3A_45 = arith.constant 0 : i32
      %dma_start3A_46 = tpu.memref_slice %arg7[%dma_start3A_45] : memref<10240xf32, #tpu.memory_space<vmem_shared>> -> memref<10240xf32, #tpu.memory_space<vmem_shared>>
      %dma_start3A_47 = tpu.memref_slice %arg8[%rem3A_40] : memref<2x!tpu.dma_semaphore, #tpu.memory_space<semaphore_mem>> -> memref<1x!tpu.dma_semaphore, #tpu.memory_space<semaphore_mem>>
      %dma_start3A_48 = tpu.memref_squeeze %dma_start3A_47 : memref<1x!tpu.dma_semaphore, #tpu.memory_space<semaphore_mem>> -> memref<!tpu.dma_semaphore, #tpu.memory_space<semaphore_mem>>
      tpu.enqueue_indirect_dma source(%arg5 : memref<80xf32, #tpu.memory_space<vmem>>) target(%dma_start3A_46 : memref<10240xf32, #tpu.memory_space<vmem_shared>>) offsets(%dma_start3A_44 : memref<80xi32, #tpu.memory_space<vmem>>) semaphore(%dma_start3A_48 : memref<!tpu.dma_semaphore, #tpu.memory_space<semaphore_mem>>) {add = true}
    }
    %scan3A_16 = arith.constant 125 : i32
    %dma_wait3A = arith.constant 123 : i32
    %dma_wait3A_17 = arith.constant 1 : i32
    %dma_wait3A_18 = arith.constant 0 : i32
    %dma_wait3A_19 = tpu.memref_slice %arg4[%dma_wait3A, %dma_wait3A_18] : memref<125x80xi32, #tpu.memory_space<vmem>> -> memref<1x80xi32, #tpu.memory_space<vmem>>
    %dma_wait3A_20 = tpu.memref_squeeze %dma_wait3A_19 : memref<1x80xi32, #tpu.memory_space<vmem>> -> memref<80xi32, #tpu.memory_space<vmem>>
    %dma_wait3A_21 = arith.constant 0 : i32
    %dma_wait3A_22 = tpu.memref_slice %arg7[%dma_wait3A_21] : memref<10240xf32, #tpu.memory_space<vmem_shared>> -> memref<10240xf32, #tpu.memory_space<vmem_shared>>
    %dma_wait3A_23 = tpu.memref_slice %arg8[%dma_wait3A_17] : memref<2x!tpu.dma_semaphore, #tpu.memory_space<semaphore_mem>> -> memref<1x!tpu.dma_semaphore, #tpu.memory_space<semaphore_mem>>
    %dma_wait3A_24 = tpu.memref_squeeze %dma_wait3A_23 : memref<1x!tpu.dma_semaphore, #tpu.memory_space<semaphore_mem>> -> memref<!tpu.dma_semaphore, #tpu.memory_space<semaphore_mem>>
    tpu.wait_indirect_dma semaphore(%dma_wait3A_24 : memref<!tpu.dma_semaphore, #tpu.memory_space<semaphore_mem>>) src(%arg5 : memref<80xf32, #tpu.memory_space<vmem>>) dst(%dma_wait3A_22 : memref<10240xf32, #tpu.memory_space<vmem_shared>>)
    %dma_wait3A_25 = arith.constant 124 : i32
    %dma_wait3A_26 = arith.constant 0 : i32
    %dma_wait3A_27 = arith.constant 0 : i32
    %dma_wait3A_28 = tpu.memref_slice %arg4[%dma_wait3A_25, %dma_wait3A_27] : memref<125x80xi32, #tpu.memory_space<vmem>> -> memref<1x80xi32, #tpu.memory_space<vmem>>
    %dma_wait3A_29 = tpu.memref_squeeze %dma_wait3A_28 : memref<1x80xi32, #tpu.memory_space<vmem>> -> memref<80xi32, #tpu.memory_space<vmem>>
    %dma_wait3A_30 = arith.constant 0 : i32
    %dma_wait3A_31 = tpu.memref_slice %arg7[%dma_wait3A_30] : memref<10240xf32, #tpu.memory_space<vmem_shared>> -> memref<10240xf32, #tpu.memory_space<vmem_shared>>
    %dma_wait3A_32 = tpu.memref_slice %arg8[%dma_wait3A_26] : memref<2x!tpu.dma_semaphore, #tpu.memory_space<semaphore_mem>> -> memref<1x!tpu.dma_semaphore, #tpu.memory_space<semaphore_mem>>
    %dma_wait3A_33 = tpu.memref_squeeze %dma_wait3A_32 : memref<1x!tpu.dma_semaphore, #tpu.memory_space<semaphore_mem>> -> memref<!tpu.dma_semaphore, #tpu.memory_space<semaphore_mem>>
    tpu.wait_indirect_dma semaphore(%dma_wait3A_33 : memref<!tpu.dma_semaphore, #tpu.memory_space<semaphore_mem>>) src(%arg5 : memref<80xf32, #tpu.memory_space<vmem>>) dst(%dma_wait3A_31 : memref<10240xf32, #tpu.memory_space<vmem_shared>>)
    %barrier3A_34 = arith.constant 0 : index
    tpu.barrier barrier_id(%barrier3A_34)
    %mul3A_35 = arith.constant 640 : i32
    %mul3A_36 = arith.muli %arg1, %mul3A_35 : i32
    %mul3A_37 = arith.constant 640 : i32
    %mul3A_38 = arith.muli %arg1, %mul3A_37 : i32
    "tpu.region"() ({
      %run_scoped3A = tpu.sem_alloc : memref<!tpu.dma_semaphore, #tpu.memory_space<semaphore_mem>>
      %dma_start3A = tpu.memref_slice %arg3[%arg0, %mul3A_38] : memref<2x10240xf32, #tpu.memory_space<hbm>> -> memref<1x640xf32, #tpu.memory_space<hbm>>
      %dma_start3A_39 = tpu.memref_squeeze %dma_start3A : memref<1x640xf32, #tpu.memory_space<hbm>> -> memref<640xf32, #tpu.memory_space<hbm>>
      %dma_start3A_40 = tpu.memref_slice %arg7[%mul3A_36] : memref<10240xf32, #tpu.memory_space<vmem_shared>> -> memref<640xf32, #tpu.memory_space<vmem_shared>>
      tpu.enqueue_dma source(%dma_start3A_40 : memref<640xf32, #tpu.memory_space<vmem_shared>>) target(%dma_start3A_39 : memref<640xf32, #tpu.memory_space<hbm>>) target_semaphore(%run_scoped3A : memref<!tpu.dma_semaphore, #tpu.memory_space<semaphore_mem>>)
      %dma_wait3A_41 = tpu.memref_slice %arg3[%arg0, %mul3A_38] : memref<2x10240xf32, #tpu.memory_space<hbm>> -> memref<1x640xf32, #tpu.memory_space<hbm>>
      %dma_wait3A_42 = tpu.memref_squeeze %dma_wait3A_41 : memref<1x640xf32, #tpu.memory_space<hbm>> -> memref<640xf32, #tpu.memory_space<hbm>>
      %dma_wait3A_43 = tpu.memref_slice %arg7[%mul3A_36] : memref<10240xf32, #tpu.memory_space<vmem_shared>> -> memref<640xf32, #tpu.memory_space<vmem_shared>>
      tpu.wait_dma2 semaphore(%run_scoped3A : memref<!tpu.dma_semaphore, #tpu.memory_space<semaphore_mem>>) src(%dma_wait3A_43 : memref<640xf32, #tpu.memory_space<vmem_shared>>) dst(%dma_wait3A_42 : memref<640xf32, #tpu.memory_space<hbm>>)
      tpu.yield
    }) : () -> ()
    return
  }
}

#map = affine_map<(d0, d1) -> (0, 0)>
#map1 = affine_map<(d0, d1) -> (0, 0, 0)>
module attributes {stable_mosaic.version = 14 : i64} {
  func.func @_hop_sc(%arg0: i32, %arg1: i32, %arg2: memref<10000x128xf32, #tpu.memory_space<hbm>>, %arg3: memref<32x125x80xi32, #tpu.memory_space<hbm>>, %arg4: memref<32x125x80xi32, #tpu.memory_space<hbm>>, %arg5: memref<2x10240x128xf32, #tpu.memory_space<hbm>>, %arg6: memref<125x80xi32, #tpu.memory_space<vmem>>, %arg7: memref<2x1x80xi32, #tpu.memory_space<vmem>>, %arg8: memref<2x80x128xf32, #tpu.memory_space<vmem>>, %arg9: memref<10240x128xf32, #tpu.memory_space<vmem_shared>>, %arg10: memref<2x!tpu.dma_semaphore, #tpu.memory_space<semaphore_mem>>, %arg11: memref<2x!tpu.dma_semaphore, #tpu.memory_space<semaphore_mem>>, %arg12: memref<2x!tpu.dma_semaphore, #tpu.memory_space<semaphore_mem>>) attributes {dimension_semantics = [#tpu.dimension_semantics<core_parallel>, #tpu.dimension_semantics<subcore_parallel>], iteration_bounds = array<i64: 2, 16>, scalar_prefetch = 0 : i64, scratch_operands = 7 : i64, tpu.core_type = #tpu.core_type<sc_vector_subcore>, window_params = [{transform_indices = #map}, {transform_indices = #map1}, {transform_indices = #map1}, {transform_indices = #map1}]} {
    %mul3A = arith.constant 2 : i32
    %mul3A_0 = arith.muli %arg1, %mul3A : i32
    %add3A = arith.addi %mul3A_0, %arg0 : i32
    %scan3A = arith.constant 0 : i32
    %scan3A_1 = arith.constant 80 : i32
    %scan3A_2 = arith.addi %scan3A, %scan3A_1 : i32
    %scan3A_3 = arith.constant 1 : i32
    scf.for %scan3A_103 = %scan3A to %scan3A_2 step %scan3A_3  : i32 {
      %broadcast_in_dim3A = arith.constant 0.000000e+00 : f32
      %broadcast_in_dim3A_104 = vector.broadcast %broadcast_in_dim3A : f32 to vector<16xf32>
      %swap3A = arith.constant 0 : i32
      %swap3A_105 = arith.index_cast %swap3A : i32 to index
      %swap3A_106 = arith.index_cast %scan3A_103 : i32 to index
      %swap3A_107 = arith.constant 0 : index
      %swap3A_108 = tpu.vector_load %arg8[%swap3A_105, %swap3A_106, %swap3A_107] {strides = array<i32>} : memref<2x80x128xf32, #tpu.memory_space<vmem>>, vector<1x1x16xf32>,
      %swap3A_109 = vector.shape_cast %swap3A_108 : vector<1x1x16xf32> to vector<16xf32>
      %swap3A_110 = vector.shape_cast %broadcast_in_dim3A_104 : vector<16xf32> to vector<1x1x16xf32>
      tpu.vector_store %arg8[%swap3A_105, %swap3A_106, %swap3A_107], %swap3A_110 {strides = array<i32>} : memref<2x80x128xf32, #tpu.memory_space<vmem>>, vector<1x1x16xf32>,
      %broadcast_in_dim3A_111 = arith.constant 0.000000e+00 : f32
      %broadcast_in_dim3A_112 = vector.broadcast %broadcast_in_dim3A_111 : f32 to vector<16xf32>
      %swap3A_113 = arith.constant 0 : i32
      %swap3A_114 = arith.index_cast %swap3A_113 : i32 to index
      %swap3A_115 = arith.index_cast %scan3A_103 : i32 to index
      %swap3A_116 = arith.constant 16 : index
      %swap3A_117 = tpu.vector_load %arg8[%swap3A_114, %swap3A_115, %swap3A_116] {strides = array<i32>} : memref<2x80x128xf32, #tpu.memory_space<vmem>>, vector<1x1x16xf32>,
      %swap3A_118 = vector.shape_cast %swap3A_117 : vector<1x1x16xf32> to vector<16xf32>
      %swap3A_119 = vector.shape_cast %broadcast_in_dim3A_112 : vector<16xf32> to vector<1x1x16xf32>
      tpu.vector_store %arg8[%swap3A_114, %swap3A_115, %swap3A_116], %swap3A_119 {strides = array<i32>} : memref<2x80x128xf32, #tpu.memory_space<vmem>>, vector<1x1x16xf32>,
      %broadcast_in_dim3A_120 = arith.constant 0.000000e+00 : f32
      %broadcast_in_dim3A_121 = vector.broadcast %broadcast_in_dim3A_120 : f32 to vector<16xf32>
      %swap3A_122 = arith.constant 0 : i32
      %swap3A_123 = arith.index_cast %swap3A_122 : i32 to index
      %swap3A_124 = arith.index_cast %scan3A_103 : i32 to index
      %swap3A_125 = arith.constant 32 : index
      %swap3A_126 = tpu.vector_load %arg8[%swap3A_123, %swap3A_124, %swap3A_125] {strides = array<i32>} : memref<2x80x128xf32, #tpu.memory_space<vmem>>, vector<1x1x16xf32>,
      %swap3A_127 = vector.shape_cast %swap3A_126 : vector<1x1x16xf32> to vector<16xf32>
      %swap3A_128 = vector.shape_cast %broadcast_in_dim3A_121 : vector<16xf32> to vector<1x1x16xf32>
      tpu.vector_store %arg8[%swap3A_123, %swap3A_124, %swap3A_125], %swap3A_128 {strides = array<i32>} : memref<2x80x128xf32, #tpu.memory_space<vmem>>, vector<1x1x16xf32>,
      %broadcast_in_dim3A_129 = arith.constant 0.000000e+00 : f32
      %broadcast_in_dim3A_130 = vector.broadcast %broadcast_in_dim3A_129 : f32 to vector<16xf32>
      %swap3A_131 = arith.constant 0 : i32
      %swap3A_132 = arith.index_cast %swap3A_131 : i32 to index
      %swap3A_133 = arith.index_cast %scan3A_103 : i32 to index
      %swap3A_134 = arith.constant 48 : index
      %swap3A_135 = tpu.vector_load %arg8[%swap3A_132, %swap3A_133, %swap3A_134] {strides = array<i32>} : memref<2x80x128xf32, #tpu.memory_space<vmem>>, vector<1x1x16xf32>,
      %swap3A_136 = vector.shape_cast %swap3A_135 : vector<1x1x16xf32> to vector<16xf32>
      %swap3A_137 = vector.shape_cast %broadcast_in_dim3A_130 : vector<16xf32> to vector<1x1x16xf32>
      tpu.vector_store %arg8[%swap3A_132, %swap3A_133, %swap3A_134], %swap3A_137 {strides = array<i32>} : memref<2x80x128xf32, #tpu.memory_space<vmem>>, vector<1x1x16xf32>,
      %broadcast_in_dim3A_138 = arith.constant 0.000000e+00 : f32
      %broadcast_in_dim3A_139 = vector.broadcast %broadcast_in_dim3A_138 : f32 to vector<16xf32>
      %swap3A_140 = arith.constant 0 : i32
      %swap3A_141 = arith.index_cast %swap3A_140 : i32 to index
      %swap3A_142 = arith.index_cast %scan3A_103 : i32 to index
      %swap3A_143 = arith.constant 64 : index
      %swap3A_144 = tpu.vector_load %arg8[%swap3A_141, %swap3A_142, %swap3A_143] {strides = array<i32>} : memref<2x80x128xf32, #tpu.memory_space<vmem>>, vector<1x1x16xf32>,
      %swap3A_145 = vector.shape_cast %swap3A_144 : vector<1x1x16xf32> to vector<16xf32>
      %swap3A_146 = vector.shape_cast %broadcast_in_dim3A_139 : vector<16xf32> to vector<1x1x16xf32>
      tpu.vector_store %arg8[%swap3A_141, %swap3A_142, %swap3A_143], %swap3A_146 {strides = array<i32>} : memref<2x80x128xf32, #tpu.memory_space<vmem>>, vector<1x1x16xf32>,
      %broadcast_in_dim3A_147 = arith.constant 0.000000e+00 : f32
      %broadcast_in_dim3A_148 = vector.broadcast %broadcast_in_dim3A_147 : f32 to vector<16xf32>
      %swap3A_149 = arith.constant 0 : i32
      %swap3A_150 = arith.index_cast %swap3A_149 : i32 to index
      %swap3A_151 = arith.index_cast %scan3A_103 : i32 to index
      %swap3A_152 = arith.constant 80 : index
      %swap3A_153 = tpu.vector_load %arg8[%swap3A_150, %swap3A_151, %swap3A_152] {strides = array<i32>} : memref<2x80x128xf32, #tpu.memory_space<vmem>>, vector<1x1x16xf32>,
      %swap3A_154 = vector.shape_cast %swap3A_153 : vector<1x1x16xf32> to vector<16xf32>
      %swap3A_155 = vector.shape_cast %broadcast_in_dim3A_148 : vector<16xf32> to vector<1x1x16xf32>
      tpu.vector_store %arg8[%swap3A_150, %swap3A_151, %swap3A_152], %swap3A_155 {strides = array<i32>} : memref<2x80x128xf32, #tpu.memory_space<vmem>>, vector<1x1x16xf32>,
      %broadcast_in_dim3A_156 = arith.constant 0.000000e+00 : f32
      %broadcast_in_dim3A_157 = vector.broadcast %broadcast_in_dim3A_156 : f32 to vector<16xf32>
      %swap3A_158 = arith.constant 0 : i32
      %swap3A_159 = arith.index_cast %swap3A_158 : i32 to index
      %swap3A_160 = arith.index_cast %scan3A_103 : i32 to index
      %swap3A_161 = arith.constant 96 : index
      %swap3A_162 = tpu.vector_load %arg8[%swap3A_159, %swap3A_160, %swap3A_161] {strides = array<i32>} : memref<2x80x128xf32, #tpu.memory_space<vmem>>, vector<1x1x16xf32>,
      %swap3A_163 = vector.shape_cast %swap3A_162 : vector<1x1x16xf32> to vector<16xf32>
      %swap3A_164 = vector.shape_cast %broadcast_in_dim3A_157 : vector<16xf32> to vector<1x1x16xf32>
      tpu.vector_store %arg8[%swap3A_159, %swap3A_160, %swap3A_161], %swap3A_164 {strides = array<i32>} : memref<2x80x128xf32, #tpu.memory_space<vmem>>, vector<1x1x16xf32>,
      %broadcast_in_dim3A_165 = arith.constant 0.000000e+00 : f32
      %broadcast_in_dim3A_166 = vector.broadcast %broadcast_in_dim3A_165 : f32 to vector<16xf32>
      %swap3A_167 = arith.constant 0 : i32
      %swap3A_168 = arith.index_cast %swap3A_167 : i32 to index
      %swap3A_169 = arith.index_cast %scan3A_103 : i32 to index
      %swap3A_170 = arith.constant 112 : index
      %swap3A_171 = tpu.vector_load %arg8[%swap3A_168, %swap3A_169, %swap3A_170] {strides = array<i32>} : memref<2x80x128xf32, #tpu.memory_space<vmem>>, vector<1x1x16xf32>,
      %swap3A_172 = vector.shape_cast %swap3A_171 : vector<1x1x16xf32> to vector<16xf32>
      %swap3A_173 = vector.shape_cast %broadcast_in_dim3A_166 : vector<16xf32> to vector<1x1x16xf32>
      tpu.vector_store %arg8[%swap3A_168, %swap3A_169, %swap3A_170], %swap3A_173 {strides = array<i32>} : memref<2x80x128xf32, #tpu.memory_space<vmem>>, vector<1x1x16xf32>,
    }
    %scan3A_4 = arith.constant 80 : i32
    %mul3A_5 = arith.constant 640 : i32
    %mul3A_6 = arith.muli %arg1, %mul3A_5 : i32
    %add3A_7 = arith.constant 0 : i32
    %add3A_8 = arith.addi %mul3A_6, %add3A_7 : i32
    %run_scoped3A = arith.constant 0 : i32
    "tpu.region"() ({
      %run_scoped3A_103 = tpu.sem_alloc : memref<!tpu.dma_semaphore, #tpu.memory_space<semaphore_mem>>
      %dma_start3A_104 = arith.constant 0 : i32
      %dma_start3A_105 = arith.constant 0 : i32
      %dma_start3A_106 = tpu.memref_slice %arg8[%run_scoped3A, %dma_start3A_104, %dma_start3A_105] : memref<2x80x128xf32, #tpu.memory_space<vmem>> -> memref<1x80x128xf32, #tpu.memory_space<vmem>>
      %dma_start3A_107 = tpu.memref_squeeze %dma_start3A_106 : memref<1x80x128xf32, #tpu.memory_space<vmem>> -> memref<80x128xf32, #tpu.memory_space<vmem>>
      %dma_start3A_108 = arith.constant 0 : i32
      %dma_start3A_109 = tpu.memref_slice %arg9[%add3A_8, %dma_start3A_108] : memref<10240x128xf32, #tpu.memory_space<vmem_shared>> -> memref<80x128xf32, #tpu.memory_space<vmem_shared>>
      %dma_start3A_110 = arith.constant 0 : i32
      %dma_start3A_111 = tpu.memref_slice %arg9[%add3A_8, %dma_start3A_110] : memref<10240x128xf32, #tpu.memory_space<vmem_shared>> -> memref<80x128xf32, #tpu.memory_space<vmem_shared>>
      %dma_start3A_112 = arith.constant 0 : i32
      %dma_start3A_113 = arith.constant 0 : i32
      %dma_start3A_114 = tpu.memref_slice %arg8[%run_scoped3A, %dma_start3A_112, %dma_start3A_113] : memref<2x80x128xf32, #tpu.memory_space<vmem>> -> memref<1x80x128xf32, #tpu.memory_space<vmem>>
      %dma_start3A_115 = tpu.memref_squeeze %dma_start3A_114 : memref<1x80x128xf32, #tpu.memory_space<vmem>> -> memref<80x128xf32, #tpu.memory_space<vmem>>
      tpu.enqueue_dma source(%dma_start3A_115 : memref<80x128xf32, #tpu.memory_space<vmem>>) target(%dma_start3A_111 : memref<80x128xf32, #tpu.memory_space<vmem_shared>>) target_semaphore(%run_scoped3A_103 : memref<!tpu.dma_semaphore, #tpu.memory_space<semaphore_mem>>)
      %dma_wait3A_116 = arith.constant 0 : i32
      %dma_wait3A_117 = arith.constant 0 : i32
      %dma_wait3A_118 = tpu.memref_slice %arg8[%run_scoped3A, %dma_wait3A_116, %dma_wait3A_117] : memref<2x80x128xf32, #tpu.memory_space<vmem>> -> memref<1x80x128xf32, #tpu.memory_space<vmem>>
      %dma_wait3A_119 = tpu.memref_squeeze %dma_wait3A_118 : memref<1x80x128xf32, #tpu.memory_space<vmem>> -> memref<80x128xf32, #tpu.memory_space<vmem>>
      %dma_wait3A_120 = arith.constant 0 : i32
      %dma_wait3A_121 = tpu.memref_slice %arg9[%add3A_8, %dma_wait3A_120] : memref<10240x128xf32, #tpu.memory_space<vmem_shared>> -> memref<80x128xf32, #tpu.memory_space<vmem_shared>>
      %dma_wait3A_122 = arith.constant 0 : i32
      %dma_wait3A_123 = tpu.memref_slice %arg9[%add3A_8, %dma_wait3A_122] : memref<10240x128xf32, #tpu.memory_space<vmem_shared>> -> memref<80x128xf32, #tpu.memory_space<vmem_shared>>
      %dma_wait3A_124 = arith.constant 0 : i32
      %dma_wait3A_125 = arith.constant 0 : i32
      %dma_wait3A_126 = tpu.memref_slice %arg8[%run_scoped3A, %dma_wait3A_124, %dma_wait3A_125] : memref<2x80x128xf32, #tpu.memory_space<vmem>> -> memref<1x80x128xf32, #tpu.memory_space<vmem>>
      %dma_wait3A_127 = tpu.memref_squeeze %dma_wait3A_126 : memref<1x80x128xf32, #tpu.memory_space<vmem>> -> memref<80x128xf32, #tpu.memory_space<vmem>>
      tpu.wait_dma2 semaphore(%run_scoped3A_103 : memref<!tpu.dma_semaphore, #tpu.memory_space<semaphore_mem>>) src(%dma_wait3A_127 : memref<80x128xf32, #tpu.memory_space<vmem>>) dst(%dma_wait3A_123 : memref<80x128xf32, #tpu.memory_space<vmem_shared>>)
      tpu.yield
    }) : () -> ()
    %mul3A_9 = arith.constant 640 : i32
    %mul3A_10 = arith.muli %arg1, %mul3A_9 : i32
    %add3A_11 = arith.constant 80 : i32
    %add3A_12 = arith.addi %mul3A_10, %add3A_11 : i32
    %run_scoped3A_13 = arith.constant 0 : i32
    "tpu.region"() ({
      %run_scoped3A_103 = tpu.sem_alloc : memref<!tpu.dma_semaphore, #tpu.memory_space<semaphore_mem>>
      %dma_start3A_104 = arith.constant 0 : i32
      %dma_start3A_105 = arith.constant 0 : i32
      %dma_start3A_106 = tpu.memref_slice %arg8[%run_scoped3A_13, %dma_start3A_104, %dma_start3A_105] : memref<2x80x128xf32, #tpu.memory_space<vmem>> -> memref<1x80x128xf32, #tpu.memory_space<vmem>>
      %dma_start3A_107 = tpu.memref_squeeze %dma_start3A_106 : memref<1x80x128xf32, #tpu.memory_space<vmem>> -> memref<80x128xf32, #tpu.memory_space<vmem>>
      %dma_start3A_108 = arith.constant 0 : i32
      %dma_start3A_109 = tpu.memref_slice %arg9[%add3A_12, %dma_start3A_108] : memref<10240x128xf32, #tpu.memory_space<vmem_shared>> -> memref<80x128xf32, #tpu.memory_space<vmem_shared>>
      %dma_start3A_110 = arith.constant 0 : i32
      %dma_start3A_111 = tpu.memref_slice %arg9[%add3A_12, %dma_start3A_110] : memref<10240x128xf32, #tpu.memory_space<vmem_shared>> -> memref<80x128xf32, #tpu.memory_space<vmem_shared>>
      %dma_start3A_112 = arith.constant 0 : i32
      %dma_start3A_113 = arith.constant 0 : i32
      %dma_start3A_114 = tpu.memref_slice %arg8[%run_scoped3A_13, %dma_start3A_112, %dma_start3A_113] : memref<2x80x128xf32, #tpu.memory_space<vmem>> -> memref<1x80x128xf32, #tpu.memory_space<vmem>>
      %dma_start3A_115 = tpu.memref_squeeze %dma_start3A_114 : memref<1x80x128xf32, #tpu.memory_space<vmem>> -> memref<80x128xf32, #tpu.memory_space<vmem>>
      tpu.enqueue_dma source(%dma_start3A_115 : memref<80x128xf32, #tpu.memory_space<vmem>>) target(%dma_start3A_111 : memref<80x128xf32, #tpu.memory_space<vmem_shared>>) target_semaphore(%run_scoped3A_103 : memref<!tpu.dma_semaphore, #tpu.memory_space<semaphore_mem>>)
      %dma_wait3A_116 = arith.constant 0 : i32
      %dma_wait3A_117 = arith.constant 0 : i32
      %dma_wait3A_118 = tpu.memref_slice %arg8[%run_scoped3A_13, %dma_wait3A_116, %dma_wait3A_117] : memref<2x80x128xf32, #tpu.memory_space<vmem>> -> memref<1x80x128xf32, #tpu.memory_space<vmem>>
      %dma_wait3A_119 = tpu.memref_squeeze %dma_wait3A_118 : memref<1x80x128xf32, #tpu.memory_space<vmem>> -> memref<80x128xf32, #tpu.memory_space<vmem>>
      %dma_wait3A_120 = arith.constant 0 : i32
      %dma_wait3A_121 = tpu.memref_slice %arg9[%add3A_12, %dma_wait3A_120] : memref<10240x128xf32, #tpu.memory_space<vmem_shared>> -> memref<80x128xf32, #tpu.memory_space<vmem_shared>>
      %dma_wait3A_122 = arith.constant 0 : i32
      %dma_wait3A_123 = tpu.memref_slice %arg9[%add3A_12, %dma_wait3A_122] : memref<10240x128xf32, #tpu.memory_space<vmem_shared>> -> memref<80x128xf32, #tpu.memory_space<vmem_shared>>
      %dma_wait3A_124 = arith.constant 0 : i32
      %dma_wait3A_125 = arith.constant 0 : i32
      %dma_wait3A_126 = tpu.memref_slice %arg8[%run_scoped3A_13, %dma_wait3A_124, %dma_wait3A_125] : memref<2x80x128xf32, #tpu.memory_space<vmem>> -> memref<1x80x128xf32, #tpu.memory_space<vmem>>
      %dma_wait3A_127 = tpu.memref_squeeze %dma_wait3A_126 : memref<1x80x128xf32, #tpu.memory_space<vmem>> -> memref<80x128xf32, #tpu.memory_space<vmem>>
      tpu.wait_dma2 semaphore(%run_scoped3A_103 : memref<!tpu.dma_semaphore, #tpu.memory_space<semaphore_mem>>) src(%dma_wait3A_127 : memref<80x128xf32, #tpu.memory_space<vmem>>) dst(%dma_wait3A_123 : memref<80x128xf32, #tpu.memory_space<vmem_shared>>)
      tpu.yield
    }) : () -> ()
    %mul3A_14 = arith.constant 640 : i32
    %mul3A_15 = arith.muli %arg1, %mul3A_14 : i32
    %add3A_16 = arith.constant 160 : i32
    %add3A_17 = arith.addi %mul3A_15, %add3A_16 : i32
    %run_scoped3A_18 = arith.constant 0 : i32
    "tpu.region"() ({
      %run_scoped3A_103 = tpu.sem_alloc : memref<!tpu.dma_semaphore, #tpu.memory_space<semaphore_mem>>
      %dma_start3A_104 = arith.constant 0 : i32
      %dma_start3A_105 = arith.constant 0 : i32
      %dma_start3A_106 = tpu.memref_slice %arg8[%run_scoped3A_18, %dma_start3A_104, %dma_start3A_105] : memref<2x80x128xf32, #tpu.memory_space<vmem>> -> memref<1x80x128xf32, #tpu.memory_space<vmem>>
      %dma_start3A_107 = tpu.memref_squeeze %dma_start3A_106 : memref<1x80x128xf32, #tpu.memory_space<vmem>> -> memref<80x128xf32, #tpu.memory_space<vmem>>
      %dma_start3A_108 = arith.constant 0 : i32
      %dma_start3A_109 = tpu.memref_slice %arg9[%add3A_17, %dma_start3A_108] : memref<10240x128xf32, #tpu.memory_space<vmem_shared>> -> memref<80x128xf32, #tpu.memory_space<vmem_shared>>
      %dma_start3A_110 = arith.constant 0 : i32
      %dma_start3A_111 = tpu.memref_slice %arg9[%add3A_17, %dma_start3A_110] : memref<10240x128xf32, #tpu.memory_space<vmem_shared>> -> memref<80x128xf32, #tpu.memory_space<vmem_shared>>
      %dma_start3A_112 = arith.constant 0 : i32
      %dma_start3A_113 = arith.constant 0 : i32
      %dma_start3A_114 = tpu.memref_slice %arg8[%run_scoped3A_18, %dma_start3A_112, %dma_start3A_113] : memref<2x80x128xf32, #tpu.memory_space<vmem>> -> memref<1x80x128xf32, #tpu.memory_space<vmem>>
      %dma_start3A_115 = tpu.memref_squeeze %dma_start3A_114 : memref<1x80x128xf32, #tpu.memory_space<vmem>> -> memref<80x128xf32, #tpu.memory_space<vmem>>
      tpu.enqueue_dma source(%dma_start3A_115 : memref<80x128xf32, #tpu.memory_space<vmem>>) target(%dma_start3A_111 : memref<80x128xf32, #tpu.memory_space<vmem_shared>>) target_semaphore(%run_scoped3A_103 : memref<!tpu.dma_semaphore, #tpu.memory_space<semaphore_mem>>)
      %dma_wait3A_116 = arith.constant 0 : i32
      %dma_wait3A_117 = arith.constant 0 : i32
      %dma_wait3A_118 = tpu.memref_slice %arg8[%run_scoped3A_18, %dma_wait3A_116, %dma_wait3A_117] : memref<2x80x128xf32, #tpu.memory_space<vmem>> -> memref<1x80x128xf32, #tpu.memory_space<vmem>>
      %dma_wait3A_119 = tpu.memref_squeeze %dma_wait3A_118 : memref<1x80x128xf32, #tpu.memory_space<vmem>> -> memref<80x128xf32, #tpu.memory_space<vmem>>
      %dma_wait3A_120 = arith.constant 0 : i32
      %dma_wait3A_121 = tpu.memref_slice %arg9[%add3A_17, %dma_wait3A_120] : memref<10240x128xf32, #tpu.memory_space<vmem_shared>> -> memref<80x128xf32, #tpu.memory_space<vmem_shared>>
      %dma_wait3A_122 = arith.constant 0 : i32
      %dma_wait3A_123 = tpu.memref_slice %arg9[%add3A_17, %dma_wait3A_122] : memref<10240x128xf32, #tpu.memory_space<vmem_shared>> -> memref<80x128xf32, #tpu.memory_space<vmem_shared>>
      %dma_wait3A_124 = arith.constant 0 : i32
      %dma_wait3A_125 = arith.constant 0 : i32
      %dma_wait3A_126 = tpu.memref_slice %arg8[%run_scoped3A_18, %dma_wait3A_124, %dma_wait3A_125] : memref<2x80x128xf32, #tpu.memory_space<vmem>> -> memref<1x80x128xf32, #tpu.memory_space<vmem>>
      %dma_wait3A_127 = tpu.memref_squeeze %dma_wait3A_126 : memref<1x80x128xf32, #tpu.memory_space<vmem>> -> memref<80x128xf32, #tpu.memory_space<vmem>>
      tpu.wait_dma2 semaphore(%run_scoped3A_103 : memref<!tpu.dma_semaphore, #tpu.memory_space<semaphore_mem>>) src(%dma_wait3A_127 : memref<80x128xf32, #tpu.memory_space<vmem>>) dst(%dma_wait3A_123 : memref<80x128xf32, #tpu.memory_space<vmem_shared>>)
      tpu.yield
    }) : () -> ()
    %mul3A_19 = arith.constant 640 : i32
    %mul3A_20 = arith.muli %arg1, %mul3A_19 : i32
    %add3A_21 = arith.constant 240 : i32
    %add3A_22 = arith.addi %mul3A_20, %add3A_21 : i32
    %run_scoped3A_23 = arith.constant 0 : i32
    "tpu.region"() ({
      %run_scoped3A_103 = tpu.sem_alloc : memref<!tpu.dma_semaphore, #tpu.memory_space<semaphore_mem>>
      %dma_start3A_104 = arith.constant 0 : i32
      %dma_start3A_105 = arith.constant 0 : i32
      %dma_start3A_106 = tpu.memref_slice %arg8[%run_scoped3A_23, %dma_start3A_104, %dma_start3A_105] : memref<2x80x128xf32, #tpu.memory_space<vmem>> -> memref<1x80x128xf32, #tpu.memory_space<vmem>>
      %dma_start3A_107 = tpu.memref_squeeze %dma_start3A_106 : memref<1x80x128xf32, #tpu.memory_space<vmem>> -> memref<80x128xf32, #tpu.memory_space<vmem>>
      %dma_start3A_108 = arith.constant 0 : i32
      %dma_start3A_109 = tpu.memref_slice %arg9[%add3A_22, %dma_start3A_108] : memref<10240x128xf32, #tpu.memory_space<vmem_shared>> -> memref<80x128xf32, #tpu.memory_space<vmem_shared>>
      %dma_start3A_110 = arith.constant 0 : i32
      %dma_start3A_111 = tpu.memref_slice %arg9[%add3A_22, %dma_start3A_110] : memref<10240x128xf32, #tpu.memory_space<vmem_shared>> -> memref<80x128xf32, #tpu.memory_space<vmem_shared>>
      %dma_start3A_112 = arith.constant 0 : i32
      %dma_start3A_113 = arith.constant 0 : i32
      %dma_start3A_114 = tpu.memref_slice %arg8[%run_scoped3A_23, %dma_start3A_112, %dma_start3A_113] : memref<2x80x128xf32, #tpu.memory_space<vmem>> -> memref<1x80x128xf32, #tpu.memory_space<vmem>>
      %dma_start3A_115 = tpu.memref_squeeze %dma_start3A_114 : memref<1x80x128xf32, #tpu.memory_space<vmem>> -> memref<80x128xf32, #tpu.memory_space<vmem>>
      tpu.enqueue_dma source(%dma_start3A_115 : memref<80x128xf32, #tpu.memory_space<vmem>>) target(%dma_start3A_111 : memref<80x128xf32, #tpu.memory_space<vmem_shared>>) target_semaphore(%run_scoped3A_103 : memref<!tpu.dma_semaphore, #tpu.memory_space<semaphore_mem>>)
      %dma_wait3A_116 = arith.constant 0 : i32
      %dma_wait3A_117 = arith.constant 0 : i32
      %dma_wait3A_118 = tpu.memref_slice %arg8[%run_scoped3A_23, %dma_wait3A_116, %dma_wait3A_117] : memref<2x80x128xf32, #tpu.memory_space<vmem>> -> memref<1x80x128xf32, #tpu.memory_space<vmem>>
      %dma_wait3A_119 = tpu.memref_squeeze %dma_wait3A_118 : memref<1x80x128xf32, #tpu.memory_space<vmem>> -> memref<80x128xf32, #tpu.memory_space<vmem>>
      %dma_wait3A_120 = arith.constant 0 : i32
      %dma_wait3A_121 = tpu.memref_slice %arg9[%add3A_22, %dma_wait3A_120] : memref<10240x128xf32, #tpu.memory_space<vmem_shared>> -> memref<80x128xf32, #tpu.memory_space<vmem_shared>>
      %dma_wait3A_122 = arith.constant 0 : i32
      %dma_wait3A_123 = tpu.memref_slice %arg9[%add3A_22, %dma_wait3A_122] : memref<10240x128xf32, #tpu.memory_space<vmem_shared>> -> memref<80x128xf32, #tpu.memory_space<vmem_shared>>
      %dma_wait3A_124 = arith.constant 0 : i32
      %dma_wait3A_125 = arith.constant 0 : i32
      %dma_wait3A_126 = tpu.memref_slice %arg8[%run_scoped3A_23, %dma_wait3A_124, %dma_wait3A_125] : memref<2x80x128xf32, #tpu.memory_space<vmem>> -> memref<1x80x128xf32, #tpu.memory_space<vmem>>
      %dma_wait3A_127 = tpu.memref_squeeze %dma_wait3A_126 : memref<1x80x128xf32, #tpu.memory_space<vmem>> -> memref<80x128xf32, #tpu.memory_space<vmem>>
      tpu.wait_dma2 semaphore(%run_scoped3A_103 : memref<!tpu.dma_semaphore, #tpu.memory_space<semaphore_mem>>) src(%dma_wait3A_127 : memref<80x128xf32, #tpu.memory_space<vmem>>) dst(%dma_wait3A_123 : memref<80x128xf32, #tpu.memory_space<vmem_shared>>)
      tpu.yield
    }) : () -> ()
    %mul3A_24 = arith.constant 640 : i32
    %mul3A_25 = arith.muli %arg1, %mul3A_24 : i32
    %add3A_26 = arith.constant 320 : i32
    %add3A_27 = arith.addi %mul3A_25, %add3A_26 : i32
    %run_scoped3A_28 = arith.constant 0 : i32
    "tpu.region"() ({
      %run_scoped3A_103 = tpu.sem_alloc : memref<!tpu.dma_semaphore, #tpu.memory_space<semaphore_mem>>
      %dma_start3A_104 = arith.constant 0 : i32
      %dma_start3A_105 = arith.constant 0 : i32
      %dma_start3A_106 = tpu.memref_slice %arg8[%run_scoped3A_28, %dma_start3A_104, %dma_start3A_105] : memref<2x80x128xf32, #tpu.memory_space<vmem>> -> memref<1x80x128xf32, #tpu.memory_space<vmem>>
      %dma_start3A_107 = tpu.memref_squeeze %dma_start3A_106 : memref<1x80x128xf32, #tpu.memory_space<vmem>> -> memref<80x128xf32, #tpu.memory_space<vmem>>
      %dma_start3A_108 = arith.constant 0 : i32
      %dma_start3A_109 = tpu.memref_slice %arg9[%add3A_27, %dma_start3A_108] : memref<10240x128xf32, #tpu.memory_space<vmem_shared>> -> memref<80x128xf32, #tpu.memory_space<vmem_shared>>
      %dma_start3A_110 = arith.constant 0 : i32
      %dma_start3A_111 = tpu.memref_slice %arg9[%add3A_27, %dma_start3A_110] : memref<10240x128xf32, #tpu.memory_space<vmem_shared>> -> memref<80x128xf32, #tpu.memory_space<vmem_shared>>
      %dma_start3A_112 = arith.constant 0 : i32
      %dma_start3A_113 = arith.constant 0 : i32
      %dma_start3A_114 = tpu.memref_slice %arg8[%run_scoped3A_28, %dma_start3A_112, %dma_start3A_113] : memref<2x80x128xf32, #tpu.memory_space<vmem>> -> memref<1x80x128xf32, #tpu.memory_space<vmem>>
      %dma_start3A_115 = tpu.memref_squeeze %dma_start3A_114 : memref<1x80x128xf32, #tpu.memory_space<vmem>> -> memref<80x128xf32, #tpu.memory_space<vmem>>
      tpu.enqueue_dma source(%dma_start3A_115 : memref<80x128xf32, #tpu.memory_space<vmem>>) target(%dma_start3A_111 : memref<80x128xf32, #tpu.memory_space<vmem_shared>>) target_semaphore(%run_scoped3A_103 : memref<!tpu.dma_semaphore, #tpu.memory_space<semaphore_mem>>)
      %dma_wait3A_116 = arith.constant 0 : i32
      %dma_wait3A_117 = arith.constant 0 : i32
      %dma_wait3A_118 = tpu.memref_slice %arg8[%run_scoped3A_28, %dma_wait3A_116, %dma_wait3A_117] : memref<2x80x128xf32, #tpu.memory_space<vmem>> -> memref<1x80x128xf32, #tpu.memory_space<vmem>>
      %dma_wait3A_119 = tpu.memref_squeeze %dma_wait3A_118 : memref<1x80x128xf32, #tpu.memory_space<vmem>> -> memref<80x128xf32, #tpu.memory_space<vmem>>
      %dma_wait3A_120 = arith.constant 0 : i32
      %dma_wait3A_121 = tpu.memref_slice %arg9[%add3A_27, %dma_wait3A_120] : memref<10240x128xf32, #tpu.memory_space<vmem_shared>> -> memref<80x128xf32, #tpu.memory_space<vmem_shared>>
      %dma_wait3A_122 = arith.constant 0 : i32
      %dma_wait3A_123 = tpu.memref_slice %arg9[%add3A_27, %dma_wait3A_122] : memref<10240x128xf32, #tpu.memory_space<vmem_shared>> -> memref<80x128xf32, #tpu.memory_space<vmem_shared>>
      %dma_wait3A_124 = arith.constant 0 : i32
      %dma_wait3A_125 = arith.constant 0 : i32
      %dma_wait3A_126 = tpu.memref_slice %arg8[%run_scoped3A_28, %dma_wait3A_124, %dma_wait3A_125] : memref<2x80x128xf32, #tpu.memory_space<vmem>> -> memref<1x80x128xf32, #tpu.memory_space<vmem>>
      %dma_wait3A_127 = tpu.memref_squeeze %dma_wait3A_126 : memref<1x80x128xf32, #tpu.memory_space<vmem>> -> memref<80x128xf32, #tpu.memory_space<vmem>>
      tpu.wait_dma2 semaphore(%run_scoped3A_103 : memref<!tpu.dma_semaphore, #tpu.memory_space<semaphore_mem>>) src(%dma_wait3A_127 : memref<80x128xf32, #tpu.memory_space<vmem>>) dst(%dma_wait3A_123 : memref<80x128xf32, #tpu.memory_space<vmem_shared>>)
      tpu.yield
    }) : () -> ()
    %mul3A_29 = arith.constant 640 : i32
    %mul3A_30 = arith.muli %arg1, %mul3A_29 : i32
    %add3A_31 = arith.constant 400 : i32
    %add3A_32 = arith.addi %mul3A_30, %add3A_31 : i32
    %run_scoped3A_33 = arith.constant 0 : i32
    "tpu.region"() ({
      %run_scoped3A_103 = tpu.sem_alloc : memref<!tpu.dma_semaphore, #tpu.memory_space<semaphore_mem>>
      %dma_start3A_104 = arith.constant 0 : i32
      %dma_start3A_105 = arith.constant 0 : i32
      %dma_start3A_106 = tpu.memref_slice %arg8[%run_scoped3A_33, %dma_start3A_104, %dma_start3A_105] : memref<2x80x128xf32, #tpu.memory_space<vmem>> -> memref<1x80x128xf32, #tpu.memory_space<vmem>>
      %dma_start3A_107 = tpu.memref_squeeze %dma_start3A_106 : memref<1x80x128xf32, #tpu.memory_space<vmem>> -> memref<80x128xf32, #tpu.memory_space<vmem>>
      %dma_start3A_108 = arith.constant 0 : i32
      %dma_start3A_109 = tpu.memref_slice %arg9[%add3A_32, %dma_start3A_108] : memref<10240x128xf32, #tpu.memory_space<vmem_shared>> -> memref<80x128xf32, #tpu.memory_space<vmem_shared>>
      %dma_start3A_110 = arith.constant 0 : i32
      %dma_start3A_111 = tpu.memref_slice %arg9[%add3A_32, %dma_start3A_110] : memref<10240x128xf32, #tpu.memory_space<vmem_shared>> -> memref<80x128xf32, #tpu.memory_space<vmem_shared>>
      %dma_start3A_112 = arith.constant 0 : i32
      %dma_start3A_113 = arith.constant 0 : i32
      %dma_start3A_114 = tpu.memref_slice %arg8[%run_scoped3A_33, %dma_start3A_112, %dma_start3A_113] : memref<2x80x128xf32, #tpu.memory_space<vmem>> -> memref<1x80x128xf32, #tpu.memory_space<vmem>>
      %dma_start3A_115 = tpu.memref_squeeze %dma_start3A_114 : memref<1x80x128xf32, #tpu.memory_space<vmem>> -> memref<80x128xf32, #tpu.memory_space<vmem>>
      tpu.enqueue_dma source(%dma_start3A_115 : memref<80x128xf32, #tpu.memory_space<vmem>>) target(%dma_start3A_111 : memref<80x128xf32, #tpu.memory_space<vmem_shared>>) target_semaphore(%run_scoped3A_103 : memref<!tpu.dma_semaphore, #tpu.memory_space<semaphore_mem>>)
      %dma_wait3A_116 = arith.constant 0 : i32
      %dma_wait3A_117 = arith.constant 0 : i32
      %dma_wait3A_118 = tpu.memref_slice %arg8[%run_scoped3A_33, %dma_wait3A_116, %dma_wait3A_117] : memref<2x80x128xf32, #tpu.memory_space<vmem>> -> memref<1x80x128xf32, #tpu.memory_space<vmem>>
      %dma_wait3A_119 = tpu.memref_squeeze %dma_wait3A_118 : memref<1x80x128xf32, #tpu.memory_space<vmem>> -> memref<80x128xf32, #tpu.memory_space<vmem>>
      %dma_wait3A_120 = arith.constant 0 : i32
      %dma_wait3A_121 = tpu.memref_slice %arg9[%add3A_32, %dma_wait3A_120] : memref<10240x128xf32, #tpu.memory_space<vmem_shared>> -> memref<80x128xf32, #tpu.memory_space<vmem_shared>>
      %dma_wait3A_122 = arith.constant 0 : i32
      %dma_wait3A_123 = tpu.memref_slice %arg9[%add3A_32, %dma_wait3A_122] : memref<10240x128xf32, #tpu.memory_space<vmem_shared>> -> memref<80x128xf32, #tpu.memory_space<vmem_shared>>
      %dma_wait3A_124 = arith.constant 0 : i32
      %dma_wait3A_125 = arith.constant 0 : i32
      %dma_wait3A_126 = tpu.memref_slice %arg8[%run_scoped3A_33, %dma_wait3A_124, %dma_wait3A_125] : memref<2x80x128xf32, #tpu.memory_space<vmem>> -> memref<1x80x128xf32, #tpu.memory_space<vmem>>
      %dma_wait3A_127 = tpu.memref_squeeze %dma_wait3A_126 : memref<1x80x128xf32, #tpu.memory_space<vmem>> -> memref<80x128xf32, #tpu.memory_space<vmem>>
      tpu.wait_dma2 semaphore(%run_scoped3A_103 : memref<!tpu.dma_semaphore, #tpu.memory_space<semaphore_mem>>) src(%dma_wait3A_127 : memref<80x128xf32, #tpu.memory_space<vmem>>) dst(%dma_wait3A_123 : memref<80x128xf32, #tpu.memory_space<vmem_shared>>)
      tpu.yield
    }) : () -> ()
    %mul3A_34 = arith.constant 640 : i32
    %mul3A_35 = arith.muli %arg1, %mul3A_34 : i32
    %add3A_36 = arith.constant 480 : i32
    %add3A_37 = arith.addi %mul3A_35, %add3A_36 : i32
    %run_scoped3A_38 = arith.constant 0 : i32
    "tpu.region"() ({
      %run_scoped3A_103 = tpu.sem_alloc : memref<!tpu.dma_semaphore, #tpu.memory_space<semaphore_mem>>
      %dma_start3A_104 = arith.constant 0 : i32
      %dma_start3A_105 = arith.constant 0 : i32
      %dma_start3A_106 = tpu.memref_slice %arg8[%run_scoped3A_38, %dma_start3A_104, %dma_start3A_105] : memref<2x80x128xf32, #tpu.memory_space<vmem>> -> memref<1x80x128xf32, #tpu.memory_space<vmem>>
      %dma_start3A_107 = tpu.memref_squeeze %dma_start3A_106 : memref<1x80x128xf32, #tpu.memory_space<vmem>> -> memref<80x128xf32, #tpu.memory_space<vmem>>
      %dma_start3A_108 = arith.constant 0 : i32
      %dma_start3A_109 = tpu.memref_slice %arg9[%add3A_37, %dma_start3A_108] : memref<10240x128xf32, #tpu.memory_space<vmem_shared>> -> memref<80x128xf32, #tpu.memory_space<vmem_shared>>
      %dma_start3A_110 = arith.constant 0 : i32
      %dma_start3A_111 = tpu.memref_slice %arg9[%add3A_37, %dma_start3A_110] : memref<10240x128xf32, #tpu.memory_space<vmem_shared>> -> memref<80x128xf32, #tpu.memory_space<vmem_shared>>
      %dma_start3A_112 = arith.constant 0 : i32
      %dma_start3A_113 = arith.constant 0 : i32
      %dma_start3A_114 = tpu.memref_slice %arg8[%run_scoped3A_38, %dma_start3A_112, %dma_start3A_113] : memref<2x80x128xf32, #tpu.memory_space<vmem>> -> memref<1x80x128xf32, #tpu.memory_space<vmem>>
      %dma_start3A_115 = tpu.memref_squeeze %dma_start3A_114 : memref<1x80x128xf32, #tpu.memory_space<vmem>> -> memref<80x128xf32, #tpu.memory_space<vmem>>
      tpu.enqueue_dma source(%dma_start3A_115 : memref<80x128xf32, #tpu.memory_space<vmem>>) target(%dma_start3A_111 : memref<80x128xf32, #tpu.memory_space<vmem_shared>>) target_semaphore(%run_scoped3A_103 : memref<!tpu.dma_semaphore, #tpu.memory_space<semaphore_mem>>)
      %dma_wait3A_116 = arith.constant 0 : i32
      %dma_wait3A_117 = arith.constant 0 : i32
      %dma_wait3A_118 = tpu.memref_slice %arg8[%run_scoped3A_38, %dma_wait3A_116, %dma_wait3A_117] : memref<2x80x128xf32, #tpu.memory_space<vmem>> -> memref<1x80x128xf32, #tpu.memory_space<vmem>>
      %dma_wait3A_119 = tpu.memref_squeeze %dma_wait3A_118 : memref<1x80x128xf32, #tpu.memory_space<vmem>> -> memref<80x128xf32, #tpu.memory_space<vmem>>
      %dma_wait3A_120 = arith.constant 0 : i32
      %dma_wait3A_121 = tpu.memref_slice %arg9[%add3A_37, %dma_wait3A_120] : memref<10240x128xf32, #tpu.memory_space<vmem_shared>> -> memref<80x128xf32, #tpu.memory_space<vmem_shared>>
      %dma_wait3A_122 = arith.constant 0 : i32
      %dma_wait3A_123 = tpu.memref_slice %arg9[%add3A_37, %dma_wait3A_122] : memref<10240x128xf32, #tpu.memory_space<vmem_shared>> -> memref<80x128xf32, #tpu.memory_space<vmem_shared>>
      %dma_wait3A_124 = arith.constant 0 : i32
      %dma_wait3A_125 = arith.constant 0 : i32
      %dma_wait3A_126 = tpu.memref_slice %arg8[%run_scoped3A_38, %dma_wait3A_124, %dma_wait3A_125] : memref<2x80x128xf32, #tpu.memory_space<vmem>> -> memref<1x80x128xf32, #tpu.memory_space<vmem>>
      %dma_wait3A_127 = tpu.memref_squeeze %dma_wait3A_126 : memref<1x80x128xf32, #tpu.memory_space<vmem>> -> memref<80x128xf32, #tpu.memory_space<vmem>>
      tpu.wait_dma2 semaphore(%run_scoped3A_103 : memref<!tpu.dma_semaphore, #tpu.memory_space<semaphore_mem>>) src(%dma_wait3A_127 : memref<80x128xf32, #tpu.memory_space<vmem>>) dst(%dma_wait3A_123 : memref<80x128xf32, #tpu.memory_space<vmem_shared>>)
      tpu.yield
    }) : () -> ()
    %mul3A_39 = arith.constant 640 : i32
    %mul3A_40 = arith.muli %arg1, %mul3A_39 : i32
    %add3A_41 = arith.constant 560 : i32
    %add3A_42 = arith.addi %mul3A_40, %add3A_41 : i32
    %run_scoped3A_43 = arith.constant 0 : i32
    "tpu.region"() ({
      %run_scoped3A_103 = tpu.sem_alloc : memref<!tpu.dma_semaphore, #tpu.memory_space<semaphore_mem>>
      %dma_start3A_104 = arith.constant 0 : i32
      %dma_start3A_105 = arith.constant 0 : i32
      %dma_start3A_106 = tpu.memref_slice %arg8[%run_scoped3A_43, %dma_start3A_104, %dma_start3A_105] : memref<2x80x128xf32, #tpu.memory_space<vmem>> -> memref<1x80x128xf32, #tpu.memory_space<vmem>>
      %dma_start3A_107 = tpu.memref_squeeze %dma_start3A_106 : memref<1x80x128xf32, #tpu.memory_space<vmem>> -> memref<80x128xf32, #tpu.memory_space<vmem>>
      %dma_start3A_108 = arith.constant 0 : i32
      %dma_start3A_109 = tpu.memref_slice %arg9[%add3A_42, %dma_start3A_108] : memref<10240x128xf32, #tpu.memory_space<vmem_shared>> -> memref<80x128xf32, #tpu.memory_space<vmem_shared>>
      %dma_start3A_110 = arith.constant 0 : i32
      %dma_start3A_111 = tpu.memref_slice %arg9[%add3A_42, %dma_start3A_110] : memref<10240x128xf32, #tpu.memory_space<vmem_shared>> -> memref<80x128xf32, #tpu.memory_space<vmem_shared>>
      %dma_start3A_112 = arith.constant 0 : i32
      %dma_start3A_113 = arith.constant 0 : i32
      %dma_start3A_114 = tpu.memref_slice %arg8[%run_scoped3A_43, %dma_start3A_112, %dma_start3A_113] : memref<2x80x128xf32, #tpu.memory_space<vmem>> -> memref<1x80x128xf32, #tpu.memory_space<vmem>>
      %dma_start3A_115 = tpu.memref_squeeze %dma_start3A_114 : memref<1x80x128xf32, #tpu.memory_space<vmem>> -> memref<80x128xf32, #tpu.memory_space<vmem>>
      tpu.enqueue_dma source(%dma_start3A_115 : memref<80x128xf32, #tpu.memory_space<vmem>>) target(%dma_start3A_111 : memref<80x128xf32, #tpu.memory_space<vmem_shared>>) target_semaphore(%run_scoped3A_103 : memref<!tpu.dma_semaphore, #tpu.memory_space<semaphore_mem>>)
      %dma_wait3A_116 = arith.constant 0 : i32
      %dma_wait3A_117 = arith.constant 0 : i32
      %dma_wait3A_118 = tpu.memref_slice %arg8[%run_scoped3A_43, %dma_wait3A_116, %dma_wait3A_117] : memref<2x80x128xf32, #tpu.memory_space<vmem>> -> memref<1x80x128xf32, #tpu.memory_space<vmem>>
      %dma_wait3A_119 = tpu.memref_squeeze %dma_wait3A_118 : memref<1x80x128xf32, #tpu.memory_space<vmem>> -> memref<80x128xf32, #tpu.memory_space<vmem>>
      %dma_wait3A_120 = arith.constant 0 : i32
      %dma_wait3A_121 = tpu.memref_slice %arg9[%add3A_42, %dma_wait3A_120] : memref<10240x128xf32, #tpu.memory_space<vmem_shared>> -> memref<80x128xf32, #tpu.memory_space<vmem_shared>>
      %dma_wait3A_122 = arith.constant 0 : i32
      %dma_wait3A_123 = tpu.memref_slice %arg9[%add3A_42, %dma_wait3A_122] : memref<10240x128xf32, #tpu.memory_space<vmem_shared>> -> memref<80x128xf32, #tpu.memory_space<vmem_shared>>
      %dma_wait3A_124 = arith.constant 0 : i32
      %dma_wait3A_125 = arith.constant 0 : i32
      %dma_wait3A_126 = tpu.memref_slice %arg8[%run_scoped3A_43, %dma_wait3A_124, %dma_wait3A_125] : memref<2x80x128xf32, #tpu.memory_space<vmem>> -> memref<1x80x128xf32, #tpu.memory_space<vmem>>
      %dma_wait3A_127 = tpu.memref_squeeze %dma_wait3A_126 : memref<1x80x128xf32, #tpu.memory_space<vmem>> -> memref<80x128xf32, #tpu.memory_space<vmem>>
      tpu.wait_dma2 semaphore(%run_scoped3A_103 : memref<!tpu.dma_semaphore, #tpu.memory_space<semaphore_mem>>) src(%dma_wait3A_127 : memref<80x128xf32, #tpu.memory_space<vmem>>) dst(%dma_wait3A_123 : memref<80x128xf32, #tpu.memory_space<vmem_shared>>)
      tpu.yield
    }) : () -> ()
    "tpu.region"() ({
      %run_scoped3A_103 = tpu.sem_alloc : memref<!tpu.dma_semaphore, #tpu.memory_space<semaphore_mem>>
      %dma_start3A_104 = arith.constant 0 : i32
      %dma_start3A_105 = arith.constant 0 : i32
      %dma_start3A_106 = tpu.memref_slice %arg3[%add3A, %dma_start3A_104, %dma_start3A_105] : memref<32x125x80xi32, #tpu.memory_space<hbm>> -> memref<1x125x80xi32, #tpu.memory_space<hbm>>
      %dma_start3A_107 = tpu.memref_squeeze %dma_start3A_106 : memref<1x125x80xi32, #tpu.memory_space<hbm>> -> memref<125x80xi32, #tpu.memory_space<hbm>>
      %dma_start3A_108 = arith.constant 0 : i32
      %dma_start3A_109 = arith.constant 0 : i32
      %dma_start3A_110 = tpu.memref_slice %arg3[%add3A, %dma_start3A_108, %dma_start3A_109] : memref<32x125x80xi32, #tpu.memory_space<hbm>> -> memref<1x125x80xi32, #tpu.memory_space<hbm>>
      %dma_start3A_111 = tpu.memref_squeeze %dma_start3A_110 : memref<1x125x80xi32, #tpu.memory_space<hbm>> -> memref<125x80xi32, #tpu.memory_space<hbm>>
      tpu.enqueue_dma source(%dma_start3A_111 : memref<125x80xi32, #tpu.memory_space<hbm>>) target(%arg6 : memref<125x80xi32, #tpu.memory_space<vmem>>) target_semaphore(%run_scoped3A_103 : memref<!tpu.dma_semaphore, #tpu.memory_space<semaphore_mem>>)
      %dma_wait3A_112 = arith.constant 0 : i32
      %dma_wait3A_113 = arith.constant 0 : i32
      %dma_wait3A_114 = tpu.memref_slice %arg3[%add3A, %dma_wait3A_112, %dma_wait3A_113] : memref<32x125x80xi32, #tpu.memory_space<hbm>> -> memref<1x125x80xi32, #tpu.memory_space<hbm>>
      %dma_wait3A_115 = tpu.memref_squeeze %dma_wait3A_114 : memref<1x125x80xi32, #tpu.memory_space<hbm>> -> memref<125x80xi32, #tpu.memory_space<hbm>>
      %dma_wait3A_116 = arith.constant 0 : i32
      %dma_wait3A_117 = arith.constant 0 : i32
      %dma_wait3A_118 = tpu.memref_slice %arg3[%add3A, %dma_wait3A_116, %dma_wait3A_117] : memref<32x125x80xi32, #tpu.memory_space<hbm>> -> memref<1x125x80xi32, #tpu.memory_space<hbm>>
      %dma_wait3A_119 = tpu.memref_squeeze %dma_wait3A_118 : memref<1x125x80xi32, #tpu.memory_space<hbm>> -> memref<125x80xi32, #tpu.memory_space<hbm>>
      tpu.wait_dma2 semaphore(%run_scoped3A_103 : memref<!tpu.dma_semaphore, #tpu.memory_space<semaphore_mem>>) src(%dma_wait3A_119 : memref<125x80xi32, #tpu.memory_space<hbm>>) dst(%arg6 : memref<125x80xi32, #tpu.memory_space<vmem>>)
      tpu.yield
    }) : () -> ()
    %barrier3A = arith.constant 0 : index
    tpu.barrier barrier_id(%barrier3A)
    %dma_start3A = arith.constant 0 : i32
    %dma_start3A_44 = arith.constant 0 : i32
    %dma_start3A_45 = arith.constant 0 : i32
    %dma_start3A_46 = arith.constant 0 : i32
    %dma_start3A_47 = arith.constant 0 : i32
    %dma_start3A_48 = tpu.memref_slice %arg8[%dma_start3A_44, %dma_start3A_46, %dma_start3A_47] : memref<2x80x128xf32, #tpu.memory_space<vmem>> -> memref<1x80x128xf32, #tpu.memory_space<vmem>>
    %dma_start3A_49 = tpu.memref_squeeze %dma_start3A_48 : memref<1x80x128xf32, #tpu.memory_space<vmem>> -> memref<80x128xf32, #tpu.memory_space<vmem>>
    %dma_start3A_50 = arith.constant 0 : i32
    %dma_start3A_51 = tpu.memref_slice %arg6[%dma_start3A, %dma_start3A_50] : memref<125x80xi32, #tpu.memory_space<vmem>> -> memref<1x80xi32, #tpu.memory_space<vmem>>
    %dma_start3A_52 = tpu.memref_squeeze %dma_start3A_51 : memref<1x80xi32, #tpu.memory_space<vmem>> -> memref<80xi32, #tpu.memory_space<vmem>>
    %dma_start3A_53 = arith.constant 0 : i32
    %dma_start3A_54 = arith.constant 0 : i32
    %dma_start3A_55 = tpu.memref_slice %arg2[%dma_start3A_53, %dma_start3A_54] : memref<10000x128xf32, #tpu.memory_space<hbm>> -> memref<10000x128xf32, #tpu.memory_space<hbm>>
    %dma_start3A_56 = tpu.memref_slice %arg10[%dma_start3A_45] : memref<2x!tpu.dma_semaphore, #tpu.memory_space<semaphore_mem>> -> memref<1x!tpu.dma_semaphore, #tpu.memory_space<semaphore_mem>>
    %dma_start3A_57 = tpu.memref_squeeze %dma_start3A_56 : memref<1x!tpu.dma_semaphore, #tpu.memory_space<semaphore_mem>> -> memref<!tpu.dma_semaphore, #tpu.memory_space<semaphore_mem>>
    tpu.enqueue_indirect_dma source(%dma_start3A_55 : memref<10000x128xf32, #tpu.memory_space<hbm>>) target(%dma_start3A_49 : memref<80x128xf32, #tpu.memory_space<vmem>>) offsets(%dma_start3A_52 : memref<80xi32, #tpu.memory_space<vmem>>) semaphore(%dma_start3A_57 : memref<!tpu.dma_semaphore, #tpu.memory_space<semaphore_mem>>)
    %dma_start3A_58 = arith.constant 0 : i32
    %dma_start3A_59 = arith.constant 0 : i32
    %dma_start3A_60 = arith.constant 0 : i32
    %dma_start3A_61 = arith.constant 0 : i32
    %dma_start3A_62 = tpu.memref_slice %arg7[%dma_start3A_58, %dma_start3A_60, %dma_start3A_61] : memref<2x1x80xi32, #tpu.memory_space<vmem>> -> memref<1x1x80xi32, #tpu.memory_space<vmem>>
    %dma_start3A_63 = tpu.memref_squeeze %dma_start3A_62 : memref<1x1x80xi32, #tpu.memory_space<vmem>> -> memref<1x80xi32, #tpu.memory_space<vmem>>
    %dma_start3A_64 = arith.constant 0 : i32
    %dma_start3A_65 = arith.constant 0 : i32
    %dma_start3A_66 = tpu.memref_slice %arg4[%add3A, %dma_start3A_64, %dma_start3A_65] : memref<32x125x80xi32, #tpu.memory_space<hbm>> -> memref<1x1x80xi32, #tpu.memory_space<hbm>>
    %dma_start3A_67 = tpu.memref_squeeze %dma_start3A_66 : memref<1x1x80xi32, #tpu.memory_space<hbm>> -> memref<1x80xi32, #tpu.memory_space<hbm>>
    %dma_start3A_68 = tpu.memref_slice %arg11[%dma_start3A_59] : memref<2x!tpu.dma_semaphore, #tpu.memory_space<semaphore_mem>> -> memref<1x!tpu.dma_semaphore, #tpu.memory_space<semaphore_mem>>
    %dma_start3A_69 = tpu.memref_squeeze %dma_start3A_68 : memref<1x!tpu.dma_semaphore, #tpu.memory_space<semaphore_mem>> -> memref<!tpu.dma_semaphore, #tpu.memory_space<semaphore_mem>>
    %dma_start3A_70 = arith.constant 0 : i32
    %dma_start3A_71 = arith.constant 0 : i32
    %dma_start3A_72 = tpu.memref_slice %arg7[%dma_start3A_58, %dma_start3A_70, %dma_start3A_71] : memref<2x1x80xi32, #tpu.memory_space<vmem>> -> memref<1x1x80xi32, #tpu.memory_space<vmem>>
    %dma_start3A_73 = tpu.memref_squeeze %dma_start3A_72 : memref<1x1x80xi32, #tpu.memory_space<vmem>> -> memref<1x80xi32, #tpu.memory_space<vmem>>
    %dma_start3A_74 = arith.constant 0 : i32
    %dma_start3A_75 = arith.constant 0 : i32
    %dma_start3A_76 = tpu.memref_slice %arg4[%add3A, %dma_start3A_74, %dma_start3A_75] : memref<32x125x80xi32, #tpu.memory_space<hbm>> -> memref<1x1x80xi32, #tpu.memory_space<hbm>>
    %dma_start3A_77 = tpu.memref_squeeze %dma_start3A_76 : memref<1x1x80xi32, #tpu.memory_space<hbm>> -> memref<1x80xi32, #tpu.memory_space<hbm>>
    tpu.enqueue_dma source(%dma_start3A_77 : memref<1x80xi32, #tpu.memory_space<hbm>>) target(%dma_start3A_73 : memref<1x80xi32, #tpu.memory_space<vmem>>) target_semaphore(%dma_start3A_69 : memref<!tpu.dma_semaphore, #tpu.memory_space<semaphore_mem>>)
    %scan3A_78 = arith.constant 0 : i32
    %scan3A_79 = arith.constant 125 : i32
    %scan3A_80 = arith.addi %scan3A_78, %scan3A_79 : i32
    %scan3A_81 = arith.constant 1 : i32
    scf.for %scan3A_103 = %scan3A_78 to %scan3A_80 step %scan3A_81  : i32 {
      %rem3A = arith.constant 2 : i32
      %rem3A_104 = arith.remsi %scan3A_103, %rem3A : i32
      %add3A_105 = arith.constant 1 : i32
      %add3A_106 = arith.addi %scan3A_103, %add3A_105 : i32
      %rem3A_107 = arith.constant 2 : i32
      %rem3A_108 = arith.remsi %add3A_106, %rem3A_107 : i32
      %ge3A = arith.constant 1 : i32
      %ge3A_109 = arith.cmpi sge, %scan3A_103, %ge3A : i32
      %convert_element_type3A = arith.extui %ge3A_109 : i1 to i32
      %cond3A = arith.constant 0 : i32
      %cond3A_110 = arith.cmpi ne, %convert_element_type3A, %cond3A : i32
      scf.if %cond3A_110 {
        %dma_wait3A_158 = arith.constant 0 : i32
        %dma_wait3A_159 = arith.constant 0 : i32
        %dma_wait3A_160 = arith.constant 0 : i32
        %dma_wait3A_161 = tpu.memref_slice %arg8[%rem3A_108, %dma_wait3A_159, %dma_wait3A_160] : memref<2x80x128xf32, #tpu.memory_space<vmem>> -> memref<1x80x128xf32, #tpu.memory_space<vmem>>
        %dma_wait3A_162 = tpu.memref_squeeze %dma_wait3A_161 : memref<1x80x128xf32, #tpu.memory_space<vmem>> -> memref<80x128xf32, #tpu.memory_space<vmem>>
        %dma_wait3A_163 = arith.constant 0 : i32
        %dma_wait3A_164 = tpu.memref_slice %arg7[%rem3A_108, %dma_wait3A_158, %dma_wait3A_163] : memref<2x1x80xi32, #tpu.memory_space<vmem>> -> memref<1x1x80xi32, #tpu.memory_space<vmem>>
        %dma_wait3A_165 = tpu.memref_squeeze %dma_wait3A_164 : memref<1x1x80xi32, #tpu.memory_space<vmem>> -> memref<80xi32, #tpu.memory_space<vmem>>
        %dma_wait3A_166 = arith.constant 0 : i32
        %dma_wait3A_167 = arith.constant 0 : i32
        %dma_wait3A_168 = tpu.memref_slice %arg9[%dma_wait3A_166, %dma_wait3A_167] : memref<10240x128xf32, #tpu.memory_space<vmem_shared>> -> memref<10240x128xf32, #tpu.memory_space<vmem_shared>>
        %dma_wait3A_169 = tpu.memref_slice %arg12[%rem3A_108] : memref<2x!tpu.dma_semaphore, #tpu.memory_space<semaphore_mem>> -> memref<1x!tpu.dma_semaphore, #tpu.memory_space<semaphore_mem>>
        %dma_wait3A_170 = tpu.memref_squeeze %dma_wait3A_169 : memref<1x!tpu.dma_semaphore, #tpu.memory_space<semaphore_mem>> -> memref<!tpu.dma_semaphore, #tpu.memory_space<semaphore_mem>>
        tpu.wait_indirect_dma semaphore(%dma_wait3A_170 : memref<!tpu.dma_semaphore, #tpu.memory_space<semaphore_mem>>) src(%dma_wait3A_162 : memref<80x128xf32, #tpu.memory_space<vmem>>) dst(%dma_wait3A_168 : memref<10240x128xf32, #tpu.memory_space<vmem_shared>>)
      } else {
      }
      %add3A_111 = arith.constant 1 : i32
      %add3A_112 = arith.addi %scan3A_103, %add3A_111 : i32
      %lt3A = arith.constant 125 : i32
      %lt3A_113 = arith.cmpi slt, %add3A_112, %lt3A : i32
      %convert_element_type3A_114 = arith.extui %lt3A_113 : i1 to i32
      %cond3A_115 = arith.constant 0 : i32
      %cond3A_116 = arith.cmpi ne, %convert_element_type3A_114, %cond3A_115 : i32
      scf.if %cond3A_116 {
        %add3A_158 = arith.constant 1 : i32
        %add3A_159 = arith.addi %scan3A_103, %add3A_158 : i32
        %dma_start3A_160 = arith.constant 0 : i32
        %dma_start3A_161 = arith.constant 0 : i32
        %dma_start3A_162 = tpu.memref_slice %arg8[%rem3A_108, %dma_start3A_160, %dma_start3A_161] : memref<2x80x128xf32, #tpu.memory_space<vmem>> -> memref<1x80x128xf32, #tpu.memory_space<vmem>>
        %dma_start3A_163 = tpu.memref_squeeze %dma_start3A_162 : memref<1x80x128xf32, #tpu.memory_space<vmem>> -> memref<80x128xf32, #tpu.memory_space<vmem>>
        %dma_start3A_164 = arith.constant 0 : i32
        %dma_start3A_165 = tpu.memref_slice %arg6[%add3A_159, %dma_start3A_164] : memref<125x80xi32, #tpu.memory_space<vmem>> -> memref<1x80xi32, #tpu.memory_space<vmem>>
        %dma_start3A_166 = tpu.memref_squeeze %dma_start3A_165 : memref<1x80xi32, #tpu.memory_space<vmem>> -> memref<80xi32, #tpu.memory_space<vmem>>
        %dma_start3A_167 = arith.constant 0 : i32
        %dma_start3A_168 = arith.constant 0 : i32
        %dma_start3A_169 = tpu.memref_slice %arg2[%dma_start3A_167, %dma_start3A_168] : memref<10000x128xf32, #tpu.memory_space<hbm>> -> memref<10000x128xf32, #tpu.memory_space<hbm>>
        %dma_start3A_170 = tpu.memref_slice %arg10[%rem3A_108] : memref<2x!tpu.dma_semaphore, #tpu.memory_space<semaphore_mem>> -> memref<1x!tpu.dma_semaphore, #tpu.memory_space<semaphore_mem>>
        %dma_start3A_171 = tpu.memref_squeeze %dma_start3A_170 : memref<1x!tpu.dma_semaphore, #tpu.memory_space<semaphore_mem>> -> memref<!tpu.dma_semaphore, #tpu.memory_space<semaphore_mem>>
        tpu.enqueue_indirect_dma source(%dma_start3A_169 : memref<10000x128xf32, #tpu.memory_space<hbm>>) target(%dma_start3A_163 : memref<80x128xf32, #tpu.memory_space<vmem>>) offsets(%dma_start3A_166 : memref<80xi32, #tpu.memory_space<vmem>>) semaphore(%dma_start3A_171 : memref<!tpu.dma_semaphore, #tpu.memory_space<semaphore_mem>>)
        %add3A_172 = arith.constant 1 : i32
        %add3A_173 = arith.addi %scan3A_103, %add3A_172 : i32
        %dma_start3A_174 = arith.constant 0 : i32
        %dma_start3A_175 = arith.constant 0 : i32
        %dma_start3A_176 = tpu.memref_slice %arg7[%rem3A_108, %dma_start3A_174, %dma_start3A_175] : memref<2x1x80xi32, #tpu.memory_space<vmem>> -> memref<1x1x80xi32, #tpu.memory_space<vmem>>
        %dma_start3A_177 = tpu.memref_squeeze %dma_start3A_176 : memref<1x1x80xi32, #tpu.memory_space<vmem>> -> memref<1x80xi32, #tpu.memory_space<vmem>>
        %dma_start3A_178 = arith.constant 0 : i32
        %dma_start3A_179 = tpu.memref_slice %arg4[%add3A, %add3A_173, %dma_start3A_178] : memref<32x125x80xi32, #tpu.memory_space<hbm>> -> memref<1x1x80xi32, #tpu.memory_space<hbm>>
        %dma_start3A_180 = tpu.memref_squeeze %dma_start3A_179 : memref<1x1x80xi32, #tpu.memory_space<hbm>> -> memref<1x80xi32, #tpu.memory_space<hbm>>
        %dma_start3A_181 = tpu.memref_slice %arg11[%rem3A_108] : memref<2x!tpu.dma_semaphore, #tpu.memory_space<semaphore_mem>> -> memref<1x!tpu.dma_semaphore, #tpu.memory_space<semaphore_mem>>
        %dma_start3A_182 = tpu.memref_squeeze %dma_start3A_181 : memref<1x!tpu.dma_semaphore, #tpu.memory_space<semaphore_mem>> -> memref<!tpu.dma_semaphore, #tpu.memory_space<semaphore_mem>>
        %dma_start3A_183 = arith.constant 0 : i32
        %dma_start3A_184 = arith.constant 0 : i32
        %dma_start3A_185 = tpu.memref_slice %arg7[%rem3A_108, %dma_start3A_183, %dma_start3A_184] : memref<2x1x80xi32, #tpu.memory_space<vmem>> -> memref<1x1x80xi32, #tpu.memory_space<vmem>>
        %dma_start3A_186 = tpu.memref_squeeze %dma_start3A_185 : memref<1x1x80xi32, #tpu.memory_space<vmem>> -> memref<1x80xi32, #tpu.memory_space<vmem>>
        %dma_start3A_187 = arith.constant 0 : i32
        %dma_start3A_188 = tpu.memref_slice %arg4[%add3A, %add3A_173, %dma_start3A_187] : memref<32x125x80xi32, #tpu.memory_space<hbm>> -> memref<1x1x80xi32, #tpu.memory_space<hbm>>
        %dma_start3A_189 = tpu.memref_squeeze %dma_start3A_188 : memref<1x1x80xi32, #tpu.memory_space<hbm>> -> memref<1x80xi32, #tpu.memory_space<hbm>>
        tpu.enqueue_dma source(%dma_start3A_189 : memref<1x80xi32, #tpu.memory_space<hbm>>) target(%dma_start3A_186 : memref<1x80xi32, #tpu.memory_space<vmem>>) target_semaphore(%dma_start3A_182 : memref<!tpu.dma_semaphore, #tpu.memory_space<semaphore_mem>>)
      } else {
      }
      %dma_wait3A_117 = arith.constant 0 : i32
      %dma_wait3A_118 = arith.constant 0 : i32
      %dma_wait3A_119 = tpu.memref_slice %arg8[%rem3A_104, %dma_wait3A_117, %dma_wait3A_118] : memref<2x80x128xf32, #tpu.memory_space<vmem>> -> memref<1x80x128xf32, #tpu.memory_space<vmem>>
      %dma_wait3A_120 = tpu.memref_squeeze %dma_wait3A_119 : memref<1x80x128xf32, #tpu.memory_space<vmem>> -> memref<80x128xf32, #tpu.memory_space<vmem>>
      %dma_wait3A_121 = arith.constant 0 : i32
      %dma_wait3A_122 = tpu.memref_slice %arg6[%scan3A_103, %dma_wait3A_121] : memref<125x80xi32, #tpu.memory_space<vmem>> -> memref<1x80xi32, #tpu.memory_space<vmem>>
      %dma_wait3A_123 = tpu.memref_squeeze %dma_wait3A_122 : memref<1x80xi32, #tpu.memory_space<vmem>> -> memref<80xi32, #tpu.memory_space<vmem>>
      %dma_wait3A_124 = arith.constant 0 : i32
      %dma_wait3A_125 = arith.constant 0 : i32
      %dma_wait3A_126 = tpu.memref_slice %arg2[%dma_wait3A_124, %dma_wait3A_125] : memref<10000x128xf32, #tpu.memory_space<hbm>> -> memref<10000x128xf32, #tpu.memory_space<hbm>>
      %dma_wait3A_127 = tpu.memref_slice %arg10[%rem3A_104] : memref<2x!tpu.dma_semaphore, #tpu.memory_space<semaphore_mem>> -> memref<1x!tpu.dma_semaphore, #tpu.memory_space<semaphore_mem>>
      %dma_wait3A_128 = tpu.memref_squeeze %dma_wait3A_127 : memref<1x!tpu.dma_semaphore, #tpu.memory_space<semaphore_mem>> -> memref<!tpu.dma_semaphore, #tpu.memory_space<semaphore_mem>>
      tpu.wait_indirect_dma semaphore(%dma_wait3A_128 : memref<!tpu.dma_semaphore, #tpu.memory_space<semaphore_mem>>) src(%dma_wait3A_126 : memref<10000x128xf32, #tpu.memory_space<hbm>>) dst(%dma_wait3A_120 : memref<80x128xf32, #tpu.memory_space<vmem>>)
      %dma_wait3A_129 = arith.constant 0 : i32
      %dma_wait3A_130 = arith.constant 0 : i32
      %dma_wait3A_131 = tpu.memref_slice %arg7[%rem3A_104, %dma_wait3A_129, %dma_wait3A_130] : memref<2x1x80xi32, #tpu.memory_space<vmem>> -> memref<1x1x80xi32, #tpu.memory_space<vmem>>
      %dma_wait3A_132 = tpu.memref_squeeze %dma_wait3A_131 : memref<1x1x80xi32, #tpu.memory_space<vmem>> -> memref<1x80xi32, #tpu.memory_space<vmem>>
      %dma_wait3A_133 = arith.constant 0 : i32
      %dma_wait3A_134 = tpu.memref_slice %arg4[%add3A, %scan3A_103, %dma_wait3A_133] : memref<32x125x80xi32, #tpu.memory_space<hbm>> -> memref<1x1x80xi32, #tpu.memory_space<hbm>>
      %dma_wait3A_135 = tpu.memref_squeeze %dma_wait3A_134 : memref<1x1x80xi32, #tpu.memory_space<hbm>> -> memref<1x80xi32, #tpu.memory_space<hbm>>
      %dma_wait3A_136 = tpu.memref_slice %arg11[%rem3A_104] : memref<2x!tpu.dma_semaphore, #tpu.memory_space<semaphore_mem>> -> memref<1x!tpu.dma_semaphore, #tpu.memory_space<semaphore_mem>>
      %dma_wait3A_137 = tpu.memref_squeeze %dma_wait3A_136 : memref<1x!tpu.dma_semaphore, #tpu.memory_space<semaphore_mem>> -> memref<!tpu.dma_semaphore, #tpu.memory_space<semaphore_mem>>
      %dma_wait3A_138 = arith.constant 0 : i32
      %dma_wait3A_139 = arith.constant 0 : i32
      %dma_wait3A_140 = tpu.memref_slice %arg7[%rem3A_104, %dma_wait3A_138, %dma_wait3A_139] : memref<2x1x80xi32, #tpu.memory_space<vmem>> -> memref<1x1x80xi32, #tpu.memory_space<vmem>>
      %dma_wait3A_141 = tpu.memref_squeeze %dma_wait3A_140 : memref<1x1x80xi32, #tpu.memory_space<vmem>> -> memref<1x80xi32, #tpu.memory_space<vmem>>
      %dma_wait3A_142 = arith.constant 0 : i32
      %dma_wait3A_143 = tpu.memref_slice %arg4[%add3A, %scan3A_103, %dma_wait3A_142] : memref<32x125x80xi32, #tpu.memory_space<hbm>> -> memref<1x1x80xi32, #tpu.memory_space<hbm>>
      %dma_wait3A_144 = tpu.memref_squeeze %dma_wait3A_143 : memref<1x1x80xi32, #tpu.memory_space<hbm>> -> memref<1x80xi32, #tpu.memory_space<hbm>>
      tpu.wait_dma2 semaphore(%dma_wait3A_137 : memref<!tpu.dma_semaphore, #tpu.memory_space<semaphore_mem>>) src(%dma_wait3A_144 : memref<1x80xi32, #tpu.memory_space<hbm>>) dst(%dma_wait3A_141 : memref<1x80xi32, #tpu.memory_space<vmem>>)
      %dma_start3A_145 = arith.constant 0 : i32
      %dma_start3A_146 = arith.constant 0 : i32
      %dma_start3A_147 = arith.constant 0 : i32
      %dma_start3A_148 = tpu.memref_slice %arg8[%rem3A_104, %dma_start3A_146, %dma_start3A_147] : memref<2x80x128xf32, #tpu.memory_space<vmem>> -> memref<1x80x128xf32, #tpu.memory_space<vmem>>
      %dma_start3A_149 = tpu.memref_squeeze %dma_start3A_148 : memref<1x80x128xf32, #tpu.memory_space<vmem>> -> memref<80x128xf32, #tpu.memory_space<vmem>>
      %dma_start3A_150 = arith.constant 0 : i32
      %dma_start3A_151 = tpu.memref_slice %arg7[%rem3A_104, %dma_start3A_145, %dma_start3A_150] : memref<2x1x80xi32, #tpu.memory_space<vmem>> -> memref<1x1x80xi32, #tpu.memory_space<vmem>>
      %dma_start3A_152 = tpu.memref_squeeze %dma_start3A_151 : memref<1x1x80xi32, #tpu.memory_space<vmem>> -> memref<80xi32, #tpu.memory_space<vmem>>
      %dma_start3A_153 = arith.constant 0 : i32
      %dma_start3A_154 = arith.constant 0 : i32
      %dma_start3A_155 = tpu.memref_slice %arg9[%dma_start3A_153, %dma_start3A_154] : memref<10240x128xf32, #tpu.memory_space<vmem_shared>> -> memref<10240x128xf32, #tpu.memory_space<vmem_shared>>
      %dma_start3A_156 = tpu.memref_slice %arg12[%rem3A_104] : memref<2x!tpu.dma_semaphore, #tpu.memory_space<semaphore_mem>> -> memref<1x!tpu.dma_semaphore, #tpu.memory_space<semaphore_mem>>
      %dma_start3A_157 = tpu.memref_squeeze %dma_start3A_156 : memref<1x!tpu.dma_semaphore, #tpu.memory_space<semaphore_mem>> -> memref<!tpu.dma_semaphore, #tpu.memory_space<semaphore_mem>>
      tpu.enqueue_indirect_dma source(%dma_start3A_149 : memref<80x128xf32, #tpu.memory_space<vmem>>) target(%dma_start3A_155 : memref<10240x128xf32, #tpu.memory_space<vmem_shared>>) offsets(%dma_start3A_152 : memref<80xi32, #tpu.memory_space<vmem>>) semaphore(%dma_start3A_157 : memref<!tpu.dma_semaphore, #tpu.memory_space<semaphore_mem>>) {add = true}
    }
    %scan3A_82 = arith.constant 125 : i32
    %dma_wait3A = arith.constant 0 : i32
    %dma_wait3A_83 = arith.constant 0 : i32
    %dma_wait3A_84 = arith.constant 0 : i32
    %dma_wait3A_85 = arith.constant 0 : i32
    %dma_wait3A_86 = arith.constant 0 : i32
    %dma_wait3A_87 = arith.constant 0 : i32
    %dma_wait3A_88 = tpu.memref_slice %arg8[%dma_wait3A, %dma_wait3A_86, %dma_wait3A_87] : memref<2x80x128xf32, #tpu.memory_space<vmem>> -> memref<1x80x128xf32, #tpu.memory_space<vmem>>
    %dma_wait3A_89 = tpu.memref_squeeze %dma_wait3A_88 : memref<1x80x128xf32, #tpu.memory_space<vmem>> -> memref<80x128xf32, #tpu.memory_space<vmem>>
    %dma_wait3A_90 = arith.constant 0 : i32
    %dma_wait3A_91 = tpu.memref_slice %arg7[%dma_wait3A_83, %dma_wait3A_84, %dma_wait3A_90] : memref<2x1x80xi32, #tpu.memory_space<vmem>> -> memref<1x1x80xi32, #tpu.memory_space<vmem>>
    %dma_wait3A_92 = tpu.memref_squeeze %dma_wait3A_91 : memref<1x1x80xi32, #tpu.memory_space<vmem>> -> memref<80xi32, #tpu.memory_space<vmem>>
    %dma_wait3A_93 = arith.constant 0 : i32
    %dma_wait3A_94 = arith.constant 0 : i32
    %dma_wait3A_95 = tpu.memref_slice %arg9[%dma_wait3A_93, %dma_wait3A_94] : memref<10240x128xf32, #tpu.memory_space<vmem_shared>> -> memref<10240x128xf32, #tpu.memory_space<vmem_shared>>
    %dma_wait3A_96 = tpu.memref_slice %arg12[%dma_wait3A_85] : memref<2x!tpu.dma_semaphore, #tpu.memory_space<semaphore_mem>> -> memref<1x!tpu.dma_semaphore, #tpu.memory_space<semaphore_mem>>
    %dma_wait3A_97 = tpu.memref_squeeze %dma_wait3A_96 : memref<1x!tpu.dma_semaphore, #tpu.memory_space<semaphore_mem>> -> memref<!tpu.dma_semaphore, #tpu.memory_space<semaphore_mem>>
    tpu.wait_indirect_dma semaphore(%dma_wait3A_97 : memref<!tpu.dma_semaphore, #tpu.memory_space<semaphore_mem>>) src(%dma_wait3A_89 : memref<80x128xf32, #tpu.memory_space<vmem>>) dst(%dma_wait3A_95 : memref<10240x128xf32, #tpu.memory_space<vmem_shared>>)
    %barrier3A_98 = arith.constant 0 : index
    tpu.barrier barrier_id(%barrier3A_98)
    %mul3A_99 = arith.constant 640 : i32
    %mul3A_100 = arith.muli %arg1, %mul3A_99 : i32
    %mul3A_101 = arith.constant 640 : i32
    %mul3A_102 = arith.muli %arg1, %mul3A_101 : i32
    "tpu.region"() ({
      %run_scoped3A_103 = tpu.sem_alloc : memref<!tpu.dma_semaphore, #tpu.memory_space<semaphore_mem>>
      %dma_start3A_104 = arith.constant 0 : i32
      %dma_start3A_105 = tpu.memref_slice %arg5[%arg0, %mul3A_102, %dma_start3A_104] : memref<2x10240x128xf32, #tpu.memory_space<hbm>> -> memref<1x640x128xf32, #tpu.memory_space<hbm>>
      %dma_start3A_106 = tpu.memref_squeeze %dma_start3A_105 : memref<1x640x128xf32, #tpu.memory_space<hbm>> -> memref<640x128xf32, #tpu.memory_space<hbm>>
      %dma_start3A_107 = arith.constant 0 : i32
      %dma_start3A_108 = tpu.memref_slice %arg9[%mul3A_100, %dma_start3A_107] : memref<10240x128xf32, #tpu.memory_space<vmem_shared>> -> memref<640x128xf32, #tpu.memory_space<vmem_shared>>
      tpu.enqueue_dma source(%dma_start3A_108 : memref<640x128xf32, #tpu.memory_space<vmem_shared>>) target(%dma_start3A_106 : memref<640x128xf32, #tpu.memory_space<hbm>>) target_semaphore(%run_scoped3A_103 : memref<!tpu.dma_semaphore, #tpu.memory_space<semaphore_mem>>)
      %dma_wait3A_109 = arith.constant 0 : i32
      %dma_wait3A_110 = tpu.memref_slice %arg5[%arg0, %mul3A_102, %dma_wait3A_109] : memref<2x10240x128xf32, #tpu.memory_space<hbm>> -> memref<1x640x128xf32, #tpu.memory_space<hbm>>
      %dma_wait3A_111 = tpu.memref_squeeze %dma_wait3A_110 : memref<1x640x128xf32, #tpu.memory_space<hbm>> -> memref<640x128xf32, #tpu.memory_space<hbm>>
      %dma_wait3A_112 = arith.constant 0 : i32
      %dma_wait3A_113 = tpu.memref_slice %arg9[%mul3A_100, %dma_wait3A_112] : memref<10240x128xf32, #tpu.memory_space<vmem_shared>> -> memref<640x128xf32, #tpu.memory_space<vmem_shared>>
      tpu.wait_dma2 semaphore(%run_scoped3A_103 : memref<!tpu.dma_semaphore, #tpu.memory_space<semaphore_mem>>) src(%dma_wait3A_113 : memref<640x128xf32, #tpu.memory_space<vmem_shared>>) dst(%dma_wait3A_111 : memref<640x128xf32, #tpu.memory_space<hbm>>)
      tpu.yield
    }) : () -> ()
    return
  }
}

module attributes {stable_mosaic.version = 14 : i64} {
  func.func @_init_body(%arg0: i32, %arg1: memref<1024x128xf32, #tpu.memory_space<vmem>>, %arg2: memref<128x128xf32, #tpu.memory_space<vmem>>, %arg3: memref<1x128xf32, #tpu.memory_space<vmem>>, %arg4: memref<2x1024x1xf32, #tpu.memory_space<vmem>>, %arg5: memref<1024x128xf32, #tpu.memory_space<vmem>>) attributes {dimension_semantics = [#tpu.dimension_semantics<arbitrary>], iteration_bounds = array<i64: 10>, scalar_prefetch = 0 : i64, scratch_operands = 0 : i64, tpu.core_type = #tpu.core_type<tc>, window_params = [{transform_indices = @transform_0, window_bounds = array<i64: 1024, 128>}, {pipeline_mode = #tpu.pipeline_mode<synchronous>, transform_indices = @transform_1, window_bounds = array<i64: 128, 128>}, {pipeline_mode = #tpu.pipeline_mode<synchronous>, transform_indices = @transform_2, window_bounds = array<i64: 1, 128>}, {transform_indices = @transform_3, window_bounds = array<i64: 2, 1024, 1>}, {transform_indices = @transform_4, window_bounds = array<i64: 1024, 128>}]} {
    %get3A = arith.constant 0 : index
    %get3A_0 = arith.constant 0 : index
    %get3A_1 = vector.load %arg1[%get3A, %get3A_0] : memref<1024x128xf32, #tpu.memory_space<vmem>>, vector<1024x128xf32>
    %get3A_2 = arith.constant 0 : index
    %get3A_3 = arith.constant 0 : index
    %get3A_4 = vector.load %arg2[%get3A_2, %get3A_3] : memref<128x128xf32, #tpu.memory_space<vmem>>, vector<128x128xf32>
    %dot_general3A = arith.constant dense<0.000000e+00> : vector<1024x128xf32>
    %dot_general3A_5 = tpu.matmul %get3A_1, %get3A_4, %dot_general3A {dimension_numbers = #tpu.dot_dimension_numbers<[1], [0], [0], [1], [0, 0, 1, 1], [], []>, transpose_lhs_hint = false} : vector<1024x128xf32>, vector<128x128xf32>, vector<1024x128xf32> -> vector<1024x128xf32>
    %get3A_6 = arith.constant 0 : index
    %get3A_7 = arith.constant 0 : index
    %get3A_8 = vector.load %arg3[%get3A_6, %get3A_7] : memref<1x128xf32, #tpu.memory_space<vmem>>, vector<1x128xf32>
    %add3A = vector.broadcast %get3A_8 : vector<1x128xf32> to vector<1024x128xf32>
    %add3A_9 = arith.addf %dot_general3A_5, %add3A : vector<1024x128xf32>
    %get3A_10 = arith.constant 0 : index
    %get3A_11 = arith.constant 0 : index
    %get3A_12 = arith.constant 0 : index
    %get3A_13 = vector.load %arg4[%get3A_10, %get3A_11, %get3A_12] : memref<2x1024x1xf32, #tpu.memory_space<vmem>>, vector<1x1024x1xf32>
    %get3A_14 = vector.shape_cast %get3A_13 : vector<1x1024x1xf32> to vector<1024x1xf32>
    %get3A_15 = arith.constant 1 : index
    %get3A_16 = arith.constant 0 : index
    %get3A_17 = arith.constant 0 : index
    %get3A_18 = vector.load %arg4[%get3A_15, %get3A_16, %get3A_17] : memref<2x1024x1xf32, #tpu.memory_space<vmem>>, vector<1x1024x1xf32>
    %get3A_19 = vector.shape_cast %get3A_18 : vector<1x1024x1xf32> to vector<1024x1xf32>
    %add3A_20 = arith.addf %get3A_14, %get3A_19 : vector<1024x1xf32>
    %max3A = arith.constant 1.000000e+00 : f32
    %max3A_21 = vector.broadcast %max3A : f32 to vector<1024x1xf32>
    %max3A_22 = arith.maximumf %add3A_20, %max3A_21 : vector<1024x1xf32>
    %rsqrt3A = math.rsqrt %max3A_22 : vector<1024x1xf32>
    %mul3A = vector.broadcast %rsqrt3A : vector<1024x1xf32> to vector<1024x128xf32>
    %mul3A_23 = arith.mulf %add3A_9, %mul3A : vector<1024x128xf32>
    %swap3A = arith.constant 0 : index
    %swap3A_24 = arith.constant 0 : index
    %swap3A_25 = vector.load %arg5[%swap3A, %swap3A_24] : memref<1024x128xf32, #tpu.memory_space<vmem>>, vector<1024x128xf32>
    tpu.vector_store %arg5[%swap3A, %swap3A_24], %mul3A_23 {strides = array<i32>} : memref<1024x128xf32, #tpu.memory_space<vmem>>, vector<1024x128xf32>,
    return
  }
  func.func @transform_0(%arg0: i32) -> (i32, i32) {
    %c0_i32 = arith.constant 0 : i32
    %c0_i32_0 = arith.constant 0 : i32
    return %arg0, %c0_i32 : i32, i32
  }
  func.func @transform_1(%arg0: i32) -> (i32, i32) {
    %c0_i32 = arith.constant 0 : i32
    %c0_i32_0 = arith.constant 0 : i32
    %c0_i32_1 = arith.constant 0 : i32
    return %c0_i32, %c0_i32_0 : i32, i32
  }
  func.func @transform_2(%arg0: i32) -> (i32, i32) {
    %c0_i32 = arith.constant 0 : i32
    %c0_i32_0 = arith.constant 0 : i32
    %c0_i32_1 = arith.constant 0 : i32
    return %c0_i32, %c0_i32_0 : i32, i32
  }
  func.func @transform_3(%arg0: i32) -> (i32, i32, i32) {
    %c0_i32 = arith.constant 0 : i32
    %c0_i32_0 = arith.constant 0 : i32
    %c0_i32_1 = arith.constant 0 : i32
    return %c0_i32, %arg0, %c0_i32_0 : i32, i32, i32
  }
  func.func @transform_4(%arg0: i32) -> (i32, i32) {
    %c0_i32 = arith.constant 0 : i32
    %c0_i32_0 = arith.constant 0 : i32
    return %arg0, %c0_i32 : i32, i32
  }
}

module attributes {stable_mosaic.version = 14 : i64} {
  func.func @_mid_body(%arg0: i32, %arg1: memref<2x1024x128xf32, #tpu.memory_space<vmem>>, %arg2: memref<2x1024x1xf32, #tpu.memory_space<vmem>>, %arg3: memref<128x128xf32, #tpu.memory_space<vmem>>, %arg4: memref<1x128xf32, #tpu.memory_space<vmem>>, %arg5: memref<1024x128xf32, #tpu.memory_space<vmem>>, %arg6: memref<1024x128xf32, #tpu.memory_space<vmem>>) attributes {dimension_semantics = [#tpu.dimension_semantics<arbitrary>], iteration_bounds = array<i64: 10>, scalar_prefetch = 0 : i64, scratch_operands = 0 : i64, tpu.core_type = #tpu.core_type<tc>, window_params = [{transform_indices = @transform_0, window_bounds = array<i64: 2, 1024, 128>}, {transform_indices = @transform_1, window_bounds = array<i64: 2, 1024, 1>}, {pipeline_mode = #tpu.pipeline_mode<synchronous>, transform_indices = @transform_2, window_bounds = array<i64: 128, 128>}, {pipeline_mode = #tpu.pipeline_mode<synchronous>, transform_indices = @transform_3, window_bounds = array<i64: 1, 128>}, {transform_indices = @transform_4, window_bounds = array<i64: 1024, 128>}, {transform_indices = @transform_5, window_bounds = array<i64: 1024, 128>}]} {
    %get3A = arith.constant 0 : index
    %get3A_0 = arith.constant 0 : index
    %get3A_1 = arith.constant 0 : index
    %get3A_2 = vector.load %arg2[%get3A, %get3A_0, %get3A_1] : memref<2x1024x1xf32, #tpu.memory_space<vmem>>, vector<1x1024x1xf32>
    %get3A_3 = vector.shape_cast %get3A_2 : vector<1x1024x1xf32> to vector<1024x1xf32>
    %get3A_4 = arith.constant 1 : index
    %get3A_5 = arith.constant 0 : index
    %get3A_6 = arith.constant 0 : index
    %get3A_7 = vector.load %arg2[%get3A_4, %get3A_5, %get3A_6] : memref<2x1024x1xf32, #tpu.memory_space<vmem>>, vector<1x1024x1xf32>
    %get3A_8 = vector.shape_cast %get3A_7 : vector<1x1024x1xf32> to vector<1024x1xf32>
    %add3A = arith.addf %get3A_3, %get3A_8 : vector<1024x1xf32>
    %max3A = arith.constant 1.000000e+00 : f32
    %max3A_9 = vector.broadcast %max3A : f32 to vector<1024x1xf32>
    %max3A_10 = arith.maximumf %add3A, %max3A_9 : vector<1024x1xf32>
    %rsqrt3A = math.rsqrt %max3A_10 : vector<1024x1xf32>
    %get3A_11 = arith.constant 0 : index
    %get3A_12 = arith.constant 0 : index
    %get3A_13 = arith.constant 0 : index
    %get3A_14 = vector.load %arg1[%get3A_11, %get3A_12, %get3A_13] : memref<2x1024x128xf32, #tpu.memory_space<vmem>>, vector<1x1024x128xf32>
    %get3A_15 = vector.shape_cast %get3A_14 : vector<1x1024x128xf32> to vector<1024x128xf32>
    %get3A_16 = arith.constant 1 : index
    %get3A_17 = arith.constant 0 : index
    %get3A_18 = arith.constant 0 : index
    %get3A_19 = vector.load %arg1[%get3A_16, %get3A_17, %get3A_18] : memref<2x1024x128xf32, #tpu.memory_space<vmem>>, vector<1x1024x128xf32>
    %get3A_20 = vector.shape_cast %get3A_19 : vector<1x1024x128xf32> to vector<1024x128xf32>
    %add3A_21 = arith.addf %get3A_15, %get3A_20 : vector<1024x128xf32>
    %mul3A = vector.broadcast %rsqrt3A : vector<1024x1xf32> to vector<1024x128xf32>
    %mul3A_22 = arith.mulf %add3A_21, %mul3A : vector<1024x128xf32>
    %get3A_23 = arith.constant 0 : index
    %get3A_24 = arith.constant 0 : index
    %get3A_25 = vector.load %arg3[%get3A_23, %get3A_24] : memref<128x128xf32, #tpu.memory_space<vmem>>, vector<128x128xf32>
    %dot_general3A = arith.constant dense<0.000000e+00> : vector<1024x128xf32>
    %dot_general3A_26 = tpu.matmul %mul3A_22, %get3A_25, %dot_general3A {dimension_numbers = #tpu.dot_dimension_numbers<[1], [0], [0], [1], [0, 0, 1, 1], [], []>, transpose_lhs_hint = false} : vector<1024x128xf32>, vector<128x128xf32>, vector<1024x128xf32> -> vector<1024x128xf32>
    %get3A_27 = arith.constant 0 : index
    %get3A_28 = arith.constant 0 : index
    %get3A_29 = vector.load %arg4[%get3A_27, %get3A_28] : memref<1x128xf32, #tpu.memory_space<vmem>>, vector<1x128xf32>
    %add3A_30 = vector.broadcast %get3A_29 : vector<1x128xf32> to vector<1024x128xf32>
    %add3A_31 = arith.addf %dot_general3A_26, %add3A_30 : vector<1024x128xf32>
    %swap3A = arith.constant 0 : index
    %swap3A_32 = arith.constant 0 : index
    %swap3A_33 = vector.load %arg5[%swap3A, %swap3A_32] : memref<1024x128xf32, #tpu.memory_space<vmem>>, vector<1024x128xf32>
    tpu.vector_store %arg5[%swap3A, %swap3A_32], %add3A_31 {strides = array<i32>} : memref<1024x128xf32, #tpu.memory_space<vmem>>, vector<1024x128xf32>,
    %mul3A_34 = vector.broadcast %rsqrt3A : vector<1024x1xf32> to vector<1024x128xf32>
    %mul3A_35 = arith.mulf %mul3A_22, %mul3A_34 : vector<1024x128xf32>
    %swap3A_36 = arith.constant 0 : index
    %swap3A_37 = arith.constant 0 : index
    %swap3A_38 = vector.load %arg6[%swap3A_36, %swap3A_37] : memref<1024x128xf32, #tpu.memory_space<vmem>>, vector<1024x128xf32>
    tpu.vector_store %arg6[%swap3A_36, %swap3A_37], %mul3A_35 {strides = array<i32>} : memref<1024x128xf32, #tpu.memory_space<vmem>>, vector<1024x128xf32>,
    return
  }
  func.func @transform_0(%arg0: i32) -> (i32, i32, i32) {
    %c0_i32 = arith.constant 0 : i32
    %c0_i32_0 = arith.constant 0 : i32
    %c0_i32_1 = arith.constant 0 : i32
    return %c0_i32, %arg0, %c0_i32_0 : i32, i32, i32
  }
  func.func @transform_1(%arg0: i32) -> (i32, i32, i32) {
    %c0_i32 = arith.constant 0 : i32
    %c0_i32_0 = arith.constant 0 : i32
    %c0_i32_1 = arith.constant 0 : i32
    return %c0_i32, %arg0, %c0_i32_0 : i32, i32, i32
  }
  func.func @transform_2(%arg0: i32) -> (i32, i32) {
    %c0_i32 = arith.constant 0 : i32
    %c0_i32_0 = arith.constant 0 : i32
    %c0_i32_1 = arith.constant 0 : i32
    return %c0_i32, %c0_i32_0 : i32, i32
  }
  func.func @transform_3(%arg0: i32) -> (i32, i32) {
    %c0_i32 = arith.constant 0 : i32
    %c0_i32_0 = arith.constant 0 : i32
    %c0_i32_1 = arith.constant 0 : i32
    return %c0_i32, %c0_i32_0 : i32, i32
  }
  func.func @transform_4(%arg0: i32) -> (i32, i32) {
    %c0_i32 = arith.constant 0 : i32
    %c0_i32_0 = arith.constant 0 : i32
    return %arg0, %c0_i32 : i32, i32
  }
  func.func @transform_5(%arg0: i32) -> (i32, i32) {
    %c0_i32 = arith.constant 0 : i32
    %c0_i32_0 = arith.constant 0 : i32
    return %arg0, %c0_i32 : i32, i32
  }
}

module attributes {stable_mosaic.version = 14 : i64} {
  func.func @_fin_body(%arg0: i32, %arg1: memref<2x1024x128xf32, #tpu.memory_space<vmem>>, %arg2: memref<2x1024x1xf32, #tpu.memory_space<vmem>>, %arg3: memref<128x128xf32, #tpu.memory_space<vmem>>, %arg4: memref<1x128xf32, #tpu.memory_space<vmem>>, %arg5: memref<1024x128xf32, #tpu.memory_space<vmem>>, %arg6: memref<1x128xf32, #tpu.memory_space<vmem>>, %arg7: memref<1x128xf32, #tpu.memory_space<vmem>>, %arg8: memref<1x128xf32, #tpu.memory_space<vmem>>, %arg9: memref<1x1xf32, #tpu.memory_space<vmem>>, %arg10: memref<1024x1xf32, #tpu.memory_space<vmem>>) attributes {dimension_semantics = [#tpu.dimension_semantics<arbitrary>], iteration_bounds = array<i64: 10>, scalar_prefetch = 0 : i64, scratch_operands = 0 : i64, tpu.core_type = #tpu.core_type<tc>, window_params = [{transform_indices = @transform_0, window_bounds = array<i64: 2, 1024, 128>}, {transform_indices = @transform_1, window_bounds = array<i64: 2, 1024, 1>}, {pipeline_mode = #tpu.pipeline_mode<synchronous>, transform_indices = @transform_2, window_bounds = array<i64: 128, 128>}, {pipeline_mode = #tpu.pipeline_mode<synchronous>, transform_indices = @transform_3, window_bounds = array<i64: 1, 128>}, {transform_indices = @transform_4, window_bounds = array<i64: 1024, 128>}, {pipeline_mode = #tpu.pipeline_mode<synchronous>, transform_indices = @transform_5, window_bounds = array<i64: 1, 128>}, {pipeline_mode = #tpu.pipeline_mode<synchronous>, transform_indices = @transform_6, window_bounds = array<i64: 1, 128>}, {pipeline_mode = #tpu.pipeline_mode<synchronous>, transform_indices = @transform_7, window_bounds = array<i64: 1, 128>}, {pipeline_mode = #tpu.pipeline_mode<synchronous>, transform_indices = @transform_8, window_bounds = array<i64: 1, 1>}, {transform_indices = @transform_9, window_bounds = array<i64: 1024, 1>}]} {
    %get3A = arith.constant 0 : index
    %get3A_0 = arith.constant 0 : index
    %get3A_1 = arith.constant 0 : index
    %get3A_2 = vector.load %arg2[%get3A, %get3A_0, %get3A_1] : memref<2x1024x1xf32, #tpu.memory_space<vmem>>, vector<1x1024x1xf32>
    %get3A_3 = vector.shape_cast %get3A_2 : vector<1x1024x1xf32> to vector<1024x1xf32>
    %get3A_4 = arith.constant 1 : index
    %get3A_5 = arith.constant 0 : index
    %get3A_6 = arith.constant 0 : index
    %get3A_7 = vector.load %arg2[%get3A_4, %get3A_5, %get3A_6] : memref<2x1024x1xf32, #tpu.memory_space<vmem>>, vector<1x1024x1xf32>
    %get3A_8 = vector.shape_cast %get3A_7 : vector<1x1024x1xf32> to vector<1024x1xf32>
    %add3A = arith.addf %get3A_3, %get3A_8 : vector<1024x1xf32>
    %max3A = arith.constant 1.000000e+00 : f32
    %max3A_9 = vector.broadcast %max3A : f32 to vector<1024x1xf32>
    %max3A_10 = arith.maximumf %add3A, %max3A_9 : vector<1024x1xf32>
    %rsqrt3A = math.rsqrt %max3A_10 : vector<1024x1xf32>
    %get3A_11 = arith.constant 0 : index
    %get3A_12 = arith.constant 0 : index
    %get3A_13 = arith.constant 0 : index
    %get3A_14 = vector.load %arg1[%get3A_11, %get3A_12, %get3A_13] : memref<2x1024x128xf32, #tpu.memory_space<vmem>>, vector<1x1024x128xf32>
    %get3A_15 = vector.shape_cast %get3A_14 : vector<1x1024x128xf32> to vector<1024x128xf32>
    %get3A_16 = arith.constant 1 : index
    %get3A_17 = arith.constant 0 : index
    %get3A_18 = arith.constant 0 : index
    %get3A_19 = vector.load %arg1[%get3A_16, %get3A_17, %get3A_18] : memref<2x1024x128xf32, #tpu.memory_space<vmem>>, vector<1x1024x128xf32>
    %get3A_20 = vector.shape_cast %get3A_19 : vector<1x1024x128xf32> to vector<1024x128xf32>
    %add3A_21 = arith.addf %get3A_15, %get3A_20 : vector<1024x128xf32>
    %mul3A = vector.broadcast %rsqrt3A : vector<1024x1xf32> to vector<1024x128xf32>
    %mul3A_22 = arith.mulf %add3A_21, %mul3A : vector<1024x128xf32>
    %get3A_23 = arith.constant 0 : index
    %get3A_24 = arith.constant 0 : index
    %get3A_25 = vector.load %arg3[%get3A_23, %get3A_24] : memref<128x128xf32, #tpu.memory_space<vmem>>, vector<128x128xf32>
    %dot_general3A = arith.constant dense<0.000000e+00> : vector<1024x128xf32>
    %dot_general3A_26 = tpu.matmul %mul3A_22, %get3A_25, %dot_general3A {dimension_numbers = #tpu.dot_dimension_numbers<[1], [0], [0], [1], [0, 0, 1, 1], [], []>, transpose_lhs_hint = false} : vector<1024x128xf32>, vector<128x128xf32>, vector<1024x128xf32> -> vector<1024x128xf32>
    %get3A_27 = arith.constant 0 : index
    %get3A_28 = arith.constant 0 : index
    %get3A_29 = vector.load %arg4[%get3A_27, %get3A_28] : memref<1x128xf32, #tpu.memory_space<vmem>>, vector<1x128xf32>
    %add3A_30 = vector.broadcast %get3A_29 : vector<1x128xf32> to vector<1024x128xf32>
    %add3A_31 = arith.addf %dot_general3A_26, %add3A_30 : vector<1024x128xf32>
    %get3A_32 = arith.constant 0 : index
    %get3A_33 = arith.constant 0 : index
    %get3A_34 = vector.load %arg5[%get3A_32, %get3A_33] : memref<1024x128xf32, #tpu.memory_space<vmem>>, vector<1024x128xf32>
    %add3A_35 = arith.addf %get3A_34, %add3A_31 : vector<1024x128xf32>
    %mul3A_36 = arith.constant 5.000000e-01 : f32
    %mul3A_37 = vector.broadcast %mul3A_36 : f32 to vector<1024x128xf32>
    %mul3A_38 = arith.mulf %mul3A_37, %add3A_35 : vector<1024x128xf32>
    %reduce_sum3A = arith.constant dense<0.000000e+00> : vector<1024xf32>
    %reduce_sum3A_39 = vector.multi_reduction <add>, %mul3A_38, %reduce_sum3A [1] : vector<1024x128xf32> to vector<1024xf32>
    %broadcast_in_dim3A = vector.shape_cast %reduce_sum3A_39 : vector<1024xf32> to vector<1024x1xf32>
    %div3A = arith.constant 1.280000e+02 : f32
    %div3A_40 = vector.broadcast %div3A : f32 to vector<1024x1xf32>
    %div3A_41 = arith.divf %broadcast_in_dim3A, %div3A_40 : vector<1024x1xf32>
    %sub3A = vector.broadcast %div3A_41 : vector<1024x1xf32> to vector<1024x128xf32>
    %sub3A_42 = arith.subf %mul3A_38, %sub3A : vector<1024x128xf32>
    %mul3A_43 = arith.mulf %sub3A_42, %sub3A_42 : vector<1024x128xf32>
    %reduce_sum3A_44 = arith.constant dense<0.000000e+00> : vector<1024xf32>
    %reduce_sum3A_45 = vector.multi_reduction <add>, %mul3A_43, %reduce_sum3A_44 [1] : vector<1024x128xf32> to vector<1024xf32>
    %broadcast_in_dim3A_46 = vector.shape_cast %reduce_sum3A_45 : vector<1024xf32> to vector<1024x1xf32>
    %div3A_47 = arith.constant 1.280000e+02 : f32
    %div3A_48 = vector.broadcast %div3A_47 : f32 to vector<1024x1xf32>
    %div3A_49 = arith.divf %broadcast_in_dim3A_46, %div3A_48 : vector<1024x1xf32>
    %add3A_50 = arith.constant 9.99999974E-6 : f32
    %add3A_51 = vector.broadcast %add3A_50 : f32 to vector<1024x1xf32>
    %add3A_52 = arith.addf %div3A_49, %add3A_51 : vector<1024x1xf32>
    %rsqrt3A_53 = math.rsqrt %add3A_52 : vector<1024x1xf32>
    %mul3A_54 = vector.broadcast %rsqrt3A_53 : vector<1024x1xf32> to vector<1024x128xf32>
    %mul3A_55 = arith.mulf %sub3A_42, %mul3A_54 : vector<1024x128xf32>
    %get3A_56 = arith.constant 0 : index
    %get3A_57 = arith.constant 0 : index
    %get3A_58 = vector.load %arg6[%get3A_56, %get3A_57] : memref<1x128xf32, #tpu.memory_space<vmem>>, vector<1x128xf32>
    %mul3A_59 = vector.broadcast %get3A_58 : vector<1x128xf32> to vector<1024x128xf32>
    %mul3A_60 = arith.mulf %mul3A_55, %mul3A_59 : vector<1024x128xf32>
    %get3A_61 = arith.constant 0 : index
    %get3A_62 = arith.constant 0 : index
    %get3A_63 = vector.load %arg7[%get3A_61, %get3A_62] : memref<1x128xf32, #tpu.memory_space<vmem>>, vector<1x128xf32>
    %add3A_64 = vector.broadcast %get3A_63 : vector<1x128xf32> to vector<1024x128xf32>
    %add3A_65 = arith.addf %mul3A_60, %add3A_64 : vector<1024x128xf32>
    %max3A_66 = arith.constant 0.000000e+00 : f32
    %max3A_67 = vector.broadcast %max3A_66 : f32 to vector<1024x128xf32>
    %max3A_68 = arith.maximumf %add3A_65, %max3A_67 : vector<1024x128xf32>
    %get3A_69 = arith.constant 0 : index
    %get3A_70 = arith.constant 0 : index
    %get3A_71 = vector.load %arg8[%get3A_69, %get3A_70] : memref<1x128xf32, #tpu.memory_space<vmem>>, vector<1x128xf32>
    %mul3A_72 = vector.broadcast %get3A_71 : vector<1x128xf32> to vector<1024x128xf32>
    %mul3A_73 = arith.mulf %max3A_68, %mul3A_72 : vector<1024x128xf32>
    %reduce_sum3A_74 = arith.constant dense<0.000000e+00> : vector<1024xf32>
    %reduce_sum3A_75 = vector.multi_reduction <add>, %mul3A_73, %reduce_sum3A_74 [1] : vector<1024x128xf32> to vector<1024xf32>
    %broadcast_in_dim3A_76 = vector.shape_cast %reduce_sum3A_75 : vector<1024xf32> to vector<1024x1xf32>
    %get3A_77 = arith.constant 0 : index
    %get3A_78 = arith.constant 0 : index
    %get3A_79 = vector.load %arg9[%get3A_77, %get3A_78] : memref<1x1xf32, #tpu.memory_space<vmem>>, vector<1x1xf32>
    %add3A_80 = vector.broadcast %get3A_79 : vector<1x1xf32> to vector<1024x1xf32>
    %add3A_81 = arith.addf %broadcast_in_dim3A_76, %add3A_80 : vector<1024x1xf32>
    %logistic3A = arith.negf %add3A_81 : vector<1024x1xf32>
    %logistic3A_82 = math.exp %logistic3A : vector<1024x1xf32>
    %logistic3A_83 = arith.constant 1.000000e+00 : f32
    %logistic3A_84 = vector.broadcast %logistic3A_83 : f32 to vector<1024x1xf32>
    %logistic3A_85 = arith.addf %logistic3A_84, %logistic3A_82 : vector<1024x1xf32>
    %logistic3A_86 = arith.divf %logistic3A_84, %logistic3A_85 : vector<1024x1xf32>
    %swap3A = arith.constant 0 : index
    %swap3A_87 = arith.constant 0 : index
    %swap3A_88 = vector.load %arg10[%swap3A, %swap3A_87] : memref<1024x1xf32, #tpu.memory_space<vmem>>, vector<1024x1xf32>
    tpu.vector_store %arg10[%swap3A, %swap3A_87], %logistic3A_86 {strides = array<i32>} : memref<1024x1xf32, #tpu.memory_space<vmem>>, vector<1024x1xf32>,
    return
  }
  func.func @transform_0(%arg0: i32) -> (i32, i32, i32) {
    %c0_i32 = arith.constant 0 : i32
    %c0_i32_0 = arith.constant 0 : i32
    %c0_i32_1 = arith.constant 0 : i32
    return %c0_i32, %arg0, %c0_i32_0 : i32, i32, i32
  }
  func.func @transform_1(%arg0: i32) -> (i32, i32, i32) {
    %c0_i32 = arith.constant 0 : i32
    %c0_i32_0 = arith.constant 0 : i32
    %c0_i32_1 = arith.constant 0 : i32
    return %c0_i32, %arg0, %c0_i32_0 : i32, i32, i32
  }
  func.func @transform_2(%arg0: i32) -> (i32, i32) {
    %c0_i32 = arith.constant 0 : i32
    %c0_i32_0 = arith.constant 0 : i32
    %c0_i32_1 = arith.constant 0 : i32
    return %c0_i32, %c0_i32_0 : i32, i32
  }
  func.func @transform_3(%arg0: i32) -> (i32, i32) {
    %c0_i32 = arith.constant 0 : i32
    %c0_i32_0 = arith.constant 0 : i32
    %c0_i32_1 = arith.constant 0 : i32
    return %c0_i32, %c0_i32_0 : i32, i32
  }
  func.func @transform_4(%arg0: i32) -> (i32, i32) {
    %c0_i32 = arith.constant 0 : i32
    %c0_i32_0 = arith.constant 0 : i32
    return %arg0, %c0_i32 : i32, i32
  }
  func.func @transform_5(%arg0: i32) -> (i32, i32) {
    %c0_i32 = arith.constant 0 : i32
    %c0_i32_0 = arith.constant 0 : i32
    %c0_i32_1 = arith.constant 0 : i32
    return %c0_i32, %c0_i32_0 : i32, i32
  }
  func.func @transform_6(%arg0: i32) -> (i32, i32) {
    %c0_i32 = arith.constant 0 : i32
    %c0_i32_0 = arith.constant 0 : i32
    %c0_i32_1 = arith.constant 0 : i32
    return %c0_i32, %c0_i32_0 : i32, i32
  }
  func.func @transform_7(%arg0: i32) -> (i32, i32) {
    %c0_i32 = arith.constant 0 : i32
    %c0_i32_0 = arith.constant 0 : i32
    %c0_i32_1 = arith.constant 0 : i32
    return %c0_i32, %c0_i32_0 : i32, i32
  }
  func.func @transform_8(%arg0: i32) -> (i32, i32) {
    %c0_i32 = arith.constant 0 : i32
    %c0_i32_0 = arith.constant 0 : i32
    %c0_i32_1 = arith.constant 0 : i32
    return %c0_i32, %c0_i32_0 : i32, i32
  }
  func.func @transform_9(%arg0: i32) -> (i32, i32) {
    %c0_i32 = arith.constant 0 : i32
    %c0_i32_0 = arith.constant 0 : i32
    return %arg0, %c0_i32 : i32, i32
  }
}

</mosaic_0001>

<sc_bundles>
// kernel: kernel.11.cloned.1.call-start
scs
__scs_entry_jumppad:
0x0: {  	(pc) =	sbr.rel $0x88, $3  }
0x1: {  	(tag) =	ssettag $0x0;
	lr =	simm.s32 $0x1  }
0x2: {  	[smem:$0x3F97] =	sst lr;
	_ =	strace $0xD0000000  }
0x3: {  	_ = 	snop  }
0x4: {  	_ = 	snop  }
0x5: {  	_ = 	snop  }
0x6: {  	_ = 	snop  }
0x7: {  	_ = 	snop  }
__scs_overlays_trampoline_lowered:
0x8: {  	[smem:$0x3FA6] =	sst s0  }
0x9: {  	[smem:$0x3FA7] =	sst s1  }
0xa: {  	[smem:$0x3FA8] =	sst s2  }
0xb: {  	[smem:$0x3FA9] =	sst s3  }
0xc: {  	[smem:$0x3FAA] =	sst s4  }
0xd: {  	[smem:$0x3FAB] =	sst s5  }
0xe: {  	[smem:$0x3FAC] =	sst s6  }
0xf: {  	[smem:$0x3FAD] =	sst s7  }
0x10: {  	[smem:$0x3FAE] =	sst s8  }
0x11: {  	[smem:$0x3FAF] =	sst s9;
	s0 =	simm.s32 @!p0 $0x0  }
0x12: {  	s1 =	sld [smem:$0x3F95];
	s0 =	simm.s32 @p0 $0x1  }
0x13: {  	[smem:$0x3FB0] =	sst s0;
	s0 =	simm.s32 @!p1 $0x0  }
0x14: {  	s2 =	sld [smem:$0x3F94];
	s0 =	simm.s32 @p1 $0x1  }
0x15: {  	[smem:$0x3FB1] =	sst s0;
	s0 =	simm.s32 @!p2 $0x0  }
0x16: {  	s3 =	sld [smem:$0x3FDB];
	s0 =	simm.s32 @p2 $0x1  }
0x17: {  	s4 =	simm.s32 $0x1BF5;
	[smem:$0x3FB3] =	sst s0  }
0x18: {  	s0 =	sld [smem:$0x3F96];
	_ =	swait.ge [sflag:s4], $0x0  }
0x19: {  	s7 =	sld [smem:$0x3F97]  }
0x1a: {  	s8 =	sadd.s32 $0xFFFFE003, lr  }
0x1b: {  	s9 =	sadd.s32 $0xFFFFFEF7, lr;
	s5 =	simm.s32 $0xFFFFFFFF;
	p2 =	slt.u32 s8, $0xFFFFF086  }
0x1c: {  	p1 =	slt.u32 s9, $0xF7A;
	s5 =	simm.s32 @!p2 $0x0  }
0x1d: {  	s5 =	simm.s32 @p1 $0x1;
	p0 =	seq.s32 s7, s2  }
0x1e: {  	s7 =	smul.u32 @!p0 $0xF7A, s2;
	p2 =	seq.s32 @!p0 s5, $0x0  }
0x1f: {  	s9 =	smul.u32 $0xF7A, s1;
	s8 =	simm.s32 @!p0 $0x1BF5;
	p2 =	por !p2, p0  }
0x20: {  	[sflag:s8] =	ssyncset.s32 @!p0 $0xFFFFF086;
	s6 =	sadd.s32 @!p0 s3, s7;
	s7 =	simm.s32 @!p0 $0x108  }
0x21: {  	s3 =	sadd.s32 s3, s9;
	s6 =	sadd.s32 @!p0 $0x88, s6;
	s7 =	simm.s32 @p2 $0x1082  }
0x22: {  	[simem:s7], [sflag:s8] =	dma.local @!p0 [hbm:s6], $0xF7A  }
0x23: {  	s9 =	sor.u32 $0xD0000000, s2;
	s6 =	simm.s32 $0x108;
	_ =	swait.ge @!p0 [sflag:s8], $0x0  }
0x24: {  	s3 =	sadd.s32 $0x88, s3;
	s6 =	simm.s32 @!p1 $0x1082;
	[sflag:s4] =	ssyncset.s32 $0xFFFFF086  }
0x25: {  	[simem:s6], [sflag:s4] =	dma.local [hbm:s3], $0xF7A  }
0x26: {  	[smem:$0x3F97] =	sst s1;
	(tag) =	ssettag s2;
	_ =	strace s9  }
0x27: {  	s1 =	sld [smem:$0x3FA7]  }
0x28: {  	s2 =	sld [smem:$0x3FA8]  }
0x29: {  	s4 =	sld [smem:$0x3FAA]  }
0x2a: {  	p0 =	seq.s32 s5, $0x0;
	s5 =	sld [smem:$0x3FAB]  }
0x2b: {  	s6 =	sld [smem:$0x3FAC]  }
0x2c: {  	s7 =	sld [smem:$0x3FAD]  }
0x2d: {  	s3 =	simm.s32 $0x108;
	s8 =	sld [smem:$0x3FAE]  }
0x2e: {  	s3 =	simm.s32 @!p0 $0x1082;
	s9 =	sld [smem:$0x3FAF]  }
0x2f: {  	lr =	sadd.s32 s0, s3;
	s0 =	sld [smem:$0x3FA6]  }
0x30: {  	s3 =	sld [smem:$0x3FA9]  }
0x31: {  	[smem:$0x3FB2] =	sst s10  }
0x32: {  	s10 =	sld [smem:$0x3FB0];
	_ =	sdelay $0x3  }
0x33: {  	p0 =	seq.s32 s10, $0x1;
	s10 =	sld [smem:$0x3FB2];
	_ =	sdelay $0x3  }
0x34: {  	[smem:$0x3FB2] =	sst s10  }
0x35: {  	s10 =	sld [smem:$0x3FB1];
	_ =	sdelay $0x3  }
0x36: {  	p1 =	seq.s32 s10, $0x1;
	s10 =	sld [smem:$0x3FB2];
	_ =	sdelay $0x3  }
0x37: {  	[smem:$0x3FB2] =	sst s10  }
0x38: {  	s10 =	sld [smem:$0x3FB3]  }
0x39: {  	_ = 	snop;
	(pc) =	sbr.ind lr, $3  }
0x3a: {  	_ = 	snop  }
0x3b: {  	_ = 	snop  }
0x3c: {  	p2 =	seq.s32 s10, $0x1;
	s10 =	sld [smem:$0x3FB2]  }
0x3d: {  	_ =	shalt  }
0x3e: {  	_ =	shalt  }
0x3f: {  	_ =	shalt  }
0x40: {  	_ =	shalt  }
0x41: {  	_ =	shalt  }
0x42: {  	_ =	shalt  }
0x43: {  	_ =	shalt  }
0x44: {  	_ =	shalt  }
0x45: {  	_ =	shalt  }
0x46: {  	_ =	shalt  }
0x47: {  	_ =	shalt  }
0x48: {  	_ =	shalt  }
0x49: {  	_ =	shalt  }
0x4a: {  	_ =	shalt  }
0x4b: {  	_ =	shalt  }
0x4c: {  	_ =	shalt  }
0x4d: {  	_ =	shalt  }
0x4e: {  	_ =	shalt  }
0x4f: {  	_ =	shalt  }
0x50: {  	_ =	shalt  }
0x51: {  	_ =	shalt  }
0x52: {  	_ =	shalt  }
0x53: {  	_ =	shalt  }
0x54: {  	_ =	shalt  }
0x55: {  	_ =	shalt  }
0x56: {  	_ =	shalt  }
0x57: {  	_ =	shalt  }
0x58: {  	_ =	shalt  }
0x59: {  	_ =	shalt  }
0x5a: {  	_ =	shalt  }
0x5b: {  	_ =	shalt  }
0x5c: {  	_ =	shalt  }
0x5d: {  	_ =	shalt  }
0x5e: {  	_ =	shalt  }
0x5f: {  	_ =	shalt  }
0x60: {  	_ =	shalt  }
0x61: {  	_ =	shalt  }
0x62: {  	_ =	shalt  }
0x63: {  	_ =	shalt  }
0x64: {  	_ =	shalt  }
0x65: {  	_ =	shalt  }
0x66: {  	_ =	shalt  }
0x67: {  	_ =	shalt  }
0x68: {  	_ =	shalt  }
0x69: {  	_ =	shalt  }
0x6a: {  	_ =	shalt  }
0x6b: {  	_ =	shalt  }
0x6c: {  	_ =	shalt  }
0x6d: {  	_ =	shalt  }
0x6e: {  	_ =	shalt  }
0x6f: {  	_ =	shalt  }
0x70: {  	_ =	shalt  }
0x71: {  	_ =	shalt  }
0x72: {  	_ =	shalt  }
0x73: {  	_ =	shalt  }
0x74: {  	_ =	shalt  }
0x75: {  	_ =	shalt  }
0x76: {  	_ =	shalt  }
0x77: {  	_ =	shalt  }
0x78: {  	_ =	shalt  }
0x79: {  	_ =	shalt  }
0x7a: {  	_ =	shalt  }
0x7b: {  	_ =	shalt  }
0x7c: {  	_ =	shalt  }
0x7d: {  	_ =	shalt  }
0x7e: {  	_ =	shalt  }
0x7f: {  	_ =	shalt  }
0x80: {  	_ =	shalt  }
0x81: {  	_ =	shalt  }
0x82: {  	_ =	shalt  }
0x83: {  	_ =	shalt  }
0x84: {  	_ =	shalt  }
0x85: {  	_ =	shalt  }
0x86: {  	_ =	shalt  }
0x87: {  	_ =	shalt  }
.Lfunc_end0:
.L_simem_size_0:
called_computation.1_lowered:
.L_overlay_start_0:
0x88: {  	s2 =	sld [smem:$0x3FD9]  }
0x89: {  	s3 =	sld [smem:$0x3FFE];
	_ =	sdelay $0x1  }
0x8a: {  	s1 =	srdreg.scid  }
0x8b: {  	s0 =	sand.u32 $0x1, s1  }
0x8c: {  	s16 =	sshll.u32 s0, $0xA;
	s2 =	sadd.s32 s3, s2  }
0x8d: {  	s2 =	sadd.s32 s2, s16  }
0x8e: {  	[smem:$0x3FBE] =	sst s2  }
0x8f: {  	_ = 	snop  }
0x90: {  	(tm) =	ssettm $0x1  }
0x91: {  	s17 =	sld [smem:$0x3FFB];
	_ =	sdelay $0x3  }
0x92: {  	_ =	strace s17  }
0x93: {  	s2 =	sld [smem:$0x3FFC];
	_ =	sdelay $0x3  }
0x94: {  	_ =	strace s2  }
0x95: {  	s2 =	sld [smem:$0x3FFD];
	_ =	sdelay $0x3  }
0x96: {  	_ =	strace s2  }
0x97: {  	_ =	strace $0x8FFFFFFF  }
0x98: {  	s18 =	sld [smem:$0x3FDB];
	_ =	sdelay $0x1  }
0x99: {  	s19 =	simm.s32 $_scs_section_size  }
0x9a: {  	s4 =	simm.s32 $_size__tile_overlayer_lowered;
	s5 =	simm.s32 $_tile_overlayer_lowered  }
0x9b: {  	s22 =	simm.s32 $0x1BFF;
	s21 =	sshll.u32 s5, $0x1;
	s2 =	sadd.s32 s19, s18  }
0x9c: {  	s6 =	simm.s32 $0x0;
	s20 =	sshll.u32 s4, $0x1;
	s4 =	sadd.s32 s21, s2  }
0x9d: {  	[timem:s6], [sflag:s22] =	dma.local [hbm:s4], s20  }
0x9e: {  	_ =	swait.ge [sflag:s22], s20  }
0x9f: {  	s3 =	ssub.s32 $0x0, s20;
	[sflag:s22] =	ssyncset.done $0x0  }
0xa0: {  	[sflag:s22] =	ssyncadd.s32 s3;
	_ =	sdelay $0x1  }
0xa1: {  	s23 =	simm.s32 $0x1B8B  }
0xa2: {  	_ =	swait.ge [sflag:s23], $0x1  }
0xa3: {  	[sflag:s23] =	ssyncset.done $0x0  }
0xa4: {  	s25 =	simm.s32 $0x1B8E;
	s24 =	sld [smem:$0x3FFE];
	[sflag:s23] =	ssyncadd.s32 $0xFFFFFFFF  }
0xa5: {  	s26 =	simm.s32 $execute0_lowered;
	[smem:$0x3FD2] =	sst s25  }
0xa6: {  	s4 =	sshll.u32 s26, $0x1;
	_ =	strace $0x80000049;
	[dreg:$0x1] =	wrdreg $0xFFFFFFFF  }
0xa7: {  	s28 =	simm.s32 $_size_execute0_lowered;
	s2 =	sadd.s32 s2, s4;
	[dreg:$0x0] =	wrdreg $0x0  }
0xa8: {  	s4 =	sshll.u32 s28, $0x1;
	[dreg:$0x2] =	wrdreg s2  }
0xa9: {  	[dreg:$0x3] =	wrdreg s4  }
0xaa: {  	[dreg:$0x4] =	wrdreg $0xC0  }
0xab: {  	_ =	task [dreg:s6], $0x5FFFF  }
0xac: {  	[dreg:$0x1] =	wrdreg $0xFFFFFFFF  }
0xad: {  	[dreg:$0x0] =	wrdreg $0x60  }
0xae: {  	[dreg:$0x2] =	wrdreg s24  }
0xaf: {  	[dreg:$0x3] =	wrdreg $0x91000  }
0xb0: {  	[dreg:$0x4] =	wrdreg $0x9  }
0xb1: {  	_ =	task.clear_ibuf [dreg:s6], $0x5FFFF;
	_ =	strace $0x90000049  }
0xb2: {  	s29 =	simm.s32 $0x9;
	_ =	strace $0x8000004B  }
0xb3: {  	_ =	swait.ge [sflag:s29], $0x1  }
0xb4: {  	[sflag:s29] =	ssyncadd.s32 $0xFFFFFFFF  }
0xb5: {  	_ =	strace $0x9000004B  }
0xb6: {  	_ =	sfence  }
0xb7: {  	s30 =	sld [smem:$0x0];
	_ =	sdelay $0x2  }
0xb8: {  	s31 =	sshll.u32 s1, $0xD;
	s1 =	sshrl.u32 s1, $0x2  }
0xb9: {  	s3 =	sand.u32 $0x4000, s31;
	s1 =	sadd.s32 s1, s30  }
0xba: {  	s0 =	sor.u32 s3, s0;
	s1 =	sshll.u32 s1, $0x11  }
0xbb: {  	s0 =	sor.u32 s1, s0  }
0xbc: {  	s0 =	sadd.s32 $0x8F2B, s0  }
0xbd: {  	[sflag:s0] =	ssyncadd.remote.s32 $0x1  }
0xbe: {  	_ =	sfence.sel $0xFFFF  }
0xbf: {  	[dreg:$0x0] =	wrdreg $0xFFFFFFFF;
	(pc) =	sbr.abs _section_cstart, $3  }
0xc0: {  	[dreg:$0x1] =	wrdreg $0xFFFFFFFF  }
0xc1: {  	_ =	task.clear_ibuf [dreg:s6], $0x2FFFF;
	_ =	strace $0x9FFFFFFF  }
0xc2: {  	(tm) =	ssettm $0x7FFFFFFF  }
0xc3: {  	_ =	shalt  }
tec
execute0_lowered:
.L_overlay_start_1:
0x0: {  	(tag) =	ssettag $0x1  }
0x1: {  	s0 =	rddreg [dreg:$0x0]  }
0x2: {  	s1 =	rddreg [dreg:$0x1];
	s3 =	simm.s32 $0x0;
	s2 =	srdreg.scid  }
0x3: {  	s6 =	stileid.u32;
	s28 =	simm.s32 $0x1;
	s29 =	simm.s32 $0x3  }
0x4: {  	s30 =	simm.s32 $0x5;
	s31 =	simm.s32 $0x0;
	[smem:$0x7FF] =	sst s3  }
0x5: {  	s2 =	sand.u32 $0x1, s2;
	s4 =	sshll.u32 s6, $0xF;
	s8 =	smul.u32 $0x14000, s6  }
0x6: {  	s10 =	smul.u32 $0x50000, s6;
	s6 =	sadd.s32 $0x2400, s0;
	s5 =	sshll.u32 s2, $0xE  }
0x7: {  	s7 =	smul.u32 $0x140000, s2;
	_ =	strace $0x8000004A;
	s2 =	ssub.s32 $0x2, s2  }
0x8: {  	s4 =	sor.u32 s5, s4;
	s5 =	sadd.s32 $0x72E00, s0;
	s20 =	sshrl.u32 s10, $0x2  }
0x9: {  	s21 =	sshrl.u32 s2, $0x1;
	s9 =	sshrl.u32 s4, $0x3;
	s7 =	sadd.s32 s8, s7  }
0xa: {  	s2 =	ssub.s32 s2, s21;
	s21 =	simm.s32 $0x7;
	s7 =	sshrl.u32 s7, $0x3  }
0xb: {  	s15 =	sadd.s32 s9, s0;
	s0 =	sadd.s32 s7, s0;
	s7 =	sadd.s32 s20, s1  }
0xc: {  	s16 =	sadd.s32 s6, s9;
	s18 =	smax.u32 s2, $0x1;
	s8 =	sadd.s32 $0x2800, s7  }
0xd: {  	s15 =	sadd.s32 $0x12E00, s15;
	s22 =	sadd.s32 $0x5000, s7;
	[dreg:$0x3] =	wrdreg s8  }
0xe: {  	s19 =	sadd.s32 $0x10, s16;
	s23 =	sadd.s32 $0x7800, s7;
	[dreg:$0x4] =	wrdreg s22  }
0xf: {  	s20 =	simm.s32 $0x4100;
	s24 =	sadd.s32 $0xA000, s7;
	[dreg:$0x5] =	wrdreg s23  }
0x10: {  	s25 =	sadd.s32 $0xC800, s7;
	s26 =	sadd.s32 $0xF000, s7;
	[dreg:$0x6] =	wrdreg s24  }
0x11: {  	s14 =	sadd.s32 $0x11800, s7;
	s17 =	sadd.s32 $0x9A000, s0;
	[dreg:$0x7] =	wrdreg s25  }
0x12: {  	v0 =	vimm.f32 $0.0e+00;
	[dreg:$0x8] =	wrdreg s26;
	s22 =	simm.s32 $0x50;
	s23 =	simm.s32 $0x4000  }
.LBB2_1:
0x13: {  	s0 =	simm.s32 $0x0;
	s2 =	simm.s32 $0x200  }
.LBB2_2:
0x14: {  	p0 =	sne.s32 s2, $0x9E00;
	[tilespmem:s0+$0x4170] =	vst v0  }
0x15: {  	[tilespmem:s0+$0x4100] =	vst v0  }
0x16: {  	[tilespmem:s0+$0x4110] =	vst v0  }
.Ltmp0:
0x17: {  	[tilespmem:s0+$0x4120] =	vst v0;
	(pc) =	sbr.rel @p0 .LBB2_2-.Ltmp0, $4  }
0x18: {  	[tilespmem:s0+$0x4130] =	vst v0  }
0x19: {  	[tilespmem:s0+$0x4140] =	vst v0  }
0x1a: {  	[tilespmem:s0+$0x4150] =	vst v0  }
0x1b: {  	[tilespmem:s0+$0x4160] =	vst v0;
	s0 =	sshra.s32 s2, $0x2;
	s2 =	sadd.s32 $0x200, s2  }
0x1c: {  	[tilespmem:s0+$0x4170] =	vst v0  }
0x1d: {  	[tilespmem:s0+$0x4100] =	vst v0  }
0x1e: {  	[tilespmem:s0+$0x4110] =	vst v0  }
0x1f: {  	[tilespmem:s0+$0x4120] =	vst v0  }
0x20: {  	[tilespmem:s0+$0x4130] =	vst v0  }
0x21: {  	[tilespmem:s0+$0x4140] =	vst v0  }
0x22: {  	[tilespmem:s0+$0x4150] =	vst v0  }
0x23: {  	[tilespmem:s0+$0x4160] =	vst v0  }
0x24: {  	[spmem:s7] =	stream.linear.scatter [tilespmem:s20], [sflag:$0x7], $0x2800, $0x38;
	[tilespmem:$0x1D100] =	vst v63  }
0x25: {  	_ =	swait.ge [sflag:s21], $0x2800  }
0x26: {  	[sflag:s21] =	ssyncset.done $0x0  }
0x27: {  	s24 =	rddreg [dreg:$0x3];
	[sflag:s21] =	ssyncadd.s32 $0xFFFFD800  }
0x28: {  	[spmem:s24] =	stream.linear.scatter [tilespmem:s20], [sflag:$0x7], $0x2800, $0x38;
	[tilespmem:$0x1D100] =	vst v63  }
0x29: {  	_ =	swait.ge [sflag:s21], $0x2800  }
0x2a: {  	[sflag:s21] =	ssyncset.done $0x0  }
0x2b: {  	s25 =	rddreg [dreg:$0x4];
	[sflag:s21] =	ssyncadd.s32 $0xFFFFD800  }
0x2c: {  	[spmem:s25] =	stream.linear.scatter [tilespmem:s20], [sflag:$0x7], $0x2800, $0x38;
	[tilespmem:$0x1D100] =	vst v63  }
0x2d: {  	_ =	swait.ge [sflag:s21], $0x2800  }
0x2e: {  	[sflag:s21] =	ssyncset.done $0x0  }
0x2f: {  	s26 =	rddreg [dreg:$0x5];
	[sflag:s21] =	ssyncadd.s32 $0xFFFFD800  }
0x30: {  	[spmem:s26] =	stream.linear.scatter [tilespmem:s20], [sflag:$0x7], $0x2800, $0x38;
	[tilespmem:$0x1D100] =	vst v63  }
0x31: {  	_ =	swait.ge [sflag:s21], $0x2800  }
0x32: {  	[sflag:s21] =	ssyncset.done $0x0  }
0x33: {  	s2 =	rddreg [dreg:$0x6];
	[sflag:s21] =	ssyncadd.s32 $0xFFFFD800  }
0x34: {  	[spmem:s2] =	stream.linear.scatter [tilespmem:s20], [sflag:$0x7], $0x2800, $0x38;
	[tilespmem:$0x1D100] =	vst v63  }
0x35: {  	_ =	swait.ge [sflag:s21], $0x2800  }
0x36: {  	[sflag:s21] =	ssyncset.done $0x0  }
0x37: {  	s8 =	rddreg [dreg:$0x7];
	[sflag:s21] =	ssyncadd.s32 $0xFFFFD800  }
0x38: {  	[spmem:s8] =	stream.linear.scatter [tilespmem:s20], [sflag:$0x7], $0x2800, $0x38;
	[tilespmem:$0x1D100] =	vst v63  }
0x39: {  	_ =	swait.ge [sflag:s21], $0x2800  }
0x3a: {  	[sflag:s21] =	ssyncset.done $0x0  }
0x3b: {  	s9 =	rddreg [dreg:$0x8];
	[sflag:s21] =	ssyncadd.s32 $0xFFFFD800  }
0x3c: {  	[spmem:s9] =	stream.linear.scatter [tilespmem:s20], [sflag:$0x7], $0x2800, $0x38;
	[tilespmem:$0x1D100] =	vst v63  }
0x3d: {  	_ =	swait.ge [sflag:s21], $0x2800  }
0x3e: {  	[sflag:s21] =	ssyncset.done $0x0  }
0x3f: {  	[sflag:s21] =	ssyncadd.s32 $0xFFFFD800  }
0x40: {  	[spmem:s14] =	stream.linear.scatter [tilespmem:s20], [sflag:$0x7], $0x2800, $0x38;
	[tilespmem:$0x1D100] =	vst v63  }
0x41: {  	_ =	swait.ge [sflag:s21], $0x2800  }
0x42: {  	[sflag:s21] =	ssyncset.done $0x0  }
0x43: {  	[sflag:s21] =	ssyncadd.s32 $0xFFFFD800  }
0x44: {  	[tilespmem:s3], [sflag:$0x7] =	stream.linear.gather [hbm4b:s15+s3], $0x3E80, $0x38;
	[tilespmem:$0x1D100] =	vst v63  }
0x45: {  	_ =	swait.ge [sflag:s21], $0x3E80  }
0x46: {  	[sflag:s21] =	ssyncset.done $0x0  }
0x47: {  	[sflag:s21] =	ssyncadd.s32 $0xFFFFC180  }
0x48: {  	[bflag:$0x0] =	sbarrier.arrive $0xFFFF  }
0x49: {  	[tilespmem:s20], [sflag:$0x1] =	stream.indirect.gather [hbm4b:s5+s22], $0x80, s3, s22, $0xb8;
	[tilespmem:$0x1D100] =	vst v63  }
0x4a: {  	_ = 	snop  }
0x4b: {  	[tilespmem:s23], [sflag:$0x3] =	stream.linear.gather [hbm4b:s16+s3], $0x80, $0x38;
	[tilespmem:$0x1D100] =	vst v63  }
0x4c: {  	s10 =	simm.s32 $0x80;
	s2 =	simm.s32 $0x6900  }
0x4d: {  	[tilespmem:s2], [sflag:$0x2] =	stream.indirect.gather [hbm4b:s5+s22], $0x80, s10, s22, $0xb8;
	[tilespmem:$0x1D100] =	vst v63  }
0x4e: {  	s11 =	simm.s32 $0x4080  }
0x4f: {  	[tilespmem:s11], [sflag:$0x4] =	stream.linear.gather [hbm4b:s19+s3], $0x80, $0x38;
	[tilespmem:$0x1D100] =	vst v63  }
0x50: {  	s0 =	simm.s32 $0x2;
	_ =	swait.ge [sflag:s28], $0x2800  }
0x51: {  	s8 =	sand.u32 $0x1, s0;
	[sflag:s28] =	ssyncset.done $0x0  }
0x52: {  	s24 =	smul.u32 $0xA000, s8;
	[sflag:s28] =	ssyncadd.s32 $0xFFFFD800  }
0x53: {  	s25 =	simm.s32 $0x1;
	_ =	swait.ge [sflag:s29], $0x80  }
0x54: {  	s13 =	sadd.s32 $0x1, s8;
	s24 =	sshrl.u32 s24, $0x2;
	[sflag:s29] =	ssyncset.done $0x0  }
0x55: {  	s9 =	sadd.s32 $0x5, s8;
	s2 =	simm.s32 $0x100;
	[sflag:s29] =	ssyncadd.s32 $0xFFFFFF80  }
0x56: {  	[spmem:s1] =	stream.indirect.scatter.add.f32 [tilespmem:s20], [sflag:$0x5], $0x80, s23, s22, $0xb8;
	[tilespmem:$0x1D100] =	vst v63  }
0x57: {  	s24 =	sor.u32 $0x4100, s24;
	s26 =	sand.u32 $0x7C00, s2;
	_ =	swait.ge [sflag:s9], $0x2800  }
0x58: {  	s12 =	sand.u32 $0x380, s2;
	s26 =	sadd.s32 s4, s26;
	[sflag:s9] =	ssyncset.done $0x0  }
0x59: {  	s10 =	sand.u32 $0x1, s25;
	[sflag:s9] =	ssyncadd.s32 $0xFFFFD800;
	s9 =	sor.u32 s12, s26  }
0x5a: {  	[tilespmem:s24], [sflag:s13] =	stream.indirect.gather [hbm4b:s5+s22], $0x80, s2, s22, $0xb8;
	[tilespmem:$0x1D100] =	vst v63  }
0x5b: {  	s26 =	sshll.u32 s8, $0x7;
	s8 =	sadd.s32 $0x3, s8;
	s9 =	sshrl.u32 s9, $0x3  }
0x5c: {  	s12 =	sadd.s32 $0x1, s10;
	s24 =	sor.u32 $0x4000, s26;
	s9 =	sadd.s32 s6, s9  }
0x5d: {  	[tilespmem:s24], [sflag:s8] =	stream.linear.gather [hbm4b:s9+s3], $0x80, $0x38;
	[tilespmem:$0x1D100] =	vst v63  }
0x5e: {  	s11 =	smul.u32 $0xA000, s10;
	s13 =	sshll.u32 s10, $0x7;
	_ =	swait.ge [sflag:s12], $0x2800  }
0x5f: {  	s26 =	sor.u32 $0x4000, s13;
	s24 =	simm.s32 $0x180;
	[sflag:s12] =	ssyncset.done $0x0  }
0x60: {  	s8 =	sshrl.u32 s11, $0x2;
	s9 =	sadd.s32 $0x3, s10;
	[sflag:s12] =	ssyncadd.s32 $0xFFFFD800  }
0x61: {  	s25 =	sor.u32 $0x4100, s8;
	s8 =	sadd.s32 $0x5, s10;
	_ =	swait.ge [sflag:s9], $0x80  }
.LBB2_4:
0x62: {  	[sflag:s9] =	ssyncset.done $0x0  }
0x63: {  	s0 =	sadd.s32 $0x1, s0;
	s2 =	sadd.s32 $0x80, s2;
	s10 =	smov.u32 s24  }
0x64: {  	p0 =	sne.s32 s24, $0x3E00;
	s24 =	sadd.s32 $0x80, s24;
	[sflag:s9] =	ssyncadd.s32 $0xFFFFFF80  }
0x65: {  	[spmem:s1] =	stream.indirect.scatter.add.f32 [tilespmem:s25], [sflag:s8], $0x80, s26, s22, $0xb8;
	[tilespmem:$0x1D100] =	vst v63  }
0x66: {  	s9 =	sand.u32 $0x1, s0;
	s8 =	sadd.s32 $0xFFFFFFFF, s0;
	s25 =	sand.u32 $0x380, s10  }
0x67: {  	s26 =	sadd.s32 $0x5, s9;
	s11 =	smul.u32 $0xA000, s9;
	s12 =	sadd.s32 $0x1, s9  }
0x68: {  	s10 =	sand.u32 $0x7C00, s10;
	s13 =	sshll.u32 s9, $0x7;
	_ =	swait.ge [sflag:s26], $0x2800  }
0x69: {  	s10 =	sadd.s32 s4, s10;
	s11 =	sshrl.u32 s11, $0x2;
	[sflag:s26] =	ssyncset.done $0x0  }
0x6a: {  	s8 =	sand.u32 $0x1, s8;
	s11 =	sor.u32 $0x4100, s11;
	[sflag:s26] =	ssyncadd.s32 $0xFFFFD800  }
0x6b: {  	s9 =	sadd.s32 $0x3, s9;
	s10 =	sor.u32 s25, s10;
	s25 =	smul.u32 $0xA000, s8  }
0x6c: {  	[tilespmem:s11], [sflag:s12] =	stream.indirect.gather [hbm4b:s5+s22], $0x80, s2, s22, $0xb8;
	[tilespmem:$0x1D100] =	vst v63  }
0x6d: {  	s10 =	sshrl.u32 s10, $0x3;
	s11 =	sor.u32 $0x4000, s13;
	s12 =	sadd.s32 $0x1, s8  }
0x6e: {  	s10 =	sadd.s32 s6, s10;
	s26 =	sshll.u32 s8, $0x7;
	s13 =	sshrl.u32 s25, $0x2  }
0x6f: {  	[tilespmem:s11], [sflag:s9] =	stream.linear.gather [hbm4b:s10+s3], $0x80, $0x38;
	[tilespmem:$0x1D100] =	vst v63  }
.Ltmp1:
0x70: {  	_ = 	snop;
	(pc) =	sbr.rel @p0 .LBB2_4-.Ltmp1, $4  }
0x71: {  	s26 =	sor.u32 $0x4000, s26;
	s25 =	sor.u32 $0x4100, s13;
	_ =	swait.ge [sflag:s12], $0x2800  }
0x72: {  	s9 =	sadd.s32 $0x3, s8;
	s8 =	sadd.s32 $0x5, s8;
	[sflag:s12] =	ssyncset.done $0x0  }
0x73: {  	[sflag:s12] =	ssyncadd.s32 $0xFFFFD800  }
0x74: {  	_ =	swait.ge [sflag:s9], $0x80  }
0x75: {  	[sflag:s9] =	ssyncset.done $0x0  }
0x76: {  	[sflag:s9] =	ssyncadd.s32 $0xFFFFFF80  }
0x77: {  	[spmem:s1] =	stream.indirect.scatter.add.f32 [tilespmem:s25], [sflag:s8], $0x80, s26, s22, $0xb8;
	[tilespmem:$0x1D100] =	vst v63  }
0x78: {  	_ =	swait.ge [sflag:s8], $0x2800  }
0x79: {  	[sflag:s8] =	ssyncset.done $0x0  }
0x7a: {  	[sflag:s8] =	ssyncadd.s32 $0xFFFFD800  }
0x7b: {  	_ =	swait.ge [sflag:s28], $0x2800  }
0x7c: {  	[sflag:s28] =	ssyncset.done $0x0  }
0x7d: {  	[sflag:s28] =	ssyncadd.s32 $0xFFFFD800  }
0x7e: {  	_ =	swait.ge [sflag:s29], $0x80  }
0x7f: {  	[sflag:s29] =	ssyncset.done $0x0  }
0x80: {  	[sflag:s29] =	ssyncadd.s32 $0xFFFFFF80  }
0x81: {  	[spmem:s1] =	stream.indirect.scatter.add.f32 [tilespmem:s20], [sflag:$0x5], $0x80, s23, s22, $0xb8;
	[tilespmem:$0x1D100] =	vst v63  }
0x82: {  	s0 =	stileid.u32;
	_ =	swait.ge [sflag:s30], $0x2800  }
0x83: {  	s2 =	sshrl.u32 s7, $0x3;
	s31 =	sadd.s32 $0x1, s31;
	[sflag:s30] =	ssyncset.done $0x0  }
0x84: {  	s0 =	sshll.u32 s0, $0x6;
	p0 =	sne.s32 s31, s18;
	[sflag:s30] =	ssyncadd.s32 $0xFFFFD800  }
.Ltmp2:
0x85: {  	s0 =	sor.u32 $0x1C07, s0;
	[bflag:$0x0] =	sbarrier.arrive $0xFFFF;
	(pc) =	sbr.rel @p0 .LBB2_1-.Ltmp2, $4  }
0x86: {  	[hbm:s17], [sflag:s0] =	dma.local [spmem:s2], $0x2800  }
0x87: {  	_ =	swait.ge [sflag:s21], $0x2800  }
0x88: {  	[sflag:s21] =	ssyncset.done $0x0  }
0x89: {  	[sflag:s21] =	ssyncadd.s32 $0xFFFFD800  }
0x8a: {  	_ =	sfence.sel $0x180000  }
0x8b: {  	[bflag:$0x0] =	sbarrier.arrive $0xFFFF  }
0x8c: {  	_ =	strace $0x9000004A  }
0x8d: {  	s0 =	stileid.u32;
	[bflag:$0x2] =	sbarrier.arrive $0xFFFF  }
0x8e: {  	p0 =	sne.s32 s0, $0x0;
	s0 =	rddreg [dreg:$0x2]  }
0x8f: {  	s0 =	sadd.s32 @!p0 $0x100000, s0  }
0x90: {  	[sflag:s0] =	ssyncadd.tile.s32 @!p0 $0x1;
	_ =	shalt  }
.Lfunc_end2:
_tile_overlayer_lowered:
.L_overlay_start_2:
0x91: {  	(tag) =	ssettag $0x2  }
0x92: {  	s0 =	rddreg [dreg:$0x0];
	s2 =	stileid.u32  }
0x93: {  	s1 =	rddreg [dreg:$0x1];
	p0 =	sne.s32 s2, $0x0  }
0x94: {  	s3 =	rddreg [dreg:$0x2];
	[bflag:$0x3] =	sbarrier.arrive $0xFFFF;
	s2 =	simm.s32 @!p0 $0x1C07  }
0x95: {  	[timem:s3], [sflag:s2] =	dma.local @!p0 [hbm:s0], s1  }
0x96: {  	s0 =	simm.s32 @!p0 $0x7  }
0x97: {  	_ =	swait.ge @!p0 [sflag:s0], s1  }
0x98: {  	s1 =	ssub.s32 @!p0 $0x0, s1;
	[sflag:s0] =	ssyncset.done @!p0 $0x0  }
0x99: {  	[sflag:s0] =	ssyncadd.s32 @!p0 s1  }
0x9a: {  	[bflag:$0x3] =	sbarrier.arrive $0xFFFF  }
0x9b: {  	_ =	shalt  }

// kernel: kernel.14.cloned.1.call-start
scs
__scs_entry_jumppad:
0x0: {  	(pc) =	sbr.rel $0x88, $3  }
0x1: {  	(tag) =	ssettag $0x0;
	lr =	simm.s32 $0x1  }
0x2: {  	[smem:$0x3F97] =	sst lr;
	_ =	strace $0xD0000000  }
0x3: {  	_ = 	snop  }
0x4: {  	_ = 	snop  }
0x5: {  	_ = 	snop  }
0x6: {  	_ = 	snop  }
0x7: {  	_ = 	snop  }
__scs_overlays_trampoline_lowered:
0x8: {  	[smem:$0x3FA6] =	sst s0  }
0x9: {  	[smem:$0x3FA7] =	sst s1  }
0xa: {  	[smem:$0x3FA8] =	sst s2  }
0xb: {  	[smem:$0x3FA9] =	sst s3  }
0xc: {  	[smem:$0x3FAA] =	sst s4  }
0xd: {  	[smem:$0x3FAB] =	sst s5  }
0xe: {  	[smem:$0x3FAC] =	sst s6  }
0xf: {  	[smem:$0x3FAD] =	sst s7  }
0x10: {  	[smem:$0x3FAE] =	sst s8  }
0x11: {  	[smem:$0x3FAF] =	sst s9;
	s0 =	simm.s32 @!p0 $0x0  }
0x12: {  	s1 =	sld [smem:$0x3F95];
	s0 =	simm.s32 @p0 $0x1  }
0x13: {  	[smem:$0x3FB0] =	sst s0;
	s0 =	simm.s32 @!p1 $0x0  }
0x14: {  	s2 =	sld [smem:$0x3F94];
	s0 =	simm.s32 @p1 $0x1  }
0x15: {  	[smem:$0x3FB1] =	sst s0;
	s0 =	simm.s32 @!p2 $0x0  }
0x16: {  	s3 =	sld [smem:$0x3FDB];
	s0 =	simm.s32 @p2 $0x1  }
0x17: {  	s4 =	simm.s32 $0x1BF5;
	[smem:$0x3FB3] =	sst s0  }
0x18: {  	s0 =	sld [smem:$0x3F96];
	_ =	swait.ge [sflag:s4], $0x0  }
0x19: {  	s7 =	sld [smem:$0x3F97]  }
0x1a: {  	s8 =	sadd.s32 $0xFFFFE003, lr  }
0x1b: {  	s9 =	sadd.s32 $0xFFFFFEF7, lr;
	s5 =	simm.s32 $0xFFFFFFFF;
	p2 =	slt.u32 s8, $0xFFFFF086  }
0x1c: {  	p1 =	slt.u32 s9, $0xF7A;
	s5 =	simm.s32 @!p2 $0x0  }
0x1d: {  	s5 =	simm.s32 @p1 $0x1;
	p0 =	seq.s32 s7, s2  }
0x1e: {  	s7 =	smul.u32 @!p0 $0xF7A, s2;
	p2 =	seq.s32 @!p0 s5, $0x0  }
0x1f: {  	s9 =	smul.u32 $0xF7A, s1;
	s8 =	simm.s32 @!p0 $0x1BF5;
	p2 =	por !p2, p0  }
0x20: {  	[sflag:s8] =	ssyncset.s32 @!p0 $0xFFFFF086;
	s6 =	sadd.s32 @!p0 s3, s7;
	s7 =	simm.s32 @!p0 $0x108  }
0x21: {  	s3 =	sadd.s32 s3, s9;
	s6 =	sadd.s32 @!p0 $0x88, s6;
	s7 =	simm.s32 @p2 $0x1082  }
0x22: {  	[simem:s7], [sflag:s8] =	dma.local @!p0 [hbm:s6], $0xF7A  }
0x23: {  	s9 =	sor.u32 $0xD0000000, s2;
	s6 =	simm.s32 $0x108;
	_ =	swait.ge @!p0 [sflag:s8], $0x0  }
0x24: {  	s3 =	sadd.s32 $0x88, s3;
	s6 =	simm.s32 @!p1 $0x1082;
	[sflag:s4] =	ssyncset.s32 $0xFFFFF086  }
0x25: {  	[simem:s6], [sflag:s4] =	dma.local [hbm:s3], $0xF7A  }
0x26: {  	[smem:$0x3F97] =	sst s1;
	(tag) =	ssettag s2;
	_ =	strace s9  }
0x27: {  	s1 =	sld [smem:$0x3FA7]  }
0x28: {  	s2 =	sld [smem:$0x3FA8]  }
0x29: {  	s4 =	sld [smem:$0x3FAA]  }
0x2a: {  	p0 =	seq.s32 s5, $0x0;
	s5 =	sld [smem:$0x3FAB]  }
0x2b: {  	s6 =	sld [smem:$0x3FAC]  }
0x2c: {  	s7 =	sld [smem:$0x3FAD]  }
0x2d: {  	s3 =	simm.s32 $0x108;
	s8 =	sld [smem:$0x3FAE]  }
0x2e: {  	s3 =	simm.s32 @!p0 $0x1082;
	s9 =	sld [smem:$0x3FAF]  }
0x2f: {  	lr =	sadd.s32 s0, s3;
	s0 =	sld [smem:$0x3FA6]  }
0x30: {  	s3 =	sld [smem:$0x3FA9]  }
0x31: {  	[smem:$0x3FB2] =	sst s10  }
0x32: {  	s10 =	sld [smem:$0x3FB0];
	_ =	sdelay $0x3  }
0x33: {  	p0 =	seq.s32 s10, $0x1;
	s10 =	sld [smem:$0x3FB2];
	_ =	sdelay $0x3  }
0x34: {  	[smem:$0x3FB2] =	sst s10  }
0x35: {  	s10 =	sld [smem:$0x3FB1];
	_ =	sdelay $0x3  }
0x36: {  	p1 =	seq.s32 s10, $0x1;
	s10 =	sld [smem:$0x3FB2];
	_ =	sdelay $0x3  }
0x37: {  	[smem:$0x3FB2] =	sst s10  }
0x38: {  	s10 =	sld [smem:$0x3FB3]  }
0x39: {  	_ = 	snop;
	(pc) =	sbr.ind lr, $3  }
0x3a: {  	_ = 	snop  }
0x3b: {  	_ = 	snop  }
0x3c: {  	p2 =	seq.s32 s10, $0x1;
	s10 =	sld [smem:$0x3FB2]  }
0x3d: {  	_ =	shalt  }
0x3e: {  	_ =	shalt  }
0x3f: {  	_ =	shalt  }
0x40: {  	_ =	shalt  }
0x41: {  	_ =	shalt  }
0x42: {  	_ =	shalt  }
0x43: {  	_ =	shalt  }
0x44: {  	_ =	shalt  }
0x45: {  	_ =	shalt  }
0x46: {  	_ =	shalt  }
0x47: {  	_ =	shalt  }
0x48: {  	_ =	shalt  }
0x49: {  	_ =	shalt  }
0x4a: {  	_ =	shalt  }
0x4b: {  	_ =	shalt  }
0x4c: {  	_ =	shalt  }
0x4d: {  	_ =	shalt  }
0x4e: {  	_ =	shalt  }
0x4f: {  	_ =	shalt  }
0x50: {  	_ =	shalt  }
0x51: {  	_ =	shalt  }
0x52: {  	_ =	shalt  }
0x53: {  	_ =	shalt  }
0x54: {  	_ =	shalt  }
0x55: {  	_ =	shalt  }
0x56: {  	_ =	shalt  }
0x57: {  	_ =	shalt  }
0x58: {  	_ =	shalt  }
0x59: {  	_ =	shalt  }
0x5a: {  	_ =	shalt  }
0x5b: {  	_ =	shalt  }
0x5c: {  	_ =	shalt  }
0x5d: {  	_ =	shalt  }
0x5e: {  	_ =	shalt  }
0x5f: {  	_ =	shalt  }
0x60: {  	_ =	shalt  }
0x61: {  	_ =	shalt  }
0x62: {  	_ =	shalt  }
0x63: {  	_ =	shalt  }
0x64: {  	_ =	shalt  }
0x65: {  	_ =	shalt  }
0x66: {  	_ =	shalt  }
0x67: {  	_ =	shalt  }
0x68: {  	_ =	shalt  }
0x69: {  	_ =	shalt  }
0x6a: {  	_ =	shalt  }
0x6b: {  	_ =	shalt  }
0x6c: {  	_ =	shalt  }
0x6d: {  	_ =	shalt  }
0x6e: {  	_ =	shalt  }
0x6f: {  	_ =	shalt  }
0x70: {  	_ =	shalt  }
0x71: {  	_ =	shalt  }
0x72: {  	_ =	shalt  }
0x73: {  	_ =	shalt  }
0x74: {  	_ =	shalt  }
0x75: {  	_ =	shalt  }
0x76: {  	_ =	shalt  }
0x77: {  	_ =	shalt  }
0x78: {  	_ =	shalt  }
0x79: {  	_ =	shalt  }
0x7a: {  	_ =	shalt  }
0x7b: {  	_ =	shalt  }
0x7c: {  	_ =	shalt  }
0x7d: {  	_ =	shalt  }
0x7e: {  	_ =	shalt  }
0x7f: {  	_ =	shalt  }
0x80: {  	_ =	shalt  }
0x81: {  	_ =	shalt  }
0x82: {  	_ =	shalt  }
0x83: {  	_ =	shalt  }
0x84: {  	_ =	shalt  }
0x85: {  	_ =	shalt  }
0x86: {  	_ =	shalt  }
0x87: {  	_ =	shalt  }
.Lfunc_end0:
.L_simem_size_0:
called_computation.2_lowered:
.L_overlay_start_0:
0x88: {  	s2 =	sld [smem:$0x3FD9]  }
0x89: {  	s3 =	sld [smem:$0x3FFE];
	_ =	sdelay $0x1  }
0x8a: {  	s1 =	srdreg.scid  }
0x8b: {  	s0 =	sand.u32 $0x1, s1  }
0x8c: {  	s16 =	sshll.u32 s0, $0xA;
	s2 =	sadd.s32 s3, s2  }
0x8d: {  	s2 =	sadd.s32 s2, s16  }
0x8e: {  	[smem:$0x3FBE] =	sst s2  }
0x8f: {  	_ = 	snop  }
0x90: {  	(tm) =	ssettm $0x1  }
0x91: {  	s17 =	sld [smem:$0x3FFB];
	_ =	sdelay $0x3  }
0x92: {  	_ =	strace s17  }
0x93: {  	s2 =	sld [smem:$0x3FFC];
	_ =	sdelay $0x3  }
0x94: {  	_ =	strace s2  }
0x95: {  	s2 =	sld [smem:$0x3FFD];
	_ =	sdelay $0x3  }
0x96: {  	_ =	strace s2  }
0x97: {  	_ =	strace $0x8FFFFFFF  }
0x98: {  	s18 =	sld [smem:$0x3FDB];
	_ =	sdelay $0x1  }
0x99: {  	s19 =	simm.s32 $_scs_section_size  }
0x9a: {  	s4 =	simm.s32 $_size__tile_overlayer_lowered;
	s5 =	simm.s32 $_tile_overlayer_lowered  }
0x9b: {  	s22 =	simm.s32 $0x1BFF;
	s21 =	sshll.u32 s5, $0x1;
	s2 =	sadd.s32 s19, s18  }
0x9c: {  	s6 =	simm.s32 $0x0;
	s20 =	sshll.u32 s4, $0x1;
	s4 =	sadd.s32 s21, s2  }
0x9d: {  	[timem:s6], [sflag:s22] =	dma.local [hbm:s4], s20  }
0x9e: {  	_ =	swait.ge [sflag:s22], s20  }
0x9f: {  	s3 =	ssub.s32 $0x0, s20;
	[sflag:s22] =	ssyncset.done $0x0  }
0xa0: {  	[sflag:s22] =	ssyncadd.s32 s3;
	_ =	sdelay $0x1  }
0xa1: {  	s23 =	simm.s32 $0x1B8B  }
0xa2: {  	_ =	swait.ge [sflag:s23], $0x1  }
0xa3: {  	[sflag:s23] =	ssyncset.done $0x0  }
0xa4: {  	s25 =	simm.s32 $0x1B8E;
	s24 =	sld [smem:$0x3FFE];
	[sflag:s23] =	ssyncadd.s32 $0xFFFFFFFF  }
0xa5: {  	s26 =	simm.s32 $execute0_lowered;
	[smem:$0x3FD2] =	sst s25  }
0xa6: {  	s4 =	sshll.u32 s26, $0x1;
	_ =	strace $0x8000004C;
	[dreg:$0x1] =	wrdreg $0xFFFFFFFF  }
0xa7: {  	s28 =	simm.s32 $_size_execute0_lowered;
	s2 =	sadd.s32 s2, s4;
	[dreg:$0x0] =	wrdreg $0x0  }
0xa8: {  	s4 =	sshll.u32 s28, $0x1;
	[dreg:$0x2] =	wrdreg s2  }
0xa9: {  	[dreg:$0x3] =	wrdreg s4  }
0xaa: {  	[dreg:$0x4] =	wrdreg $0xC0  }
0xab: {  	_ =	task [dreg:s6], $0x5FFFF  }
0xac: {  	[dreg:$0x1] =	wrdreg $0xFFFFFFFF  }
0xad: {  	[dreg:$0x0] =	wrdreg $0x60  }
0xae: {  	[dreg:$0x2] =	wrdreg s24  }
0xaf: {  	[dreg:$0x3] =	wrdreg $0x91000  }
0xb0: {  	[dreg:$0x4] =	wrdreg $0x9  }
0xb1: {  	_ =	task.clear_ibuf [dreg:s6], $0x5FFFF;
	_ =	strace $0x9000004C  }
0xb2: {  	s29 =	simm.s32 $0x9;
	_ =	strace $0x8000004E  }
0xb3: {  	_ =	swait.ge [sflag:s29], $0x1  }
0xb4: {  	[sflag:s29] =	ssyncadd.s32 $0xFFFFFFFF  }
0xb5: {  	_ =	strace $0x9000004E  }
0xb6: {  	_ =	sfence  }
0xb7: {  	s30 =	sld [smem:$0x0];
	_ =	sdelay $0x2  }
0xb8: {  	s31 =	sshll.u32 s1, $0xD;
	s1 =	sshrl.u32 s1, $0x2  }
0xb9: {  	s3 =	sand.u32 $0x4000, s31;
	s1 =	sadd.s32 s1, s30  }
0xba: {  	s0 =	sor.u32 s3, s0;
	s1 =	sshll.u32 s1, $0x11  }
0xbb: {  	s0 =	sor.u32 s1, s0  }
0xbc: {  	s0 =	sadd.s32 $0x8F2B, s0  }
0xbd: {  	[sflag:s0] =	ssyncadd.remote.s32 $0x1  }
0xbe: {  	_ =	sfence.sel $0xFFFF  }
0xbf: {  	[dreg:$0x0] =	wrdreg $0xFFFFFFFF;
	(pc) =	sbr.abs _section_cstart, $3  }
0xc0: {  	[dreg:$0x1] =	wrdreg $0xFFFFFFFF  }
0xc1: {  	_ =	task.clear_ibuf [dreg:s6], $0x2FFFF;
	_ =	strace $0x9FFFFFFF  }
0xc2: {  	(tm) =	ssettm $0x7FFFFFFF  }
0xc3: {  	_ =	shalt  }
tec
execute0_lowered:
.L_overlay_start_1:
0x0: {  	(tag) =	ssettag $0x1  }
0x1: {  	s0 =	rddreg [dreg:$0x0]  }
0x2: {  	s1 =	rddreg [dreg:$0x1];
	s3 =	simm.s32 $0x0;
	s2 =	srdreg.scid  }
0x3: {  	s6 =	stileid.u32;
	s28 =	simm.s32 $0x1;
	s29 =	simm.s32 $0x3  }
0x4: {  	s30 =	simm.s32 $0x5;
	s31 =	simm.s32 $0x0;
	[smem:$0x7FF] =	sst s3  }
0x5: {  	s2 =	sand.u32 $0x1, s2;
	s4 =	sshll.u32 s6, $0xF;
	s8 =	smul.u32 $0x14000, s6  }
0x6: {  	s10 =	smul.u32 $0x50000, s6;
	s6 =	sadd.s32 $0x2400, s0;
	s5 =	sshll.u32 s2, $0xE  }
0x7: {  	s7 =	smul.u32 $0x140000, s2;
	_ =	strace $0x8000004D;
	s2 =	ssub.s32 $0x2, s2  }
0x8: {  	s4 =	sor.u32 s5, s4;
	s5 =	sadd.s32 $0x72E00, s0;
	s20 =	sshrl.u32 s10, $0x2  }
0x9: {  	s21 =	sshrl.u32 s2, $0x1;
	s9 =	sshrl.u32 s4, $0x3;
	s7 =	sadd.s32 s8, s7  }
0xa: {  	s2 =	ssub.s32 s2, s21;
	s21 =	simm.s32 $0x7;
	s7 =	sshrl.u32 s7, $0x3  }
0xb: {  	s15 =	sadd.s32 s9, s0;
	s0 =	sadd.s32 s7, s0;
	s7 =	sadd.s32 s20, s1  }
0xc: {  	s16 =	sadd.s32 s6, s9;
	s18 =	smax.u32 s2, $0x1;
	s8 =	sadd.s32 $0x2800, s7  }
0xd: {  	s15 =	sadd.s32 $0x12E00, s15;
	s22 =	sadd.s32 $0x5000, s7;
	[dreg:$0x3] =	wrdreg s8  }
0xe: {  	s19 =	sadd.s32 $0x10, s16;
	s23 =	sadd.s32 $0x7800, s7;
	[dreg:$0x4] =	wrdreg s22  }
0xf: {  	s20 =	simm.s32 $0x4100;
	s24 =	sadd.s32 $0xA000, s7;
	[dreg:$0x5] =	wrdreg s23  }
0x10: {  	s25 =	sadd.s32 $0xC800, s7;
	s26 =	sadd.s32 $0xF000, s7;
	[dreg:$0x6] =	wrdreg s24  }
0x11: {  	s14 =	sadd.s32 $0x11800, s7;
	s17 =	sadd.s32 $0x9A000, s0;
	[dreg:$0x7] =	wrdreg s25  }
0x12: {  	v0 =	vimm.f32 $0.0e+00;
	[dreg:$0x8] =	wrdreg s26;
	s22 =	simm.s32 $0x50;
	s23 =	simm.s32 $0x4000  }
.LBB2_1:
0x13: {  	s0 =	simm.s32 $0x0;
	s2 =	simm.s32 $0x200  }
.LBB2_2:
0x14: {  	p0 =	sne.s32 s2, $0x9E00;
	[tilespmem:s0+$0x4170] =	vst v0  }
0x15: {  	[tilespmem:s0+$0x4100] =	vst v0  }
0x16: {  	[tilespmem:s0+$0x4110] =	vst v0  }
.Ltmp0:
0x17: {  	[tilespmem:s0+$0x4120] =	vst v0;
	(pc) =	sbr.rel @p0 .LBB2_2-.Ltmp0, $4  }
0x18: {  	[tilespmem:s0+$0x4130] =	vst v0  }
0x19: {  	[tilespmem:s0+$0x4140] =	vst v0  }
0x1a: {  	[tilespmem:s0+$0x4150] =	vst v0  }
0x1b: {  	[tilespmem:s0+$0x4160] =	vst v0;
	s0 =	sshra.s32 s2, $0x2;
	s2 =	sadd.s32 $0x200, s2  }
0x1c: {  	[tilespmem:s0+$0x4170] =	vst v0  }
0x1d: {  	[tilespmem:s0+$0x4100] =	vst v0  }
0x1e: {  	[tilespmem:s0+$0x4110] =	vst v0  }
0x1f: {  	[tilespmem:s0+$0x4120] =	vst v0  }
0x20: {  	[tilespmem:s0+$0x4130] =	vst v0  }
0x21: {  	[tilespmem:s0+$0x4140] =	vst v0  }
0x22: {  	[tilespmem:s0+$0x4150] =	vst v0  }
0x23: {  	[tilespmem:s0+$0x4160] =	vst v0  }
0x24: {  	[spmem:s7] =	stream.linear.scatter [tilespmem:s20], [sflag:$0x7], $0x2800, $0x38;
	[tilespmem:$0x1D100] =	vst v63  }
0x25: {  	_ =	swait.ge [sflag:s21], $0x2800  }
0x26: {  	[sflag:s21] =	ssyncset.done $0x0  }
0x27: {  	s24 =	rddreg [dreg:$0x3];
	[sflag:s21] =	ssyncadd.s32 $0xFFFFD800  }
0x28: {  	[spmem:s24] =	stream.linear.scatter [tilespmem:s20], [sflag:$0x7], $0x2800, $0x38;
	[tilespmem:$0x1D100] =	vst v63  }
0x29: {  	_ =	swait.ge [sflag:s21], $0x2800  }
0x2a: {  	[sflag:s21] =	ssyncset.done $0x0  }
0x2b: {  	s25 =	rddreg [dreg:$0x4];
	[sflag:s21] =	ssyncadd.s32 $0xFFFFD800  }
0x2c: {  	[spmem:s25] =	stream.linear.scatter [tilespmem:s20], [sflag:$0x7], $0x2800, $0x38;
	[tilespmem:$0x1D100] =	vst v63  }
0x2d: {  	_ =	swait.ge [sflag:s21], $0x2800  }
0x2e: {  	[sflag:s21] =	ssyncset.done $0x0  }
0x2f: {  	s26 =	rddreg [dreg:$0x5];
	[sflag:s21] =	ssyncadd.s32 $0xFFFFD800  }
0x30: {  	[spmem:s26] =	stream.linear.scatter [tilespmem:s20], [sflag:$0x7], $0x2800, $0x38;
	[tilespmem:$0x1D100] =	vst v63  }
0x31: {  	_ =	swait.ge [sflag:s21], $0x2800  }
0x32: {  	[sflag:s21] =	ssyncset.done $0x0  }
0x33: {  	s2 =	rddreg [dreg:$0x6];
	[sflag:s21] =	ssyncadd.s32 $0xFFFFD800  }
0x34: {  	[spmem:s2] =	stream.linear.scatter [tilespmem:s20], [sflag:$0x7], $0x2800, $0x38;
	[tilespmem:$0x1D100] =	vst v63  }
0x35: {  	_ =	swait.ge [sflag:s21], $0x2800  }
0x36: {  	[sflag:s21] =	ssyncset.done $0x0  }
0x37: {  	s8 =	rddreg [dreg:$0x7];
	[sflag:s21] =	ssyncadd.s32 $0xFFFFD800  }
0x38: {  	[spmem:s8] =	stream.linear.scatter [tilespmem:s20], [sflag:$0x7], $0x2800, $0x38;
	[tilespmem:$0x1D100] =	vst v63  }
0x39: {  	_ =	swait.ge [sflag:s21], $0x2800  }
0x3a: {  	[sflag:s21] =	ssyncset.done $0x0  }
0x3b: {  	s9 =	rddreg [dreg:$0x8];
	[sflag:s21] =	ssyncadd.s32 $0xFFFFD800  }
0x3c: {  	[spmem:s9] =	stream.linear.scatter [tilespmem:s20], [sflag:$0x7], $0x2800, $0x38;
	[tilespmem:$0x1D100] =	vst v63  }
0x3d: {  	_ =	swait.ge [sflag:s21], $0x2800  }
0x3e: {  	[sflag:s21] =	ssyncset.done $0x0  }
0x3f: {  	[sflag:s21] =	ssyncadd.s32 $0xFFFFD800  }
0x40: {  	[spmem:s14] =	stream.linear.scatter [tilespmem:s20], [sflag:$0x7], $0x2800, $0x38;
	[tilespmem:$0x1D100] =	vst v63  }
0x41: {  	_ =	swait.ge [sflag:s21], $0x2800  }
0x42: {  	[sflag:s21] =	ssyncset.done $0x0  }
0x43: {  	[sflag:s21] =	ssyncadd.s32 $0xFFFFD800  }
0x44: {  	[tilespmem:s3], [sflag:$0x7] =	stream.linear.gather [hbm4b:s15+s3], $0x3E80, $0x38;
	[tilespmem:$0x1D100] =	vst v63  }
0x45: {  	_ =	swait.ge [sflag:s21], $0x3E80  }
0x46: {  	[sflag:s21] =	ssyncset.done $0x0  }
0x47: {  	[sflag:s21] =	ssyncadd.s32 $0xFFFFC180  }
0x48: {  	[bflag:$0x0] =	sbarrier.arrive $0xFFFF  }
0x49: {  	[tilespmem:s20], [sflag:$0x1] =	stream.indirect.gather [hbm4b:s5+s22], $0x80, s3, s22, $0xb8;
	[tilespmem:$0x1D100] =	vst v63  }
0x4a: {  	_ = 	snop  }
0x4b: {  	[tilespmem:s23], [sflag:$0x3] =	stream.linear.gather [hbm4b:s16+s3], $0x80, $0x38;
	[tilespmem:$0x1D100] =	vst v63  }
0x4c: {  	s10 =	simm.s32 $0x80;
	s2 =	simm.s32 $0x6900  }
0x4d: {  	[tilespmem:s2], [sflag:$0x2] =	stream.indirect.gather [hbm4b:s5+s22], $0x80, s10, s22, $0xb8;
	[tilespmem:$0x1D100] =	vst v63  }
0x4e: {  	s11 =	simm.s32 $0x4080  }
0x4f: {  	[tilespmem:s11], [sflag:$0x4] =	stream.linear.gather [hbm4b:s19+s3], $0x80, $0x38;
	[tilespmem:$0x1D100] =	vst v63  }
0x50: {  	s0 =	simm.s32 $0x2;
	_ =	swait.ge [sflag:s28], $0x2800  }
0x51: {  	s8 =	sand.u32 $0x1, s0;
	[sflag:s28] =	ssyncset.done $0x0  }
0x52: {  	s24 =	smul.u32 $0xA000, s8;
	[sflag:s28] =	ssyncadd.s32 $0xFFFFD800  }
0x53: {  	s25 =	simm.s32 $0x1;
	_ =	swait.ge [sflag:s29], $0x80  }
0x54: {  	s13 =	sadd.s32 $0x1, s8;
	s24 =	sshrl.u32 s24, $0x2;
	[sflag:s29] =	ssyncset.done $0x0  }
0x55: {  	s9 =	sadd.s32 $0x5, s8;
	s2 =	simm.s32 $0x100;
	[sflag:s29] =	ssyncadd.s32 $0xFFFFFF80  }
0x56: {  	[spmem:s1] =	stream.indirect.scatter.add.f32 [tilespmem:s20], [sflag:$0x5], $0x80, s23, s22, $0xb8;
	[tilespmem:$0x1D100] =	vst v63  }
0x57: {  	s24 =	sor.u32 $0x4100, s24;
	s26 =	sand.u32 $0x7C00, s2;
	_ =	swait.ge [sflag:s9], $0x2800  }
0x58: {  	s12 =	sand.u32 $0x380, s2;
	s26 =	sadd.s32 s4, s26;
	[sflag:s9] =	ssyncset.done $0x0  }
0x59: {  	s10 =	sand.u32 $0x1, s25;
	[sflag:s9] =	ssyncadd.s32 $0xFFFFD800;
	s9 =	sor.u32 s12, s26  }
0x5a: {  	[tilespmem:s24], [sflag:s13] =	stream.indirect.gather [hbm4b:s5+s22], $0x80, s2, s22, $0xb8;
	[tilespmem:$0x1D100] =	vst v63  }
0x5b: {  	s26 =	sshll.u32 s8, $0x7;
	s8 =	sadd.s32 $0x3, s8;
	s9 =	sshrl.u32 s9, $0x3  }
0x5c: {  	s12 =	sadd.s32 $0x1, s10;
	s24 =	sor.u32 $0x4000, s26;
	s9 =	sadd.s32 s6, s9  }
0x5d: {  	[tilespmem:s24], [sflag:s8] =	stream.linear.gather [hbm4b:s9+s3], $0x80, $0x38;
	[tilespmem:$0x1D100] =	vst v63  }
0x5e: {  	s11 =	smul.u32 $0xA000, s10;
	s13 =	sshll.u32 s10, $0x7;
	_ =	swait.ge [sflag:s12], $0x2800  }
0x5f: {  	s26 =	sor.u32 $0x4000, s13;
	s24 =	simm.s32 $0x180;
	[sflag:s12] =	ssyncset.done $0x0  }
0x60: {  	s8 =	sshrl.u32 s11, $0x2;
	s9 =	sadd.s32 $0x3, s10;
	[sflag:s12] =	ssyncadd.s32 $0xFFFFD800  }
0x61: {  	s25 =	sor.u32 $0x4100, s8;
	s8 =	sadd.s32 $0x5, s10;
	_ =	swait.ge [sflag:s9], $0x80  }
.LBB2_4:
0x62: {  	[sflag:s9] =	ssyncset.done $0x0  }
0x63: {  	s0 =	sadd.s32 $0x1, s0;
	s2 =	sadd.s32 $0x80, s2;
	s10 =	smov.u32 s24  }
0x64: {  	p0 =	sne.s32 s24, $0x3E00;
	s24 =	sadd.s32 $0x80, s24;
	[sflag:s9] =	ssyncadd.s32 $0xFFFFFF80  }
0x65: {  	[spmem:s1] =	stream.indirect.scatter.add.f32 [tilespmem:s25], [sflag:s8], $0x80, s26, s22, $0xb8;
	[tilespmem:$0x1D100] =	vst v63  }
0x66: {  	s9 =	sand.u32 $0x1, s0;
	s8 =	sadd.s32 $0xFFFFFFFF, s0;
	s25 =	sand.u32 $0x380, s10  }
0x67: {  	s26 =	sadd.s32 $0x5, s9;
	s11 =	smul.u32 $0xA000, s9;
	s12 =	sadd.s32 $0x1, s9  }
0x68: {  	s10 =	sand.u32 $0x7C00, s10;
	s13 =	sshll.u32 s9, $0x7;
	_ =	swait.ge [sflag:s26], $0x2800  }
0x69: {  	s10 =	sadd.s32 s4, s10;
	s11 =	sshrl.u32 s11, $0x2;
	[sflag:s26] =	ssyncset.done $0x0  }
0x6a: {  	s8 =	sand.u32 $0x1, s8;
	s11 =	sor.u32 $0x4100, s11;
	[sflag:s26] =	ssyncadd.s32 $0xFFFFD800  }
0x6b: {  	s9 =	sadd.s32 $0x3, s9;
	s10 =	sor.u32 s25, s10;
	s25 =	smul.u32 $0xA000, s8  }
0x6c: {  	[tilespmem:s11], [sflag:s12] =	stream.indirect.gather [hbm4b:s5+s22], $0x80, s2, s22, $0xb8;
	[tilespmem:$0x1D100] =	vst v63  }
0x6d: {  	s10 =	sshrl.u32 s10, $0x3;
	s11 =	sor.u32 $0x4000, s13;
	s12 =	sadd.s32 $0x1, s8  }
0x6e: {  	s10 =	sadd.s32 s6, s10;
	s26 =	sshll.u32 s8, $0x7;
	s13 =	sshrl.u32 s25, $0x2  }
0x6f: {  	[tilespmem:s11], [sflag:s9] =	stream.linear.gather [hbm4b:s10+s3], $0x80, $0x38;
	[tilespmem:$0x1D100] =	vst v63  }
.Ltmp1:
0x70: {  	_ = 	snop;
	(pc) =	sbr.rel @p0 .LBB2_4-.Ltmp1, $4  }
0x71: {  	s26 =	sor.u32 $0x4000, s26;
	s25 =	sor.u32 $0x4100, s13;
	_ =	swait.ge [sflag:s12], $0x2800  }
0x72: {  	s9 =	sadd.s32 $0x3, s8;
	s8 =	sadd.s32 $0x5, s8;
	[sflag:s12] =	ssyncset.done $0x0  }
0x73: {  	[sflag:s12] =	ssyncadd.s32 $0xFFFFD800  }
0x74: {  	_ =	swait.ge [sflag:s9], $0x80  }
0x75: {  	[sflag:s9] =	ssyncset.done $0x0  }
0x76: {  	[sflag:s9] =	ssyncadd.s32 $0xFFFFFF80  }
0x77: {  	[spmem:s1] =	stream.indirect.scatter.add.f32 [tilespmem:s25], [sflag:s8], $0x80, s26, s22, $0xb8;
	[tilespmem:$0x1D100] =	vst v63  }
0x78: {  	_ =	swait.ge [sflag:s8], $0x2800  }
0x79: {  	[sflag:s8] =	ssyncset.done $0x0  }
0x7a: {  	[sflag:s8] =	ssyncadd.s32 $0xFFFFD800  }
0x7b: {  	_ =	swait.ge [sflag:s28], $0x2800  }
0x7c: {  	[sflag:s28] =	ssyncset.done $0x0  }
0x7d: {  	[sflag:s28] =	ssyncadd.s32 $0xFFFFD800  }
0x7e: {  	_ =	swait.ge [sflag:s29], $0x80  }
0x7f: {  	[sflag:s29] =	ssyncset.done $0x0  }
0x80: {  	[sflag:s29] =	ssyncadd.s32 $0xFFFFFF80  }
0x81: {  	[spmem:s1] =	stream.indirect.scatter.add.f32 [tilespmem:s20], [sflag:$0x5], $0x80, s23, s22, $0xb8;
	[tilespmem:$0x1D100] =	vst v63  }
0x82: {  	s0 =	stileid.u32;
	_ =	swait.ge [sflag:s30], $0x2800  }
0x83: {  	s2 =	sshrl.u32 s7, $0x3;
	s31 =	sadd.s32 $0x1, s31;
	[sflag:s30] =	ssyncset.done $0x0  }
0x84: {  	s0 =	sshll.u32 s0, $0x6;
	p0 =	sne.s32 s31, s18;
	[sflag:s30] =	ssyncadd.s32 $0xFFFFD800  }
.Ltmp2:
0x85: {  	s0 =	sor.u32 $0x1C07, s0;
	[bflag:$0x0] =	sbarrier.arrive $0xFFFF;
	(pc) =	sbr.rel @p0 .LBB2_1-.Ltmp2, $4  }
0x86: {  	[hbm:s17], [sflag:s0] =	dma.local [spmem:s2], $0x2800  }
0x87: {  	_ =	swait.ge [sflag:s21], $0x2800  }
0x88: {  	[sflag:s21] =	ssyncset.done $0x0  }
0x89: {  	[sflag:s21] =	ssyncadd.s32 $0xFFFFD800  }
0x8a: {  	_ =	sfence.sel $0x180000  }
0x8b: {  	[bflag:$0x0] =	sbarrier.arrive $0xFFFF  }
0x8c: {  	_ =	strace $0x9000004D  }
0x8d: {  	s0 =	stileid.u32;
	[bflag:$0x2] =	sbarrier.arrive $0xFFFF  }
0x8e: {  	p0 =	sne.s32 s0, $0x0;
	s0 =	rddreg [dreg:$0x2]  }
0x8f: {  	s0 =	sadd.s32 @!p0 $0x100000, s0  }
0x90: {  	[sflag:s0] =	ssyncadd.tile.s32 @!p0 $0x1;
	_ =	shalt  }
.Lfunc_end2:
_tile_overlayer_lowered:
.L_overlay_start_2:
0x91: {  	(tag) =	ssettag $0x2  }
0x92: {  	s0 =	rddreg [dreg:$0x0];
	s2 =	stileid.u32  }
0x93: {  	s1 =	rddreg [dreg:$0x1];
	p0 =	sne.s32 s2, $0x0  }
0x94: {  	s3 =	rddreg [dreg:$0x2];
	[bflag:$0x3] =	sbarrier.arrive $0xFFFF;
	s2 =	simm.s32 @!p0 $0x1C07  }
0x95: {  	[timem:s3], [sflag:s2] =	dma.local @!p0 [hbm:s0], s1  }
0x96: {  	s0 =	simm.s32 @!p0 $0x7  }
0x97: {  	_ =	swait.ge @!p0 [sflag:s0], s1  }
0x98: {  	s1 =	ssub.s32 @!p0 $0x0, s1;
	[sflag:s0] =	ssyncset.done @!p0 $0x0  }
0x99: {  	[sflag:s0] =	ssyncadd.s32 @!p0 s1  }
0x9a: {  	[bflag:$0x3] =	sbarrier.arrive $0xFFFF  }
0x9b: {  	_ =	shalt  }

// kernel: kernel.8.cloned.1.call-start
scs
__scs_entry_jumppad:
0x0: {  	(pc) =	sbr.rel $0x88, $3  }
0x1: {  	(tag) =	ssettag $0x0;
	lr =	simm.s32 $0x1  }
0x2: {  	[smem:$0x3F97] =	sst lr;
	_ =	strace $0xD0000000  }
0x3: {  	_ = 	snop  }
0x4: {  	_ = 	snop  }
0x5: {  	_ = 	snop  }
0x6: {  	_ = 	snop  }
0x7: {  	_ = 	snop  }
__scs_overlays_trampoline_lowered:
0x8: {  	[smem:$0x3FA6] =	sst s0  }
0x9: {  	[smem:$0x3FA7] =	sst s1  }
0xa: {  	[smem:$0x3FA8] =	sst s2  }
0xb: {  	[smem:$0x3FA9] =	sst s3  }
0xc: {  	[smem:$0x3FAA] =	sst s4  }
0xd: {  	[smem:$0x3FAB] =	sst s5  }
0xe: {  	[smem:$0x3FAC] =	sst s6  }
0xf: {  	[smem:$0x3FAD] =	sst s7  }
0x10: {  	[smem:$0x3FAE] =	sst s8  }
0x11: {  	[smem:$0x3FAF] =	sst s9;
	s0 =	simm.s32 @!p0 $0x0  }
0x12: {  	s1 =	sld [smem:$0x3F95];
	s0 =	simm.s32 @p0 $0x1  }
0x13: {  	[smem:$0x3FB0] =	sst s0;
	s0 =	simm.s32 @!p1 $0x0  }
0x14: {  	s2 =	sld [smem:$0x3F94];
	s0 =	simm.s32 @p1 $0x1  }
0x15: {  	[smem:$0x3FB1] =	sst s0;
	s0 =	simm.s32 @!p2 $0x0  }
0x16: {  	s3 =	sld [smem:$0x3FDB];
	s0 =	simm.s32 @p2 $0x1  }
0x17: {  	s4 =	simm.s32 $0x1BF5;
	[smem:$0x3FB3] =	sst s0  }
0x18: {  	s0 =	sld [smem:$0x3F96];
	_ =	swait.ge [sflag:s4], $0x0  }
0x19: {  	s7 =	sld [smem:$0x3F97]  }
0x1a: {  	s8 =	sadd.s32 $0xFFFFE003, lr  }
0x1b: {  	s9 =	sadd.s32 $0xFFFFFEF7, lr;
	s5 =	simm.s32 $0xFFFFFFFF;
	p2 =	slt.u32 s8, $0xFFFFF086  }
0x1c: {  	p1 =	slt.u32 s9, $0xF7A;
	s5 =	simm.s32 @!p2 $0x0  }
0x1d: {  	s5 =	simm.s32 @p1 $0x1;
	p0 =	seq.s32 s7, s2  }
0x1e: {  	s7 =	smul.u32 @!p0 $0xF7A, s2;
	p2 =	seq.s32 @!p0 s5, $0x0  }
0x1f: {  	s9 =	smul.u32 $0xF7A, s1;
	s8 =	simm.s32 @!p0 $0x1BF5;
	p2 =	por !p2, p0  }
0x20: {  	[sflag:s8] =	ssyncset.s32 @!p0 $0xFFFFF086;
	s6 =	sadd.s32 @!p0 s3, s7;
	s7 =	simm.s32 @!p0 $0x108  }
0x21: {  	s3 =	sadd.s32 s3, s9;
	s6 =	sadd.s32 @!p0 $0x88, s6;
	s7 =	simm.s32 @p2 $0x1082  }
0x22: {  	[simem:s7], [sflag:s8] =	dma.local @!p0 [hbm:s6], $0xF7A  }
0x23: {  	s9 =	sor.u32 $0xD0000000, s2;
	s6 =	simm.s32 $0x108;
	_ =	swait.ge @!p0 [sflag:s8], $0x0  }
0x24: {  	s3 =	sadd.s32 $0x88, s3;
	s6 =	simm.s32 @!p1 $0x1082;
	[sflag:s4] =	ssyncset.s32 $0xFFFFF086  }
0x25: {  	[simem:s6], [sflag:s4] =	dma.local [hbm:s3], $0xF7A  }
0x26: {  	[smem:$0x3F97] =	sst s1;
	(tag) =	ssettag s2;
	_ =	strace s9  }
0x27: {  	s1 =	sld [smem:$0x3FA7]  }
0x28: {  	s2 =	sld [smem:$0x3FA8]  }
0x29: {  	s4 =	sld [smem:$0x3FAA]  }
0x2a: {  	p0 =	seq.s32 s5, $0x0;
	s5 =	sld [smem:$0x3FAB]  }
0x2b: {  	s6 =	sld [smem:$0x3FAC]  }
0x2c: {  	s7 =	sld [smem:$0x3FAD]  }
0x2d: {  	s3 =	simm.s32 $0x108;
	s8 =	sld [smem:$0x3FAE]  }
0x2e: {  	s3 =	simm.s32 @!p0 $0x1082;
	s9 =	sld [smem:$0x3FAF]  }
0x2f: {  	lr =	sadd.s32 s0, s3;
	s0 =	sld [smem:$0x3FA6]  }
0x30: {  	s3 =	sld [smem:$0x3FA9]  }
0x31: {  	[smem:$0x3FB2] =	sst s10  }
0x32: {  	s10 =	sld [smem:$0x3FB0];
	_ =	sdelay $0x3  }
0x33: {  	p0 =	seq.s32 s10, $0x1;
	s10 =	sld [smem:$0x3FB2];
	_ =	sdelay $0x3  }
0x34: {  	[smem:$0x3FB2] =	sst s10  }
0x35: {  	s10 =	sld [smem:$0x3FB1];
	_ =	sdelay $0x3  }
0x36: {  	p1 =	seq.s32 s10, $0x1;
	s10 =	sld [smem:$0x3FB2];
	_ =	sdelay $0x3  }
0x37: {  	[smem:$0x3FB2] =	sst s10  }
0x38: {  	s10 =	sld [smem:$0x3FB3]  }
0x39: {  	_ = 	snop;
	(pc) =	sbr.ind lr, $3  }
0x3a: {  	_ = 	snop  }
0x3b: {  	_ = 	snop  }
0x3c: {  	p2 =	seq.s32 s10, $0x1;
	s10 =	sld [smem:$0x3FB2]  }
0x3d: {  	_ =	shalt  }
0x3e: {  	_ =	shalt  }
0x3f: {  	_ =	shalt  }
0x40: {  	_ =	shalt  }
0x41: {  	_ =	shalt  }
0x42: {  	_ =	shalt  }
0x43: {  	_ =	shalt  }
0x44: {  	_ =	shalt  }
0x45: {  	_ =	shalt  }
0x46: {  	_ =	shalt  }
0x47: {  	_ =	shalt  }
0x48: {  	_ =	shalt  }
0x49: {  	_ =	shalt  }
0x4a: {  	_ =	shalt  }
0x4b: {  	_ =	shalt  }
0x4c: {  	_ =	shalt  }
0x4d: {  	_ =	shalt  }
0x4e: {  	_ =	shalt  }
0x4f: {  	_ =	shalt  }
0x50: {  	_ =	shalt  }
0x51: {  	_ =	shalt  }
0x52: {  	_ =	shalt  }
0x53: {  	_ =	shalt  }
0x54: {  	_ =	shalt  }
0x55: {  	_ =	shalt  }
0x56: {  	_ =	shalt  }
0x57: {  	_ =	shalt  }
0x58: {  	_ =	shalt  }
0x59: {  	_ =	shalt  }
0x5a: {  	_ =	shalt  }
0x5b: {  	_ =	shalt  }
0x5c: {  	_ =	shalt  }
0x5d: {  	_ =	shalt  }
0x5e: {  	_ =	shalt  }
0x5f: {  	_ =	shalt  }
0x60: {  	_ =	shalt  }
0x61: {  	_ =	shalt  }
0x62: {  	_ =	shalt  }
0x63: {  	_ =	shalt  }
0x64: {  	_ =	shalt  }
0x65: {  	_ =	shalt  }
0x66: {  	_ =	shalt  }
0x67: {  	_ =	shalt  }
0x68: {  	_ =	shalt  }
0x69: {  	_ =	shalt  }
0x6a: {  	_ =	shalt  }
0x6b: {  	_ =	shalt  }
0x6c: {  	_ =	shalt  }
0x6d: {  	_ =	shalt  }
0x6e: {  	_ =	shalt  }
0x6f: {  	_ =	shalt  }
0x70: {  	_ =	shalt  }
0x71: {  	_ =	shalt  }
0x72: {  	_ =	shalt  }
0x73: {  	_ =	shalt  }
0x74: {  	_ =	shalt  }
0x75: {  	_ =	shalt  }
0x76: {  	_ =	shalt  }
0x77: {  	_ =	shalt  }
0x78: {  	_ =	shalt  }
0x79: {  	_ =	shalt  }
0x7a: {  	_ =	shalt  }
0x7b: {  	_ =	shalt  }
0x7c: {  	_ =	shalt  }
0x7d: {  	_ =	shalt  }
0x7e: {  	_ =	shalt  }
0x7f: {  	_ =	shalt  }
0x80: {  	_ =	shalt  }
0x81: {  	_ =	shalt  }
0x82: {  	_ =	shalt  }
0x83: {  	_ =	shalt  }
0x84: {  	_ =	shalt  }
0x85: {  	_ =	shalt  }
0x86: {  	_ =	shalt  }
0x87: {  	_ =	shalt  }
.Lfunc_end0:
.L_simem_size_0:
called_computation_lowered:
.L_overlay_start_0:
0x88: {  	s2 =	sld [smem:$0x3FD9]  }
0x89: {  	s3 =	sld [smem:$0x3FFE];
	_ =	sdelay $0x1  }
0x8a: {  	s1 =	srdreg.scid  }
0x8b: {  	s0 =	sand.u32 $0x1, s1  }
0x8c: {  	s16 =	sshll.u32 s0, $0xA;
	s2 =	sadd.s32 s3, s2  }
0x8d: {  	s2 =	sadd.s32 s2, s16  }
0x8e: {  	[smem:$0x3FBE] =	sst s2  }
0x8f: {  	_ = 	snop  }
0x90: {  	(tm) =	ssettm $0x1  }
0x91: {  	s17 =	sld [smem:$0x3FFB];
	_ =	sdelay $0x3  }
0x92: {  	_ =	strace s17  }
0x93: {  	s2 =	sld [smem:$0x3FFC];
	_ =	sdelay $0x3  }
0x94: {  	_ =	strace s2  }
0x95: {  	s2 =	sld [smem:$0x3FFD];
	_ =	sdelay $0x3  }
0x96: {  	_ =	strace s2  }
0x97: {  	_ =	strace $0x8FFFFFFF  }
0x98: {  	s18 =	sld [smem:$0x3FDB];
	_ =	sdelay $0x1  }
0x99: {  	s19 =	simm.s32 $_scs_section_size  }
0x9a: {  	s4 =	simm.s32 $_size__tile_overlayer_lowered;
	s5 =	simm.s32 $_tile_overlayer_lowered  }
0x9b: {  	s22 =	simm.s32 $0x1BFF;
	s21 =	sshll.u32 s5, $0x1;
	s2 =	sadd.s32 s19, s18  }
0x9c: {  	s6 =	simm.s32 $0x0;
	s20 =	sshll.u32 s4, $0x1;
	s4 =	sadd.s32 s21, s2  }
0x9d: {  	[timem:s6], [sflag:s22] =	dma.local [hbm:s4], s20  }
0x9e: {  	_ =	swait.ge [sflag:s22], s20  }
0x9f: {  	s3 =	ssub.s32 $0x0, s20;
	[sflag:s22] =	ssyncset.done $0x0  }
0xa0: {  	[sflag:s22] =	ssyncadd.s32 s3;
	_ =	sdelay $0x1  }
0xa1: {  	s23 =	simm.s32 $0x1B8B  }
0xa2: {  	_ =	swait.ge [sflag:s23], $0x1  }
0xa3: {  	[sflag:s23] =	ssyncset.done $0x0  }
0xa4: {  	s25 =	simm.s32 $0x1B8E;
	s24 =	sld [smem:$0x3FFE];
	[sflag:s23] =	ssyncadd.s32 $0xFFFFFFFF  }
0xa5: {  	s26 =	simm.s32 $execute0_lowered;
	[smem:$0x3FD2] =	sst s25  }
0xa6: {  	s4 =	sshll.u32 s26, $0x1;
	_ =	strace $0x80000046;
	[dreg:$0x1] =	wrdreg $0xFFFFFFFF  }
0xa7: {  	s28 =	simm.s32 $_size_execute0_lowered;
	s2 =	sadd.s32 s2, s4;
	[dreg:$0x0] =	wrdreg $0x0  }
0xa8: {  	s4 =	sshll.u32 s28, $0x1;
	[dreg:$0x2] =	wrdreg s2  }
0xa9: {  	[dreg:$0x3] =	wrdreg s4  }
0xaa: {  	[dreg:$0x4] =	wrdreg $0xC0  }
0xab: {  	_ =	task [dreg:s6], $0x5FFFF  }
0xac: {  	[dreg:$0x1] =	wrdreg $0xFFFFFFFF  }
0xad: {  	[dreg:$0x0] =	wrdreg $0x60  }
0xae: {  	[dreg:$0x2] =	wrdreg s24  }
0xaf: {  	[dreg:$0x3] =	wrdreg $0x43000  }
0xb0: {  	[dreg:$0x4] =	wrdreg $0x9  }
0xb1: {  	_ =	task.clear_ibuf [dreg:s6], $0x5FFFF;
	_ =	strace $0x90000046  }
0xb2: {  	s29 =	simm.s32 $0x9;
	_ =	strace $0x80000048  }
0xb3: {  	_ =	swait.ge [sflag:s29], $0x1  }
0xb4: {  	[sflag:s29] =	ssyncadd.s32 $0xFFFFFFFF  }
0xb5: {  	_ =	strace $0x90000048  }
0xb6: {  	_ =	sfence  }
0xb7: {  	s30 =	sld [smem:$0x0];
	_ =	sdelay $0x2  }
0xb8: {  	s31 =	sshll.u32 s1, $0xD;
	s1 =	sshrl.u32 s1, $0x2  }
0xb9: {  	s3 =	sand.u32 $0x4000, s31;
	s1 =	sadd.s32 s1, s30  }
0xba: {  	s0 =	sor.u32 s3, s0;
	s1 =	sshll.u32 s1, $0x11  }
0xbb: {  	s0 =	sor.u32 s1, s0  }
0xbc: {  	s0 =	sadd.s32 $0x8F2B, s0  }
0xbd: {  	[sflag:s0] =	ssyncadd.remote.s32 $0x1  }
0xbe: {  	_ =	sfence.sel $0xFFFF  }
0xbf: {  	[dreg:$0x0] =	wrdreg $0xFFFFFFFF;
	(pc) =	sbr.abs _section_cstart, $3  }
0xc0: {  	[dreg:$0x1] =	wrdreg $0xFFFFFFFF  }
0xc1: {  	_ =	task.clear_ibuf [dreg:s6], $0x2FFFF;
	_ =	strace $0x9FFFFFFF  }
0xc2: {  	(tm) =	ssettm $0x7FFFFFFF  }
0xc3: {  	_ =	shalt  }
tec
execute0_lowered:
.L_overlay_start_1:
0x0: {  	(tag) =	ssettag $0x1  }
0x1: {  	s4 =	rddreg [dreg:$0x0]  }
0x2: {  	s2 =	rddreg [dreg:$0x1]  }
0x3: {  	s0 =	rddreg [dreg:$0x2];
	s5 =	srdreg.scid  }
0x4: {  	s1 =	stileid.u32;
	s3 =	simm.s32 $0x0;
	s10 =	simm.s32 $0x50  }
0x5: {  	s11 =	simm.s32 $0x4000;
	s12 =	simm.s32 $0x80;
	s13 =	simm.s32 $0x2  }
0x6: {  	s14 =	simm.s32 $0x1;
	s17 =	simm.s32 $0x20;
	s18 =	simm.s32 $0x10  }
0x7: {  	s19 =	simm.s32 $0x0;
	s5 =	sand.u32 $0x1, s5;
	s6 =	smul.u32 $0x500, s1  }
0x8: {  	[smem:$0x7FF] =	sst s3;
	s28 =	smul.u32 $0xA00, s1;
	s30 =	sshll.u32 s1, $0xC  }
0x9: {  	s15 =	sshll.u32 s1, $0x6;
	s7 =	sshll.u32 s5, $0x7;
	_ =	strace $0x80000047  }
0xa: {  	s8 =	sshll.u32 s5, $0xB;
	s29 =	ssub.s32 $0x2, s5;
	s15 =	sor.u32 $0x1C03, s15  }
0xb: {  	s6 =	sor.u32 s7, s6;
	s26 =	sadd.s32 s8, s4;
	s9 =	sshrl.u32 s29, $0x1  }
0xc: {  	s8 =	sshrl.u32 s28, $0x2;
	s6 =	sshrl.u32 s6, $0x3;
	s5 =	sadd.s32 s30, s26  }
0xd: {  	s31 =	ssub.s32 s29, s9;
	s9 =	simm.s32 $0x3;
	s6 =	sadd.s32 s6, s4  }
0xe: {  	s4 =	sadd.s32 s8, s2;
	s5 =	sadd.s32 $0x2400, s5;
	s7 =	smax.u32 s31, $0x1  }
0xf: {  	v0 =	vimm.f32 $0.0e+00;
	v1 =	vimm.f32 $1.000000000e+00;
	s8 =	simm.s32 $0x4080;
	s6 =	sadd.s32 $0x12400, s6;
	s16 =	sshrl.u32 s4, $0x3  }
.LBB2_1:
0x10: {  	[tilespmem:$0x4080] =	vst v0  }
0x11: {  	[tilespmem:$0x4090] =	vst v0  }
0x12: {  	[tilespmem:$0x40A0] =	vst v0  }
0x13: {  	[tilespmem:$0x40B0] =	vst v0  }
0x14: {  	[tilespmem:$0x40C0] =	vst v0  }
0x15: {  	[tilespmem:$0x40D0] =	vst v0  }
0x16: {  	[tilespmem:$0x40E0] =	vst v0  }
0x17: {  	[tilespmem:$0x40F0] =	vst v0  }
0x18: {  	[tilespmem:$0x4100] =	vst v0  }
0x19: {  	[tilespmem:$0x4110] =	vst v0  }
0x1a: {  	[tilespmem:$0x4120] =	vst v0  }
0x1b: {  	[tilespmem:$0x4130] =	vst v0  }
0x1c: {  	[tilespmem:$0x4140] =	vst v0  }
0x1d: {  	[tilespmem:$0x4150] =	vst v0  }
0x1e: {  	[tilespmem:$0x4160] =	vst v0  }
0x1f: {  	[tilespmem:$0x4170] =	vst v0  }
0x20: {  	[tilespmem:$0x4180] =	vst v0  }
0x21: {  	[tilespmem:$0x4190] =	vst v0  }
0x22: {  	[tilespmem:$0x41A0] =	vst v0  }
0x23: {  	[tilespmem:$0x41B0] =	vst v0  }
0x24: {  	[tilespmem:$0x41C0] =	vst v0  }
0x25: {  	[tilespmem:$0x41D0] =	vst v0  }
0x26: {  	[tilespmem:$0x41E0] =	vst v0  }
0x27: {  	[tilespmem:$0x41F0] =	vst v0  }
0x28: {  	[tilespmem:$0x4200] =	vst v0  }
0x29: {  	[tilespmem:$0x4210] =	vst v0  }
0x2a: {  	[tilespmem:$0x4220] =	vst v0  }
0x2b: {  	[tilespmem:$0x4230] =	vst v0  }
0x2c: {  	[tilespmem:$0x4240] =	vst v0  }
0x2d: {  	[tilespmem:$0x4250] =	vst v0  }
0x2e: {  	[tilespmem:$0x4260] =	vst v0  }
0x2f: {  	[tilespmem:$0x4270] =	vst v0  }
0x30: {  	[tilespmem:$0x4280] =	vst v0  }
0x31: {  	[tilespmem:$0x4290] =	vst v0  }
0x32: {  	[tilespmem:$0x42A0] =	vst v0  }
0x33: {  	[tilespmem:$0x42B0] =	vst v0  }
0x34: {  	[tilespmem:$0x42C0] =	vst v0  }
0x35: {  	[tilespmem:$0x42D0] =	vst v0  }
0x36: {  	[tilespmem:$0x42E0] =	vst v0  }
0x37: {  	[tilespmem:$0x42F0] =	vst v0  }
0x38: {  	[tilespmem:$0x4000] =	vst v1  }
0x39: {  	[tilespmem:$0x4010] =	vst v1  }
0x3a: {  	[tilespmem:$0x4020] =	vst v1  }
0x3b: {  	[tilespmem:$0x4030] =	vst v1  }
0x3c: {  	[tilespmem:$0x4040] =	vst v1  }
0x3d: {  	[spmem:s4] =	stream.linear.scatter [tilespmem:s8], [sflag:$0x3], $0x280, $0x38;
	[tilespmem:$0x4580] =	vst v63  }
0x3e: {  	_ =	swait.ge [sflag:s9], $0x280  }
0x3f: {  	[sflag:s9] =	ssyncset.done $0x0  }
0x40: {  	[sflag:s9] =	ssyncadd.s32 $0xFFFFFD80  }
0x41: {  	[tilespmem:s3], [sflag:$0x3] =	stream.linear.gather [hbm4b:s5+s3], $0x3E80, $0x38;
	[tilespmem:$0x4580] =	vst v63  }
0x42: {  	_ =	swait.ge [sflag:s9], $0x3E80  }
0x43: {  	[sflag:s9] =	ssyncset.done $0x0  }
0x44: {  	[sflag:s9] =	ssyncadd.s32 $0xFFFFC180  }
0x45: {  	s20 =	sand.u32 $0x1, s13;
	[bflag:$0x0] =	sbarrier.arrive $0xFFFF  }
0x46: {  	[spmem:s2] =	stream.indirect.scatter.add.f32 [tilespmem:s11], [sflag:$0x1], $0x1, s3, s10, $0xb8;
	[tilespmem:$0x4580] =	vst v63  }
0x47: {  	s21 =	sadd.s32 $0x1, s20  }
0x48: {  	[spmem:s2] =	stream.indirect.scatter.add.f32 [tilespmem:s11], [sflag:$0x2], $0x1, s12, s10, $0xb8;
	[tilespmem:$0x4580] =	vst v63  }
0x49: {  	_ =	swait.ge [sflag:s21], $0x50  }
0x4a: {  	s22 =	simm.s32 $0x3;
	[sflag:s21] =	ssyncset.done $0x0  }
0x4b: {  	s20 =	simm.s32 $0x100;
	s22 =	sand.u32 $0x1, s22;
	[sflag:s21] =	ssyncadd.s32 $0xFFFFFFB0  }
0x4c: {  	[spmem:s2] =	stream.indirect.scatter.add.f32 [tilespmem:s11], [sflag:s21], $0x1, s20, s10, $0xb8;
	[tilespmem:$0x4580] =	vst v63  }
0x4d: {  	s21 =	sadd.s32 $0x1, s22  }
0x4e: {  	s22 =	simm.s32 $0x4;
	_ =	swait.ge [sflag:s21], $0x50  }
.LBB2_2:
0x4f: {  	s23 =	sand.u32 $0x1, s22  }
0x50: {  	[sflag:s21] =	ssyncset.done $0x0;
	s20 =	sadd.s32 $0x80, s20;
	p0 =	sne.s32 s22, $0x7C  }
.Ltmp0:
0x51: {  	s23 =	sadd.s32 $0x1, s23;
	[sflag:s21] =	ssyncadd.s32 $0xFFFFFFB0;
	(pc) =	sbr.rel @p0 .LBB2_2-.Ltmp0, $3  }
0x52: {  	[spmem:s2] =	stream.indirect.scatter.add.f32 [tilespmem:s11], [sflag:s21], $0x1, s20, s10, $0xb8;
	[tilespmem:$0x4580] =	vst v63  }
0x53: {  	s21 =	smov.u32 s23;
	_ =	swait.ge [sflag:s23], $0x50;
	_ =	sdelay $0x1  }
0x54: {  	s22 =	sadd.s32 $0x1, s22  }
0x55: {  	[sflag:s21] =	ssyncset.done $0x0  }
0x56: {  	s20 =	sadd.s32 $0x80, s20;
	[sflag:s21] =	ssyncadd.s32 $0xFFFFFFB0  }
0x57: {  	[spmem:s2] =	stream.indirect.scatter.add.f32 [tilespmem:s11], [sflag:s21], $0x1, s20, s10, $0xb8;
	[tilespmem:$0x4580] =	vst v63  }
0x58: {  	_ =	swait.ge [sflag:s13], $0x50  }
0x59: {  	[sflag:s13] =	ssyncset.done $0x0  }
0x5a: {  	[sflag:s13] =	ssyncadd.s32 $0xFFFFFFB0  }
0x5b: {  	_ =	swait.ge [sflag:s14], $0x50  }
0x5c: {  	s19 =	sadd.s32 $0x1, s19;
	[sflag:s14] =	ssyncset.done $0x0  }
0x5d: {  	p0 =	sne.s32 s19, s7;
	[sflag:s14] =	ssyncadd.s32 $0xFFFFFFB0  }
.Ltmp1:
0x5e: {  	[bflag:$0x0] =	sbarrier.arrive $0xFFFF;
	(pc) =	sbr.rel @p0 .LBB2_1-.Ltmp1, $4  }
0x5f: {  	[hbm:s6@s17], [sflag:s15] =	dma.strided [spmem:s16@s18], $0x50, s14, $0x10   }
0x60: {  	_ =	swait.ge [sflag:s9], $0x50  }
0x61: {  	[sflag:s9] =	ssyncset.done $0x0  }
0x62: {  	[sflag:s9] =	ssyncadd.s32 $0xFFFFFFB0  }
0x63: {  	_ =	sfence.sel $0x180000  }
0x64: {  	[bflag:$0x0] =	sbarrier.arrive $0xFFFF  }
0x65: {  	p0 =	sne.s32 s1, $0x0;
	_ =	strace $0x90000047  }
0x66: {  	s0 =	sadd.s32 @!p0 $0x100000, s0;
	[bflag:$0x2] =	sbarrier.arrive $0xFFFF  }
0x67: {  	[sflag:s0] =	ssyncadd.tile.s32 @!p0 $0x1;
	_ =	shalt  }
.Lfunc_end2:
_tile_overlayer_lowered:
.L_overlay_start_2:
0x68: {  	(tag) =	ssettag $0x2  }
0x69: {  	s0 =	rddreg [dreg:$0x0];
	s2 =	stileid.u32  }
0x6a: {  	s1 =	rddreg [dreg:$0x1];
	p0 =	sne.s32 s2, $0x0  }
0x6b: {  	s3 =	rddreg [dreg:$0x2];
	[bflag:$0x3] =	sbarrier.arrive $0xFFFF;
	s2 =	simm.s32 @!p0 $0x1C03  }
0x6c: {  	[timem:s3], [sflag:s2] =	dma.local @!p0 [hbm:s0], s1  }
0x6d: {  	s0 =	simm.s32 @!p0 $0x3  }
0x6e: {  	_ =	swait.ge @!p0 [sflag:s0], s1  }
0x6f: {  	s1 =	ssub.s32 @!p0 $0x0, s1;
	[sflag:s0] =	ssyncset.done @!p0 $0x0  }
0x70: {  	[sflag:s0] =	ssyncadd.s32 @!p0 s1  }
0x71: {  	[bflag:$0x3] =	sbarrier.arrive $0xFFFF  }
0x72: {  	_ =	shalt  }

</sc_bundles>
